<compile_context>
chip_gen: v7x
topology: tpu7x:2x2x1
jax: 0.10.2.dev20260603
libtpu: 0.0.44.dev20260713+nightly
codegen_flags: <defaults>
</compile_context>

<pallas_src>
import jax
import jax.numpy as jnp
from jax import lax
from jax.experimental import pallas as pl
from jax.experimental.pallas import tpu as pltpu
from jax.experimental.pallas import tpu_sc as plsc

N = 10000
E = 320000
D_IN = 128
D_E = 16
H = 64
L = 3
G = 64

NC = 2
NS = 16
NW = NC * NS
N8 = 10240
NR = N8 // 128
Ep = 327680
CE = 8192
NCH = Ep // CE
CER = CE // 128
ER = Ep // 128
GPC = CE // 16

BEB = 20480
NBE = Ep // BEB
BER = BEB // 128


def _sc_body(ht_hbm, ea_hbm, pidx_hbm, out_hbm,
             hcol0, hcol1, agg0, agg1, pb0, pb1, eb0, eb1,
             psem0, psem1, esem0, esem1):
    cid = lax.axis_index("c")
    sid = lax.axis_index("s")
    wid = sid * NC + cid
    hcols = (hcol0, hcol1)
    aggs = (agg0, agg1)
    bufs = ((pb0, eb0, psem0, esem0), (pb1, eb1, psem1, esem1))

    pltpu.sync_copy(ht_hbm.at[pl.ds((wid * 2) * N8, N8)], hcol0)
    pltpu.sync_copy(ht_hbm.at[pl.ds((wid * 2 + 1) * N8, N8)], hcol1)

    def _zrow(r, c):
        sl = pl.ds(r * 16, 16)
        agg0[sl] = jnp.zeros((16,), jnp.float32)
        agg1[sl] = jnp.zeros((16,), jnp.float32)
        return c

    lax.fori_loop(0, N8 // 16, _zrow, 0, unroll=8)

    def _issue(g, p):
        pb, eb, psem, esem = bufs[p]
        pltpu.async_copy(pidx_hbm.at[pl.ds(g * CE, CE)], pb, psem)
        pltpu.async_copy(ea_hbm.at[wid, :, pl.ds(g * CER, CER), :], eb, esem)

    def _process(g, p):
        pb, eb, psem, esem = bufs[p]
        pltpu.make_async_copy(pidx_hbm.at[pl.ds(g * CE, CE)], pb, psem).wait()
        pltpu.make_async_copy(
            ea_hbm.at[wid, :, pl.ds(g * CER, CER), :], eb, esem).wait()

        @plsc.parallel_loop(0, GPC, unroll=4)
        def _group(i):
            p16 = pb[pl.ds(i * 16, 16)]
            sv = lax.shift_right_logical(p16, 14)
            dv = jnp.bitwise_and(p16, 16383)
            erow = i // 8
            elane = (i % 8) * 16
            for c in range(2):
                hv = plsc.load_gather(hcols[c], [sv])
                eav = eb[c, erow, pl.ds(elane, 16)]
                m = jnp.maximum(hv + eav, 0.0)
                plsc.addupdate_scatter(aggs[c], [dv], m)

    _issue(0, 0)
    _issue(1, 1)

    def _pair(it, c):
        g0 = 2 * it
        _process(g0, 0)

        @pl.when(g0 + 2 < NCH)
        def _():
            _issue(g0 + 2, 0)

        _process(g0 + 1, 1)

        @pl.when(g0 + 3 < NCH)
        def _():
            _issue(g0 + 3, 1)

        return c

    lax.fori_loop(0, NCH // 2, _pair, 0)

    plsc.subcore_barrier()
    pltpu.sync_copy(agg0, out_hbm.at[pl.ds((wid * 2) * N8, N8)])
    pltpu.sync_copy(agg1, out_hbm.at[pl.ds((wid * 2 + 1) * N8, N8)])


_sc_layer = pl.kernel(
    _sc_body,
    out_type=jax.ShapeDtypeStruct((NW * 2 * N8,), jnp.float32),
    mesh=plsc.VectorSubcoreMesh(
        core_axis_name="c", subcore_axis_name="s",
        num_cores=NC, num_subcores=NS),
    compiler_params=pltpu.CompilerParams(needs_layout_passes=False),
    scratch_types=[
        pltpu.VMEM((N8,), jnp.float32),
        pltpu.VMEM((N8,), jnp.float32),
        pltpu.VMEM((N8,), jnp.float32),
        pltpu.VMEM((N8,), jnp.float32),
        pltpu.VMEM((CE,), jnp.int32),
        pltpu.VMEM((CE,), jnp.int32),
        pltpu.VMEM((2, CER, 128), jnp.float32),
        pltpu.VMEM((2, CER, 128), jnp.float32),
        pltpu.SemaphoreType.DMA,
        pltpu.SemaphoreType.DMA,
        pltpu.SemaphoreType.DMA,
        pltpu.SemaphoreType.DMA,
    ],
)


def _to_cols(hmat):
    hp = jnp.concatenate(
        [hmat, jnp.zeros((N8 - N, H), jnp.float32)], axis=0)
    return jnp.transpose(hp).reshape(H * N8)


def _node_proj_body(x_ref, w_ref, b_ref, h_ref, ht_ref):
    h = (jnp.dot(x_ref[...], w_ref[...], preferred_element_type=jnp.float32)
         + b_ref[...])
    h_ref[...] = h
    ht_ref[...] = _to_cols(h)


_node_proj = pl.pallas_call(
    _node_proj_body,
    out_shape=[
        jax.ShapeDtypeStruct((N, H), jnp.float32),
        jax.ShapeDtypeStruct((H * N8,), jnp.float32),
    ],
)


def _edge_proj_body(x_ref, w_ref, b_ref, o_ref):
    z = (jnp.dot(x_ref[...], w_ref[...], preferred_element_type=jnp.float32)
         + b_ref[...])
    o_ref[...] = jnp.transpose(z).reshape(NW, 2, BER, 128)


_edge_proj = pl.pallas_call(
    _edge_proj_body,
    grid=(NBE,),
    in_specs=[
        pl.BlockSpec((BEB, D_E), lambda i: (i, 0)),
        pl.BlockSpec((D_E, H), lambda i: (0, 0)),
        pl.BlockSpec((1, H), lambda i: (0, 0)),
    ],
    out_specs=pl.BlockSpec((NW, 2, BER, 128), lambda i: (0, 0, i, 0)),
    out_shape=jax.ShapeDtypeStruct((NW, 2, ER, 128), jnp.float32),
)


def _layer_core(h_ref, agg_ref, w1_ref, b1_ref, w2_ref, b2_ref, g_ref, b_ref):
    agg = jnp.transpose(agg_ref[...].reshape(H, N8))[:N, :]
    z = h_ref[...] + agg
    z = jnp.maximum(
        jnp.dot(z, w1_ref[...], preferred_element_type=jnp.float32) + b1_ref[...],
        0.0,
    )
    z = jnp.dot(z, w2_ref[...], preferred_element_type=jnp.float32) + b2_ref[...]
    m = jnp.mean(z, axis=0, keepdims=True)
    zc = z - m
    var = jnp.mean(zc * zc, axis=0, keepdims=True)
    inv = g_ref[...] * lax.rsqrt(var + 1e-5)
    return jnp.maximum(zc * inv + b_ref[...], 0.0)


def _layer_body(h_ref, agg_ref, w1_ref, b1_ref, w2_ref, b2_ref, g_ref, b_ref,
                o_ref, ot_ref):
    hb = _layer_core(h_ref, agg_ref, w1_ref, b1_ref, w2_ref, b2_ref,
                     g_ref, b_ref)
    o_ref[...] = hb
    ot_ref[...] = _to_cols(hb)


_layer_tc = pl.pallas_call(
    _layer_body,
    out_shape=[
        jax.ShapeDtypeStruct((N, H), jnp.float32),
        jax.ShapeDtypeStruct((H * N8,), jnp.float32),
    ],
)


def _layer_pool_body(h_ref, agg_ref, w1_ref, b1_ref, w2_ref, b2_ref,
                     g_ref, b_ref, bat_ref, o_ref, emb_ref):
    hb = _layer_core(h_ref, agg_ref, w1_ref, b1_ref, w2_ref, b2_ref,
                     g_ref, b_ref)
    o_ref[...] = hb
    ids = bat_ref[0, :]
    onehot = (ids[:, None]
              == lax.broadcasted_iota(jnp.int32, (N, G), 1)).astype(jnp.float32)
    sums = lax.dot_general(
        onehot, hb, (((0,), (0,)), ((), ())), preferred_element_type=jnp.float32)
    cnt = jnp.sum(onehot, axis=0)[:, None]
    emb_ref[...] = sums / jnp.maximum(cnt, 1.0)


_layer_pool_tc = pl.pallas_call(
    _layer_pool_body,
    out_shape=[
        jax.ShapeDtypeStruct((N, H), jnp.float32),
        jax.ShapeDtypeStruct((G, H), jnp.float32),
    ],
)


def kernel(x, edge_attr, node_W, node_b, edge_W, edge_b,
           mlp_W1, mlp_b1, mlp_W2, mlp_b2, bn_g, bn_b, edge_index, batch):
    pad = Ep - E
    srcp = jnp.concatenate([edge_index[0], jnp.zeros((pad,), jnp.int32)])
    dstp = jnp.concatenate(
        [edge_index[1], jnp.full((pad,), 10200, jnp.int32)])
    pidx = jnp.bitwise_or(jnp.left_shift(srcp, 14), dstp)
    eap = jnp.concatenate(
        [edge_attr, jnp.zeros((pad, D_E), jnp.float32)], axis=0)
    batch2 = batch.reshape(1, N)

    h, ht = _node_proj(x, node_W, node_b.reshape(1, H))
    ea4 = _edge_proj(eap, edge_W, edge_b.reshape(1, H))

    emb = None
    for l in range(L):
        agg1d = _sc_layer(ht, ea4, pidx)
        args = (h, agg1d, mlp_W1[l], mlp_b1[l].reshape(1, H),
                mlp_W2[l], mlp_b2[l].reshape(1, H),
                bn_g[l].reshape(1, H), bn_b[l].reshape(1, H))
        if l < L - 1:
            h, ht = _layer_tc(*args)
        else:
            h, emb = _layer_pool_tc(*args, batch2)
    return (h, emb)

# --- scband reference (transcript-rebuilt; emitter-appended) ---
"""Pipeline reference for scband-gnnencoder-11416023073365 (READ-ONLY COPY).

The authoritative reference and input builder live on the scoring server;
editing this copy changes nothing except your own understanding.
"""

import jax, jax.numpy as jnp
import numpy as np

N = 10000
E = 320000
D_IN = 128
D_E = 16
H = 64
L = 3
G = 64


def setup_inputs(seed: int = 0) -> dict:
    key = jax.random.key(seed)
    ks = jax.random.split(key, 16)
    x = jax.random.normal(ks[0], (N, D_IN), dtype=jnp.float32)
    edge_attr = jax.random.normal(ks[1], (E, D_E), dtype=jnp.float32)
    edge_index = jax.random.randint(ks[2], (2, E), 0, N, dtype=jnp.int32)
    batch = jnp.sort(jax.random.randint(ks[3], (N,), 0, G, dtype=jnp.int32))
    node_W = 0.05 * jax.random.normal(ks[4], (D_IN, H), dtype=jnp.float32)
    node_b = jnp.zeros((H,), dtype=jnp.float32)
    edge_W = 0.05 * jax.random.normal(ks[5], (D_E, H), dtype=jnp.float32)
    edge_b = jnp.zeros((H,), dtype=jnp.float32)
    mlp_W1 = 0.05 * jax.random.normal(ks[6], (L, H, H), dtype=jnp.float32)
    mlp_b1 = jnp.zeros((L, H), dtype=jnp.float32)
    mlp_W2 = 0.05 * jax.random.normal(ks[7], (L, H, H), dtype=jnp.float32)
    mlp_b2 = jnp.zeros((L, H), dtype=jnp.float32)
    bn_g = jnp.ones((L, H), dtype=jnp.float32)
    bn_b = jnp.zeros((L, H), dtype=jnp.float32)
    return {
        'x': x, 'edge_attr': edge_attr,
        'node_W': node_W, 'node_b': node_b,
        'edge_W': edge_W, 'edge_b': edge_b,
        'mlp_W1': mlp_W1, 'mlp_b1': mlp_b1,
        'mlp_W2': mlp_W2, 'mlp_b2': mlp_b2,
        'bn_g': bn_g, 'bn_b': bn_b,
        'edge_index': edge_index, 'batch': batch,
    }


def reference(x, edge_attr, node_W, node_b, edge_W, edge_b,
              mlp_W1, mlp_b1, mlp_W2, mlp_b2, bn_g, bn_b,
              edge_index, batch):
    # node_proj / edge_proj
    h = x @ node_W + node_b
    ea = edge_attr @ edge_W + edge_b
    src = edge_index[0]
    dst = edge_index[1]
    for l in range(L):
        # GINEConv: message = relu(x_j + edge_attr), sum-aggregate at dst, out = mlp((1+eps)*x + aggr), eps=0
        msg = jax.nn.relu(h[src] + ea)
        agg = jax.ops.segment_sum(msg, dst, num_segments=N)
        z = h + agg
        z = jax.nn.relu(z @ mlp_W1[l] + mlp_b1[l]) @ mlp_W2[l] + mlp_b2[l]
        # BatchNorm1d (training-mode batch statistics, eps=1e-5)
        mean = jnp.mean(z, axis=0)
        var = jnp.var(z, axis=0)
        z = (z - mean) / jnp.sqrt(var + 1e-5) * bn_g[l] + bn_b[l]
        h = jax.nn.relu(z)
        # dropout is identity in eval / deterministic reference
    sums = jax.ops.segment_sum(h, batch, num_segments=G)
    cnt = jax.ops.segment_sum(jnp.ones((N, 1), dtype=h.dtype), batch, num_segments=G)
    graph_emb = sums / jnp.maximum(cnt, 1.0)
    return (h, graph_emb)

if __name__ == "__main__":
    import jax
    _d = setup_inputs()
    print(jax.jit(kernel)(*tuple(_d.values())))

</pallas_src>

<mosaic_0001>
#map = affine_map<(d0, d1) -> (0)>
#map1 = affine_map<(d0, d1) -> (0, 0, 0, 0)>
module attributes {stable_mosaic.version = 14 : i64} {
  func.func @_sc_body(%arg0: i32, %arg1: i32, %arg2: memref<655360xf32, #tpu.memory_space<hbm>>, %arg3: memref<32x2x2560x128xf32, #tpu.memory_space<hbm>>, %arg4: memref<327680xi32, #tpu.memory_space<hbm>>, %arg5: memref<655360xf32, #tpu.memory_space<hbm>>, %arg6: memref<10240xf32, #tpu.memory_space<vmem>>, %arg7: memref<10240xf32, #tpu.memory_space<vmem>>, %arg8: memref<10240xf32, #tpu.memory_space<vmem>>, %arg9: memref<10240xf32, #tpu.memory_space<vmem>>, %arg10: memref<8192xi32, #tpu.memory_space<vmem>>, %arg11: memref<8192xi32, #tpu.memory_space<vmem>>, %arg12: memref<2x64x128xf32, #tpu.memory_space<vmem>>, %arg13: memref<2x64x128xf32, #tpu.memory_space<vmem>>, %arg14: memref<!tpu.dma_semaphore, #tpu.memory_space<semaphore_mem>>, %arg15: memref<!tpu.dma_semaphore, #tpu.memory_space<semaphore_mem>>, %arg16: memref<!tpu.dma_semaphore, #tpu.memory_space<semaphore_mem>>, %arg17: memref<!tpu.dma_semaphore, #tpu.memory_space<semaphore_mem>>) attributes {dimension_semantics = [#tpu.dimension_semantics<core_parallel>, #tpu.dimension_semantics<subcore_parallel>], iteration_bounds = array<i64: 2, 16>, scalar_prefetch = 0 : i64, scratch_operands = 12 : i64, tpu.core_type = #tpu.core_type<sc_vector_subcore>, window_params = [{transform_indices = #map}, {transform_indices = #map1}, {transform_indices = #map}, {transform_indices = #map}]} {
    %mul3A = arith.constant 2 : i32
    %mul3A_0 = arith.muli %arg1, %mul3A : i32
    %add3A = arith.addi %mul3A_0, %arg0 : i32
    %mul3A_1 = arith.constant 2 : i32
    %mul3A_2 = arith.muli %add3A, %mul3A_1 : i32
    %mul3A_3 = arith.constant 10240 : i32
    %mul3A_4 = arith.muli %mul3A_2, %mul3A_3 : i32
    "tpu.region"() ({
      %run_scoped3A = tpu.sem_alloc : memref<!tpu.dma_semaphore, #tpu.memory_space<semaphore_mem>>
      %dma_start3A_59 = tpu.memref_slice %arg2[%mul3A_4] : memref<655360xf32, #tpu.memory_space<hbm>> -> memref<10240xf32, #tpu.memory_space<hbm>>
      %dma_start3A_60 = tpu.memref_slice %arg2[%mul3A_4] : memref<655360xf32, #tpu.memory_space<hbm>> -> memref<10240xf32, #tpu.memory_space<hbm>>
      tpu.enqueue_dma source(%dma_start3A_60 : memref<10240xf32, #tpu.memory_space<hbm>>) target(%arg6 : memref<10240xf32, #tpu.memory_space<vmem>>) target_semaphore(%run_scoped3A : memref<!tpu.dma_semaphore, #tpu.memory_space<semaphore_mem>>)
      %dma_wait3A = tpu.memref_slice %arg2[%mul3A_4] : memref<655360xf32, #tpu.memory_space<hbm>> -> memref<10240xf32, #tpu.memory_space<hbm>>
      %dma_wait3A_61 = tpu.memref_slice %arg2[%mul3A_4] : memref<655360xf32, #tpu.memory_space<hbm>> -> memref<10240xf32, #tpu.memory_space<hbm>>
      tpu.wait_dma2 semaphore(%run_scoped3A : memref<!tpu.dma_semaphore, #tpu.memory_space<semaphore_mem>>) src(%dma_wait3A_61 : memref<10240xf32, #tpu.memory_space<hbm>>) dst(%arg6 : memref<10240xf32, #tpu.memory_space<vmem>>)
      tpu.yield
    }) : () -> ()
    %mul3A_5 = arith.constant 2 : i32
    %mul3A_6 = arith.muli %add3A, %mul3A_5 : i32
    %add3A_7 = arith.constant 1 : i32
    %add3A_8 = arith.addi %mul3A_6, %add3A_7 : i32
    %mul3A_9 = arith.constant 10240 : i32
    %mul3A_10 = arith.muli %add3A_8, %mul3A_9 : i32
    "tpu.region"() ({
      %run_scoped3A = tpu.sem_alloc : memref<!tpu.dma_semaphore, #tpu.memory_space<semaphore_mem>>
      %dma_start3A_59 = tpu.memref_slice %arg2[%mul3A_10] : memref<655360xf32, #tpu.memory_space<hbm>> -> memref<10240xf32, #tpu.memory_space<hbm>>
      %dma_start3A_60 = tpu.memref_slice %arg2[%mul3A_10] : memref<655360xf32, #tpu.memory_space<hbm>> -> memref<10240xf32, #tpu.memory_space<hbm>>
      tpu.enqueue_dma source(%dma_start3A_60 : memref<10240xf32, #tpu.memory_space<hbm>>) target(%arg7 : memref<10240xf32, #tpu.memory_space<vmem>>) target_semaphore(%run_scoped3A : memref<!tpu.dma_semaphore, #tpu.memory_space<semaphore_mem>>)
      %dma_wait3A = tpu.memref_slice %arg2[%mul3A_10] : memref<655360xf32, #tpu.memory_space<hbm>> -> memref<10240xf32, #tpu.memory_space<hbm>>
      %dma_wait3A_61 = tpu.memref_slice %arg2[%mul3A_10] : memref<655360xf32, #tpu.memory_space<hbm>> -> memref<10240xf32, #tpu.memory_space<hbm>>
      tpu.wait_dma2 semaphore(%run_scoped3A : memref<!tpu.dma_semaphore, #tpu.memory_space<semaphore_mem>>) src(%dma_wait3A_61 : memref<10240xf32, #tpu.memory_space<hbm>>) dst(%arg7 : memref<10240xf32, #tpu.memory_space<vmem>>)
      tpu.yield
    }) : () -> ()
    %scan3A = arith.constant 0 : i32
    %scan3A_11 = arith.constant 0 : i32
    %scan3A_12 = arith.constant 640 : i32
    %scan3A_13 = arith.addi %scan3A_11, %scan3A_12 : i32
    %scan3A_14 = arith.constant 8 : i32
    scf.for %scan3A_59 = %scan3A_11 to %scan3A_13 step %scan3A_14  : i32 {
      %mul3A_60 = arith.constant 16 : i32
      %mul3A_61 = arith.muli %scan3A_59, %mul3A_60 : i32
      %broadcast_in_dim3A = arith.constant 0.000000e+00 : f32
      %broadcast_in_dim3A_62 = vector.broadcast %broadcast_in_dim3A : f32 to vector<16xf32>
      %swap3A = arith.index_cast %mul3A_61 : i32 to index
      %swap3A_63 = tpu.vector_load %arg8[%swap3A] {strides = array<i32>} : memref<10240xf32, #tpu.memory_space<vmem>>, vector<16xf32>,
      tpu.vector_store %arg8[%swap3A], %broadcast_in_dim3A_62 {strides = array<i32>} : memref<10240xf32, #tpu.memory_space<vmem>>, vector<16xf32>,
      %broadcast_in_dim3A_64 = arith.constant 0.000000e+00 : f32
      %broadcast_in_dim3A_65 = vector.broadcast %broadcast_in_dim3A_64 : f32 to vector<16xf32>
      %swap3A_66 = arith.index_cast %mul3A_61 : i32 to index
      %swap3A_67 = tpu.vector_load %arg9[%swap3A_66] {strides = array<i32>} : memref<10240xf32, #tpu.memory_space<vmem>>, vector<16xf32>,
      tpu.vector_store %arg9[%swap3A_66], %broadcast_in_dim3A_65 {strides = array<i32>} : memref<10240xf32, #tpu.memory_space<vmem>>, vector<16xf32>,
      %scan3A_68 = arith.constant 1 : i32
      %scan3A_69 = arith.addi %scan3A_59, %scan3A_68 : i32
      %mul3A_70 = arith.constant 16 : i32
      %mul3A_71 = arith.muli %scan3A_69, %mul3A_70 : i32
      %broadcast_in_dim3A_72 = arith.constant 0.000000e+00 : f32
      %broadcast_in_dim3A_73 = vector.broadcast %broadcast_in_dim3A_72 : f32 to vector<16xf32>
      %swap3A_74 = arith.index_cast %mul3A_71 : i32 to index
      %swap3A_75 = tpu.vector_load %arg8[%swap3A_74] {strides = array<i32>} : memref<10240xf32, #tpu.memory_space<vmem>>, vector<16xf32>,
      tpu.vector_store %arg8[%swap3A_74], %broadcast_in_dim3A_73 {strides = array<i32>} : memref<10240xf32, #tpu.memory_space<vmem>>, vector<16xf32>,
      %broadcast_in_dim3A_76 = arith.constant 0.000000e+00 : f32
      %broadcast_in_dim3A_77 = vector.broadcast %broadcast_in_dim3A_76 : f32 to vector<16xf32>
      %swap3A_78 = arith.index_cast %mul3A_71 : i32 to index
      %swap3A_79 = tpu.vector_load %arg9[%swap3A_78] {strides = array<i32>} : memref<10240xf32, #tpu.memory_space<vmem>>, vector<16xf32>,
      tpu.vector_store %arg9[%swap3A_78], %broadcast_in_dim3A_77 {strides = array<i32>} : memref<10240xf32, #tpu.memory_space<vmem>>, vector<16xf32>,
      %scan3A_80 = arith.constant 2 : i32
      %scan3A_81 = arith.addi %scan3A_59, %scan3A_80 : i32
      %mul3A_82 = arith.constant 16 : i32
      %mul3A_83 = arith.muli %scan3A_81, %mul3A_82 : i32
      %broadcast_in_dim3A_84 = arith.constant 0.000000e+00 : f32
      %broadcast_in_dim3A_85 = vector.broadcast %broadcast_in_dim3A_84 : f32 to vector<16xf32>
      %swap3A_86 = arith.index_cast %mul3A_83 : i32 to index
      %swap3A_87 = tpu.vector_load %arg8[%swap3A_86] {strides = array<i32>} : memref<10240xf32, #tpu.memory_space<vmem>>, vector<16xf32>,
      tpu.vector_store %arg8[%swap3A_86], %broadcast_in_dim3A_85 {strides = array<i32>} : memref<10240xf32, #tpu.memory_space<vmem>>, vector<16xf32>,
      %broadcast_in_dim3A_88 = arith.constant 0.000000e+00 : f32
      %broadcast_in_dim3A_89 = vector.broadcast %broadcast_in_dim3A_88 : f32 to vector<16xf32>
      %swap3A_90 = arith.index_cast %mul3A_83 : i32 to index
      %swap3A_91 = tpu.vector_load %arg9[%swap3A_90] {strides = array<i32>} : memref<10240xf32, #tpu.memory_space<vmem>>, vector<16xf32>,
      tpu.vector_store %arg9[%swap3A_90], %broadcast_in_dim3A_89 {strides = array<i32>} : memref<10240xf32, #tpu.memory_space<vmem>>, vector<16xf32>,
      %scan3A_92 = arith.constant 3 : i32
      %scan3A_93 = arith.addi %scan3A_59, %scan3A_92 : i32
      %mul3A_94 = arith.constant 16 : i32
      %mul3A_95 = arith.muli %scan3A_93, %mul3A_94 : i32
      %broadcast_in_dim3A_96 = arith.constant 0.000000e+00 : f32
      %broadcast_in_dim3A_97 = vector.broadcast %broadcast_in_dim3A_96 : f32 to vector<16xf32>
      %swap3A_98 = arith.index_cast %mul3A_95 : i32 to index
      %swap3A_99 = tpu.vector_load %arg8[%swap3A_98] {strides = array<i32>} : memref<10240xf32, #tpu.memory_space<vmem>>, vector<16xf32>,
      tpu.vector_store %arg8[%swap3A_98], %broadcast_in_dim3A_97 {strides = array<i32>} : memref<10240xf32, #tpu.memory_space<vmem>>, vector<16xf32>,
      %broadcast_in_dim3A_100 = arith.constant 0.000000e+00 : f32
      %broadcast_in_dim3A_101 = vector.broadcast %broadcast_in_dim3A_100 : f32 to vector<16xf32>
      %swap3A_102 = arith.index_cast %mul3A_95 : i32 to index
      %swap3A_103 = tpu.vector_load %arg9[%swap3A_102] {strides = array<i32>} : memref<10240xf32, #tpu.memory_space<vmem>>, vector<16xf32>,
      tpu.vector_store %arg9[%swap3A_102], %broadcast_in_dim3A_101 {strides = array<i32>} : memref<10240xf32, #tpu.memory_space<vmem>>, vector<16xf32>,
      %scan3A_104 = arith.constant 4 : i32
      %scan3A_105 = arith.addi %scan3A_59, %scan3A_104 : i32
      %mul3A_106 = arith.constant 16 : i32
      %mul3A_107 = arith.muli %scan3A_105, %mul3A_106 : i32
      %broadcast_in_dim3A_108 = arith.constant 0.000000e+00 : f32
      %broadcast_in_dim3A_109 = vector.broadcast %broadcast_in_dim3A_108 : f32 to vector<16xf32>
      %swap3A_110 = arith.index_cast %mul3A_107 : i32 to index
      %swap3A_111 = tpu.vector_load %arg8[%swap3A_110] {strides = array<i32>} : memref<10240xf32, #tpu.memory_space<vmem>>, vector<16xf32>,
      tpu.vector_store %arg8[%swap3A_110], %broadcast_in_dim3A_109 {strides = array<i32>} : memref<10240xf32, #tpu.memory_space<vmem>>, vector<16xf32>,
      %broadcast_in_dim3A_112 = arith.constant 0.000000e+00 : f32
      %broadcast_in_dim3A_113 = vector.broadcast %broadcast_in_dim3A_112 : f32 to vector<16xf32>
      %swap3A_114 = arith.index_cast %mul3A_107 : i32 to index
      %swap3A_115 = tpu.vector_load %arg9[%swap3A_114] {strides = array<i32>} : memref<10240xf32, #tpu.memory_space<vmem>>, vector<16xf32>,
      tpu.vector_store %arg9[%swap3A_114], %broadcast_in_dim3A_113 {strides = array<i32>} : memref<10240xf32, #tpu.memory_space<vmem>>, vector<16xf32>,
      %scan3A_116 = arith.constant 5 : i32
      %scan3A_117 = arith.addi %scan3A_59, %scan3A_116 : i32
      %mul3A_118 = arith.constant 16 : i32
      %mul3A_119 = arith.muli %scan3A_117, %mul3A_118 : i32
      %broadcast_in_dim3A_120 = arith.constant 0.000000e+00 : f32
      %broadcast_in_dim3A_121 = vector.broadcast %broadcast_in_dim3A_120 : f32 to vector<16xf32>
      %swap3A_122 = arith.index_cast %mul3A_119 : i32 to index
      %swap3A_123 = tpu.vector_load %arg8[%swap3A_122] {strides = array<i32>} : memref<10240xf32, #tpu.memory_space<vmem>>, vector<16xf32>,
      tpu.vector_store %arg8[%swap3A_122], %broadcast_in_dim3A_121 {strides = array<i32>} : memref<10240xf32, #tpu.memory_space<vmem>>, vector<16xf32>,
      %broadcast_in_dim3A_124 = arith.constant 0.000000e+00 : f32
      %broadcast_in_dim3A_125 = vector.broadcast %broadcast_in_dim3A_124 : f32 to vector<16xf32>
      %swap3A_126 = arith.index_cast %mul3A_119 : i32 to index
      %swap3A_127 = tpu.vector_load %arg9[%swap3A_126] {strides = array<i32>} : memref<10240xf32, #tpu.memory_space<vmem>>, vector<16xf32>,
      tpu.vector_store %arg9[%swap3A_126], %broadcast_in_dim3A_125 {strides = array<i32>} : memref<10240xf32, #tpu.memory_space<vmem>>, vector<16xf32>,
      %scan3A_128 = arith.constant 6 : i32
      %scan3A_129 = arith.addi %scan3A_59, %scan3A_128 : i32
      %mul3A_130 = arith.constant 16 : i32
      %mul3A_131 = arith.muli %scan3A_129, %mul3A_130 : i32
      %broadcast_in_dim3A_132 = arith.constant 0.000000e+00 : f32
      %broadcast_in_dim3A_133 = vector.broadcast %broadcast_in_dim3A_132 : f32 to vector<16xf32>
      %swap3A_134 = arith.index_cast %mul3A_131 : i32 to index
      %swap3A_135 = tpu.vector_load %arg8[%swap3A_134] {strides = array<i32>} : memref<10240xf32, #tpu.memory_space<vmem>>, vector<16xf32>,
      tpu.vector_store %arg8[%swap3A_134], %broadcast_in_dim3A_133 {strides = array<i32>} : memref<10240xf32, #tpu.memory_space<vmem>>, vector<16xf32>,
      %broadcast_in_dim3A_136 = arith.constant 0.000000e+00 : f32
      %broadcast_in_dim3A_137 = vector.broadcast %broadcast_in_dim3A_136 : f32 to vector<16xf32>
      %swap3A_138 = arith.index_cast %mul3A_131 : i32 to index
      %swap3A_139 = tpu.vector_load %arg9[%swap3A_138] {strides = array<i32>} : memref<10240xf32, #tpu.memory_space<vmem>>, vector<16xf32>,
      tpu.vector_store %arg9[%swap3A_138], %broadcast_in_dim3A_137 {strides = array<i32>} : memref<10240xf32, #tpu.memory_space<vmem>>, vector<16xf32>,
      %scan3A_140 = arith.constant 7 : i32
      %scan3A_141 = arith.addi %scan3A_59, %scan3A_140 : i32
      %mul3A_142 = arith.constant 16 : i32
      %mul3A_143 = arith.muli %scan3A_141, %mul3A_142 : i32
      %broadcast_in_dim3A_144 = arith.constant 0.000000e+00 : f32
      %broadcast_in_dim3A_145 = vector.broadcast %broadcast_in_dim3A_144 : f32 to vector<16xf32>
      %swap3A_146 = arith.index_cast %mul3A_143 : i32 to index
      %swap3A_147 = tpu.vector_load %arg8[%swap3A_146] {strides = array<i32>} : memref<10240xf32, #tpu.memory_space<vmem>>, vector<16xf32>,
      tpu.vector_store %arg8[%swap3A_146], %broadcast_in_dim3A_145 {strides = array<i32>} : memref<10240xf32, #tpu.memory_space<vmem>>, vector<16xf32>,
      %broadcast_in_dim3A_148 = arith.constant 0.000000e+00 : f32
      %broadcast_in_dim3A_149 = vector.broadcast %broadcast_in_dim3A_148 : f32 to vector<16xf32>
      %swap3A_150 = arith.index_cast %mul3A_143 : i32 to index
      %swap3A_151 = tpu.vector_load %arg9[%swap3A_150] {strides = array<i32>} : memref<10240xf32, #tpu.memory_space<vmem>>, vector<16xf32>,
      tpu.vector_store %arg9[%swap3A_150], %broadcast_in_dim3A_149 {strides = array<i32>} : memref<10240xf32, #tpu.memory_space<vmem>>, vector<16xf32>,
    }
    %scan3A_15 = arith.constant 640 : i32
    %dma_start3A = arith.constant 0 : i32
    %dma_start3A_16 = tpu.memref_slice %arg4[%dma_start3A] : memref<327680xi32, #tpu.memory_space<hbm>> -> memref<8192xi32, #tpu.memory_space<hbm>>
    %dma_start3A_17 = arith.constant 0 : i32
    %dma_start3A_18 = tpu.memref_slice %arg4[%dma_start3A_17] : memref<327680xi32, #tpu.memory_space<hbm>> -> memref<8192xi32, #tpu.memory_space<hbm>>
    tpu.enqueue_dma source(%dma_start3A_18 : memref<8192xi32, #tpu.memory_space<hbm>>) target(%arg10 : memref<8192xi32, #tpu.memory_space<vmem>>) target_semaphore(%arg14 : memref<!tpu.dma_semaphore, #tpu.memory_space<semaphore_mem>>)
    %dma_start3A_19 = arith.constant 0 : i32
    %dma_start3A_20 = arith.constant 0 : i32
    %dma_start3A_21 = arith.constant 0 : i32
    %dma_start3A_22 = tpu.memref_slice %arg3[%add3A, %dma_start3A_19, %dma_start3A_20, %dma_start3A_21] : memref<32x2x2560x128xf32, #tpu.memory_space<hbm>> -> memref<1x2x64x128xf32, #tpu.memory_space<hbm>>
    %dma_start3A_23 = tpu.memref_squeeze %dma_start3A_22 : memref<1x2x64x128xf32, #tpu.memory_space<hbm>> -> memref<2x64x128xf32, #tpu.memory_space<hbm>>
    %dma_start3A_24 = arith.constant 0 : i32
    %dma_start3A_25 = arith.constant 0 : i32
    %dma_start3A_26 = arith.constant 0 : i32
    %dma_start3A_27 = tpu.memref_slice %arg3[%add3A, %dma_start3A_24, %dma_start3A_25, %dma_start3A_26] : memref<32x2x2560x128xf32, #tpu.memory_space<hbm>> -> memref<1x2x64x128xf32, #tpu.memory_space<hbm>>
    %dma_start3A_28 = tpu.memref_squeeze %dma_start3A_27 : memref<1x2x64x128xf32, #tpu.memory_space<hbm>> -> memref<2x64x128xf32, #tpu.memory_space<hbm>>
    tpu.enqueue_dma source(%dma_start3A_28 : memref<2x64x128xf32, #tpu.memory_space<hbm>>) target(%arg12 : memref<2x64x128xf32, #tpu.memory_space<vmem>>) target_semaphore(%arg16 : memref<!tpu.dma_semaphore, #tpu.memory_space<semaphore_mem>>)
    %dma_start3A_29 = arith.constant 8192 : i32
    %dma_start3A_30 = tpu.memref_slice %arg4[%dma_start3A_29] : memref<327680xi32, #tpu.memory_space<hbm>> -> memref<8192xi32, #tpu.memory_space<hbm>>
    %dma_start3A_31 = arith.constant 8192 : i32
    %dma_start3A_32 = tpu.memref_slice %arg4[%dma_start3A_31] : memref<327680xi32, #tpu.memory_space<hbm>> -> memref<8192xi32, #tpu.memory_space<hbm>>
    tpu.enqueue_dma source(%dma_start3A_32 : memref<8192xi32, #tpu.memory_space<hbm>>) target(%arg11 : memref<8192xi32, #tpu.memory_space<vmem>>) target_semaphore(%arg15 : memref<!tpu.dma_semaphore, #tpu.memory_space<semaphore_mem>>)
    %dma_start3A_33 = arith.constant 0 : i32
    %dma_start3A_34 = arith.constant 64 : i32
    %dma_start3A_35 = arith.constant 0 : i32
    %dma_start3A_36 = tpu.memref_slice %arg3[%add3A, %dma_start3A_33, %dma_start3A_34, %dma_start3A_35] : memref<32x2x2560x128xf32, #tpu.memory_space<hbm>> -> memref<1x2x64x128xf32, #tpu.memory_space<hbm>>
    %dma_start3A_37 = tpu.memref_squeeze %dma_start3A_36 : memref<1x2x64x128xf32, #tpu.memory_space<hbm>> -> memref<2x64x128xf32, #tpu.memory_space<hbm>>
    %dma_start3A_38 = arith.constant 0 : i32
    %dma_start3A_39 = arith.constant 64 : i32
    %dma_start3A_40 = arith.constant 0 : i32
    %dma_start3A_41 = tpu.memref_slice %arg3[%add3A, %dma_start3A_38, %dma_start3A_39, %dma_start3A_40] : memref<32x2x2560x128xf32, #tpu.memory_space<hbm>> -> memref<1x2x64x128xf32, #tpu.memory_space<hbm>>
    %dma_start3A_42 = tpu.memref_squeeze %dma_start3A_41 : memref<1x2x64x128xf32, #tpu.memory_space<hbm>> -> memref<2x64x128xf32, #tpu.memory_space<hbm>>
    tpu.enqueue_dma source(%dma_start3A_42 : memref<2x64x128xf32, #tpu.memory_space<hbm>>) target(%arg13 : memref<2x64x128xf32, #tpu.memory_space<vmem>>) target_semaphore(%arg17 : memref<!tpu.dma_semaphore, #tpu.memory_space<semaphore_mem>>)
    %scan3A_43 = arith.constant 0 : i32
    %scan3A_44 = arith.constant 0 : i32
    %scan3A_45 = arith.constant 20 : i32
    %scan3A_46 = arith.addi %scan3A_44, %scan3A_45 : i32
    %scan3A_47 = arith.constant 1 : i32
    scf.for %scan3A_59 = %scan3A_44 to %scan3A_46 step %scan3A_47  : i32 {
      %mul3A_60 = arith.constant 2 : i32
      %mul3A_61 = arith.muli %mul3A_60, %scan3A_59 : i32
      %mul3A_62 = arith.constant 8192 : i32
      %mul3A_63 = arith.muli %mul3A_61, %mul3A_62 : i32
      %dma_wait3A = tpu.memref_slice %arg4[%mul3A_63] : memref<327680xi32, #tpu.memory_space<hbm>> -> memref<8192xi32, #tpu.memory_space<hbm>>
      %dma_wait3A_64 = tpu.memref_slice %arg4[%mul3A_63] : memref<327680xi32, #tpu.memory_space<hbm>> -> memref<8192xi32, #tpu.memory_space<hbm>>
      tpu.wait_dma2 semaphore(%arg14 : memref<!tpu.dma_semaphore, #tpu.memory_space<semaphore_mem>>) src(%dma_wait3A_64 : memref<8192xi32, #tpu.memory_space<hbm>>) dst(%arg10 : memref<8192xi32, #tpu.memory_space<vmem>>)
      %mul3A_65 = arith.constant 64 : i32
      %mul3A_66 = arith.muli %mul3A_61, %mul3A_65 : i32
      %dma_wait3A_67 = arith.constant 0 : i32
      %dma_wait3A_68 = arith.constant 0 : i32
      %dma_wait3A_69 = tpu.memref_slice %arg3[%add3A, %dma_wait3A_67, %mul3A_66, %dma_wait3A_68] : memref<32x2x2560x128xf32, #tpu.memory_space<hbm>> -> memref<1x2x64x128xf32, #tpu.memory_space<hbm>>
      %dma_wait3A_70 = tpu.memref_squeeze %dma_wait3A_69 : memref<1x2x64x128xf32, #tpu.memory_space<hbm>> -> memref<2x64x128xf32, #tpu.memory_space<hbm>>
      %dma_wait3A_71 = arith.constant 0 : i32
      %dma_wait3A_72 = arith.constant 0 : i32
      %dma_wait3A_73 = tpu.memref_slice %arg3[%add3A, %dma_wait3A_71, %mul3A_66, %dma_wait3A_72] : memref<32x2x2560x128xf32, #tpu.memory_space<hbm>> -> memref<1x2x64x128xf32, #tpu.memory_space<hbm>>
      %dma_wait3A_74 = tpu.memref_squeeze %dma_wait3A_73 : memref<1x2x64x128xf32, #tpu.memory_space<hbm>> -> memref<2x64x128xf32, #tpu.memory_space<hbm>>
      tpu.wait_dma2 semaphore(%arg16 : memref<!tpu.dma_semaphore, #tpu.memory_space<semaphore_mem>>) src(%dma_wait3A_74 : memref<2x64x128xf32, #tpu.memory_space<hbm>>) dst(%arg12 : memref<2x64x128xf32, #tpu.memory_space<vmem>>)
      %parallel_loop3A = arith.constant 0 : i32
      %parallel_loop3A_75 = arith.constant 512 : i32
      %parallel_loop3A_76 = arith.constant 1 : i32
      scf.for %parallel_loop3A_107 = %parallel_loop3A to %parallel_loop3A_75 step %parallel_loop3A_76  : i32 {
        %parallel_loop3A_108 = arith.constant 16 : i32
        %parallel_loop3A_109 = arith.muli %parallel_loop3A_107, %parallel_loop3A_108 : i32
        %parallel_loop3A_110 = arith.index_cast %parallel_loop3A_109 : i32 to index
        %parallel_loop3A_111 = tpu.vector_load %arg10[%parallel_loop3A_110] {strides = array<i32>} : memref<8192xi32, #tpu.memory_space<vmem>>, vector<16xi32>,
        %parallel_loop3A_112 = arith.constant 14 : i32
        %parallel_loop3A_113 = vector.broadcast %parallel_loop3A_112 : i32 to vector<16xi32>
        %parallel_loop3A_114 = arith.shrui %parallel_loop3A_111, %parallel_loop3A_113 : vector<16xi32>
        %parallel_loop3A_115 = arith.constant 16383 : i32
        %parallel_loop3A_116 = vector.broadcast %parallel_loop3A_115 : i32 to vector<16xi32>
        %parallel_loop3A_117 = arith.andi %parallel_loop3A_111, %parallel_loop3A_116 : vector<16xi32>
        %parallel_loop3A_118 = arith.constant 8 : i32
        %parallel_loop3A_119 = arith.divsi %parallel_loop3A_107, %parallel_loop3A_118 : i32
        %parallel_loop3A_120 = arith.constant 0 : i32
        %parallel_loop3A_121 = arith.cmpi sgt, %parallel_loop3A_107, %parallel_loop3A_120 : i32
        %parallel_loop3A_122 = arith.extui %parallel_loop3A_121 : i1 to i32
        %parallel_loop3A_123 = arith.constant 0 : i32
        %parallel_loop3A_124 = arith.cmpi slt, %parallel_loop3A_107, %parallel_loop3A_123 : i32
        %parallel_loop3A_125 = arith.extui %parallel_loop3A_124 : i1 to i32
        %parallel_loop3A_126 = arith.subi %parallel_loop3A_122, %parallel_loop3A_125 : i32
        %parallel_loop3A_127 = arith.constant 0 : i32
        %parallel_loop3A_128 = arith.cmpi sgt, %parallel_loop3A_118, %parallel_loop3A_127 : i32
        %parallel_loop3A_129 = arith.extui %parallel_loop3A_128 : i1 to i32
        %parallel_loop3A_130 = arith.constant 0 : i32
        %parallel_loop3A_131 = arith.cmpi slt, %parallel_loop3A_118, %parallel_loop3A_130 : i32
        %parallel_loop3A_132 = arith.extui %parallel_loop3A_131 : i1 to i32
        %parallel_loop3A_133 = arith.subi %parallel_loop3A_129, %parallel_loop3A_132 : i32
        %parallel_loop3A_134 = arith.cmpi ne, %parallel_loop3A_126, %parallel_loop3A_133 : i32
        %parallel_loop3A_135 = arith.remsi %parallel_loop3A_107, %parallel_loop3A_118 : i32
        %parallel_loop3A_136 = arith.constant 0 : i32
        %parallel_loop3A_137 = arith.cmpi ne, %parallel_loop3A_135, %parallel_loop3A_136 : i32
        %parallel_loop3A_138 = arith.andi %parallel_loop3A_134, %parallel_loop3A_137 : i1
        %parallel_loop3A_139 = arith.constant 1 : i32
        %parallel_loop3A_140 = arith.subi %parallel_loop3A_119, %parallel_loop3A_139 : i32
        %parallel_loop3A_141 = arith.select %parallel_loop3A_138, %parallel_loop3A_140, %parallel_loop3A_119 : i32
        %parallel_loop3A_142 = arith.constant 8 : i32
        %parallel_loop3A_143 = arith.constant 0 : i32
        %parallel_loop3A_144 = arith.cmpi eq, %parallel_loop3A_142, %parallel_loop3A_143 : i32
        %parallel_loop3A_145 = arith.constant 1 : i32
        %parallel_loop3A_146 = arith.select %parallel_loop3A_144, %parallel_loop3A_145, %parallel_loop3A_142 : i32
        %parallel_loop3A_147 = arith.remsi %parallel_loop3A_107, %parallel_loop3A_146 : i32
        %parallel_loop3A_148 = arith.constant 0 : i32
        %parallel_loop3A_149 = arith.cmpi ne, %parallel_loop3A_147, %parallel_loop3A_148 : i32
        %parallel_loop3A_150 = arith.constant 0 : i32
        %parallel_loop3A_151 = arith.cmpi slt, %parallel_loop3A_147, %parallel_loop3A_150 : i32
        %parallel_loop3A_152 = arith.constant 0 : i32
        %parallel_loop3A_153 = arith.cmpi slt, %parallel_loop3A_146, %parallel_loop3A_152 : i32
        %parallel_loop3A_154 = arith.xori %parallel_loop3A_151, %parallel_loop3A_153 : i1
        %parallel_loop3A_155 = arith.andi %parallel_loop3A_154, %parallel_loop3A_149 : i1
        %parallel_loop3A_156 = arith.addi %parallel_loop3A_147, %parallel_loop3A_146 : i32
        %parallel_loop3A_157 = arith.select %parallel_loop3A_155, %parallel_loop3A_156, %parallel_loop3A_147 : i32
        %parallel_loop3A_158 = arith.constant 16 : i32
        %parallel_loop3A_159 = arith.muli %parallel_loop3A_157, %parallel_loop3A_158 : i32
        %parallel_loop3A_160 = tpu.vector_load_idx %arg6[%parallel_loop3A_114] : memref<10240xf32, #tpu.memory_space<vmem>>[vector<16xi32>], vector<16xf32>,
        %parallel_loop3A_161 = arith.constant 0 : i32
        %parallel_loop3A_162 = arith.index_cast %parallel_loop3A_161 : i32 to index
        %parallel_loop3A_163 = arith.index_cast %parallel_loop3A_141 : i32 to index
        %parallel_loop3A_164 = arith.index_cast %parallel_loop3A_159 : i32 to index
        %parallel_loop3A_165 = tpu.vector_load %arg12[%parallel_loop3A_162, %parallel_loop3A_163, %parallel_loop3A_164] {strides = array<i32>} : memref<2x64x128xf32, #tpu.memory_space<vmem>>, vector<16xf32>,
        %parallel_loop3A_166 = arith.addf %parallel_loop3A_160, %parallel_loop3A_165 : vector<16xf32>
        %parallel_loop3A_167 = arith.constant 0.000000e+00 : f32
        %parallel_loop3A_168 = vector.broadcast %parallel_loop3A_167 : f32 to vector<16xf32>
        %parallel_loop3A_169 = arith.maximumf %parallel_loop3A_166, %parallel_loop3A_168 : vector<16xf32>
        tpu.vector_store_idx %arg8[%parallel_loop3A_117], %parallel_loop3A_169 {add = true} : memref<10240xf32, #tpu.memory_space<vmem>>[vector<16xi32>], vector<16xf32>,
        %parallel_loop3A_170 = tpu.vector_load_idx %arg7[%parallel_loop3A_114] : memref<10240xf32, #tpu.memory_space<vmem>>[vector<16xi32>], vector<16xf32>,
        %parallel_loop3A_171 = arith.constant 1 : i32
        %parallel_loop3A_172 = arith.index_cast %parallel_loop3A_171 : i32 to index
        %parallel_loop3A_173 = arith.index_cast %parallel_loop3A_141 : i32 to index
        %parallel_loop3A_174 = arith.index_cast %parallel_loop3A_159 : i32 to index
        %parallel_loop3A_175 = tpu.vector_load %arg12[%parallel_loop3A_172, %parallel_loop3A_173, %parallel_loop3A_174] {strides = array<i32>} : memref<2x64x128xf32, #tpu.memory_space<vmem>>, vector<16xf32>,
        %parallel_loop3A_176 = arith.addf %parallel_loop3A_170, %parallel_loop3A_175 : vector<16xf32>
        %parallel_loop3A_177 = arith.constant 0.000000e+00 : f32
        %parallel_loop3A_178 = vector.broadcast %parallel_loop3A_177 : f32 to vector<16xf32>
        %parallel_loop3A_179 = arith.maximumf %parallel_loop3A_176, %parallel_loop3A_178 : vector<16xf32>
        tpu.vector_store_idx %arg9[%parallel_loop3A_117], %parallel_loop3A_179 {add = true} : memref<10240xf32, #tpu.memory_space<vmem>>[vector<16xi32>], vector<16xf32>,
      } {sc.loop_unroll_factor = 4 : i64, sc.parallel_access}
      %add3A_77 = arith.constant 2 : i32
      %add3A_78 = arith.addi %mul3A_61, %add3A_77 : i32
      %lt3A = arith.constant 40 : i32
      %lt3A_79 = arith.cmpi slt, %add3A_78, %lt3A : i32
      %convert_element_type3A = arith.extui %lt3A_79 : i1 to i32
      %cond3A = arith.constant 0 : i32
      %cond3A_80 = arith.cmpi ne, %convert_element_type3A, %cond3A : i32
      scf.if %cond3A_80 {
        %add3A_107 = arith.constant 2 : i32
        %add3A_108 = arith.addi %mul3A_61, %add3A_107 : i32
        %mul3A_109 = arith.constant 8192 : i32
        %mul3A_110 = arith.muli %add3A_108, %mul3A_109 : i32
        %dma_start3A_111 = tpu.memref_slice %arg4[%mul3A_110] : memref<327680xi32, #tpu.memory_space<hbm>> -> memref<8192xi32, #tpu.memory_space<hbm>>
        %dma_start3A_112 = tpu.memref_slice %arg4[%mul3A_110] : memref<327680xi32, #tpu.memory_space<hbm>> -> memref<8192xi32, #tpu.memory_space<hbm>>
        tpu.enqueue_dma source(%dma_start3A_112 : memref<8192xi32, #tpu.memory_space<hbm>>) target(%arg10 : memref<8192xi32, #tpu.memory_space<vmem>>) target_semaphore(%arg14 : memref<!tpu.dma_semaphore, #tpu.memory_space<semaphore_mem>>)
        %mul3A_113 = arith.constant 64 : i32
        %mul3A_114 = arith.muli %add3A_108, %mul3A_113 : i32
        %dma_start3A_115 = arith.constant 0 : i32
        %dma_start3A_116 = arith.constant 0 : i32
        %dma_start3A_117 = tpu.memref_slice %arg3[%add3A, %dma_start3A_115, %mul3A_114, %dma_start3A_116] : memref<32x2x2560x128xf32, #tpu.memory_space<hbm>> -> memref<1x2x64x128xf32, #tpu.memory_space<hbm>>
        %dma_start3A_118 = tpu.memref_squeeze %dma_start3A_117 : memref<1x2x64x128xf32, #tpu.memory_space<hbm>> -> memref<2x64x128xf32, #tpu.memory_space<hbm>>
        %dma_start3A_119 = arith.constant 0 : i32
        %dma_start3A_120 = arith.constant 0 : i32
        %dma_start3A_121 = tpu.memref_slice %arg3[%add3A, %dma_start3A_119, %mul3A_114, %dma_start3A_120] : memref<32x2x2560x128xf32, #tpu.memory_space<hbm>> -> memref<1x2x64x128xf32, #tpu.memory_space<hbm>>
        %dma_start3A_122 = tpu.memref_squeeze %dma_start3A_121 : memref<1x2x64x128xf32, #tpu.memory_space<hbm>> -> memref<2x64x128xf32, #tpu.memory_space<hbm>>
        tpu.enqueue_dma source(%dma_start3A_122 : memref<2x64x128xf32, #tpu.memory_space<hbm>>) target(%arg12 : memref<2x64x128xf32, #tpu.memory_space<vmem>>) target_semaphore(%arg16 : memref<!tpu.dma_semaphore, #tpu.memory_space<semaphore_mem>>)
      } else {
      }
      %add3A_81 = arith.constant 1 : i32
      %add3A_82 = arith.addi %mul3A_61, %add3A_81 : i32
      %mul3A_83 = arith.constant 8192 : i32
      %mul3A_84 = arith.muli %add3A_82, %mul3A_83 : i32
      %dma_wait3A_85 = tpu.memref_slice %arg4[%mul3A_84] : memref<327680xi32, #tpu.memory_space<hbm>> -> memref<8192xi32, #tpu.memory_space<hbm>>
      %dma_wait3A_86 = tpu.memref_slice %arg4[%mul3A_84] : memref<327680xi32, #tpu.memory_space<hbm>> -> memref<8192xi32, #tpu.memory_space<hbm>>
      tpu.wait_dma2 semaphore(%arg15 : memref<!tpu.dma_semaphore, #tpu.memory_space<semaphore_mem>>) src(%dma_wait3A_86 : memref<8192xi32, #tpu.memory_space<hbm>>) dst(%arg11 : memref<8192xi32, #tpu.memory_space<vmem>>)
      %mul3A_87 = arith.constant 64 : i32
      %mul3A_88 = arith.muli %add3A_82, %mul3A_87 : i32
      %dma_wait3A_89 = arith.constant 0 : i32
      %dma_wait3A_90 = arith.constant 0 : i32
      %dma_wait3A_91 = tpu.memref_slice %arg3[%add3A, %dma_wait3A_89, %mul3A_88, %dma_wait3A_90] : memref<32x2x2560x128xf32, #tpu.memory_space<hbm>> -> memref<1x2x64x128xf32, #tpu.memory_space<hbm>>
      %dma_wait3A_92 = tpu.memref_squeeze %dma_wait3A_91 : memref<1x2x64x128xf32, #tpu.memory_space<hbm>> -> memref<2x64x128xf32, #tpu.memory_space<hbm>>
      %dma_wait3A_93 = arith.constant 0 : i32
      %dma_wait3A_94 = arith.constant 0 : i32
      %dma_wait3A_95 = tpu.memref_slice %arg3[%add3A, %dma_wait3A_93, %mul3A_88, %dma_wait3A_94] : memref<32x2x2560x128xf32, #tpu.memory_space<hbm>> -> memref<1x2x64x128xf32, #tpu.memory_space<hbm>>
      %dma_wait3A_96 = tpu.memref_squeeze %dma_wait3A_95 : memref<1x2x64x128xf32, #tpu.memory_space<hbm>> -> memref<2x64x128xf32, #tpu.memory_space<hbm>>
      tpu.wait_dma2 semaphore(%arg17 : memref<!tpu.dma_semaphore, #tpu.memory_space<semaphore_mem>>) src(%dma_wait3A_96 : memref<2x64x128xf32, #tpu.memory_space<hbm>>) dst(%arg13 : memref<2x64x128xf32, #tpu.memory_space<vmem>>)
      %parallel_loop3A_97 = arith.constant 0 : i32
      %parallel_loop3A_98 = arith.constant 512 : i32
      %parallel_loop3A_99 = arith.constant 1 : i32
      scf.for %parallel_loop3A_107 = %parallel_loop3A_97 to %parallel_loop3A_98 step %parallel_loop3A_99  : i32 {
        %parallel_loop3A_108 = arith.constant 16 : i32
        %parallel_loop3A_109 = arith.muli %parallel_loop3A_107, %parallel_loop3A_108 : i32
        %parallel_loop3A_110 = arith.index_cast %parallel_loop3A_109 : i32 to index
        %parallel_loop3A_111 = tpu.vector_load %arg11[%parallel_loop3A_110] {strides = array<i32>} : memref<8192xi32, #tpu.memory_space<vmem>>, vector<16xi32>,
        %parallel_loop3A_112 = arith.constant 14 : i32
        %parallel_loop3A_113 = vector.broadcast %parallel_loop3A_112 : i32 to vector<16xi32>
        %parallel_loop3A_114 = arith.shrui %parallel_loop3A_111, %parallel_loop3A_113 : vector<16xi32>
        %parallel_loop3A_115 = arith.constant 16383 : i32
        %parallel_loop3A_116 = vector.broadcast %parallel_loop3A_115 : i32 to vector<16xi32>
        %parallel_loop3A_117 = arith.andi %parallel_loop3A_111, %parallel_loop3A_116 : vector<16xi32>
        %parallel_loop3A_118 = arith.constant 8 : i32
        %parallel_loop3A_119 = arith.divsi %parallel_loop3A_107, %parallel_loop3A_118 : i32
        %parallel_loop3A_120 = arith.constant 0 : i32
        %parallel_loop3A_121 = arith.cmpi sgt, %parallel_loop3A_107, %parallel_loop3A_120 : i32
        %parallel_loop3A_122 = arith.extui %parallel_loop3A_121 : i1 to i32
        %parallel_loop3A_123 = arith.constant 0 : i32
        %parallel_loop3A_124 = arith.cmpi slt, %parallel_loop3A_107, %parallel_loop3A_123 : i32
        %parallel_loop3A_125 = arith.extui %parallel_loop3A_124 : i1 to i32
        %parallel_loop3A_126 = arith.subi %parallel_loop3A_122, %parallel_loop3A_125 : i32
        %parallel_loop3A_127 = arith.constant 0 : i32
        %parallel_loop3A_128 = arith.cmpi sgt, %parallel_loop3A_118, %parallel_loop3A_127 : i32
        %parallel_loop3A_129 = arith.extui %parallel_loop3A_128 : i1 to i32
        %parallel_loop3A_130 = arith.constant 0 : i32
        %parallel_loop3A_131 = arith.cmpi slt, %parallel_loop3A_118, %parallel_loop3A_130 : i32
        %parallel_loop3A_132 = arith.extui %parallel_loop3A_131 : i1 to i32
        %parallel_loop3A_133 = arith.subi %parallel_loop3A_129, %parallel_loop3A_132 : i32
        %parallel_loop3A_134 = arith.cmpi ne, %parallel_loop3A_126, %parallel_loop3A_133 : i32
        %parallel_loop3A_135 = arith.remsi %parallel_loop3A_107, %parallel_loop3A_118 : i32
        %parallel_loop3A_136 = arith.constant 0 : i32
        %parallel_loop3A_137 = arith.cmpi ne, %parallel_loop3A_135, %parallel_loop3A_136 : i32
        %parallel_loop3A_138 = arith.andi %parallel_loop3A_134, %parallel_loop3A_137 : i1
        %parallel_loop3A_139 = arith.constant 1 : i32
        %parallel_loop3A_140 = arith.subi %parallel_loop3A_119, %parallel_loop3A_139 : i32
        %parallel_loop3A_141 = arith.select %parallel_loop3A_138, %parallel_loop3A_140, %parallel_loop3A_119 : i32
        %parallel_loop3A_142 = arith.constant 8 : i32
        %parallel_loop3A_143 = arith.constant 0 : i32
        %parallel_loop3A_144 = arith.cmpi eq, %parallel_loop3A_142, %parallel_loop3A_143 : i32
        %parallel_loop3A_145 = arith.constant 1 : i32
        %parallel_loop3A_146 = arith.select %parallel_loop3A_144, %parallel_loop3A_145, %parallel_loop3A_142 : i32
        %parallel_loop3A_147 = arith.remsi %parallel_loop3A_107, %parallel_loop3A_146 : i32
        %parallel_loop3A_148 = arith.constant 0 : i32
        %parallel_loop3A_149 = arith.cmpi ne, %parallel_loop3A_147, %parallel_loop3A_148 : i32
        %parallel_loop3A_150 = arith.constant 0 : i32
        %parallel_loop3A_151 = arith.cmpi slt, %parallel_loop3A_147, %parallel_loop3A_150 : i32
        %parallel_loop3A_152 = arith.constant 0 : i32
        %parallel_loop3A_153 = arith.cmpi slt, %parallel_loop3A_146, %parallel_loop3A_152 : i32
        %parallel_loop3A_154 = arith.xori %parallel_loop3A_151, %parallel_loop3A_153 : i1
        %parallel_loop3A_155 = arith.andi %parallel_loop3A_154, %parallel_loop3A_149 : i1
        %parallel_loop3A_156 = arith.addi %parallel_loop3A_147, %parallel_loop3A_146 : i32
        %parallel_loop3A_157 = arith.select %parallel_loop3A_155, %parallel_loop3A_156, %parallel_loop3A_147 : i32
        %parallel_loop3A_158 = arith.constant 16 : i32
        %parallel_loop3A_159 = arith.muli %parallel_loop3A_157, %parallel_loop3A_158 : i32
        %parallel_loop3A_160 = tpu.vector_load_idx %arg6[%parallel_loop3A_114] : memref<10240xf32, #tpu.memory_space<vmem>>[vector<16xi32>], vector<16xf32>,
        %parallel_loop3A_161 = arith.constant 0 : i32
        %parallel_loop3A_162 = arith.index_cast %parallel_loop3A_161 : i32 to index
        %parallel_loop3A_163 = arith.index_cast %parallel_loop3A_141 : i32 to index
        %parallel_loop3A_164 = arith.index_cast %parallel_loop3A_159 : i32 to index
        %parallel_loop3A_165 = tpu.vector_load %arg13[%parallel_loop3A_162, %parallel_loop3A_163, %parallel_loop3A_164] {strides = array<i32>} : memref<2x64x128xf32, #tpu.memory_space<vmem>>, vector<16xf32>,
        %parallel_loop3A_166 = arith.addf %parallel_loop3A_160, %parallel_loop3A_165 : vector<16xf32>
        %parallel_loop3A_167 = arith.constant 0.000000e+00 : f32
        %parallel_loop3A_168 = vector.broadcast %parallel_loop3A_167 : f32 to vector<16xf32>
        %parallel_loop3A_169 = arith.maximumf %parallel_loop3A_166, %parallel_loop3A_168 : vector<16xf32>
        tpu.vector_store_idx %arg8[%parallel_loop3A_117], %parallel_loop3A_169 {add = true} : memref<10240xf32, #tpu.memory_space<vmem>>[vector<16xi32>], vector<16xf32>,
        %parallel_loop3A_170 = tpu.vector_load_idx %arg7[%parallel_loop3A_114] : memref<10240xf32, #tpu.memory_space<vmem>>[vector<16xi32>], vector<16xf32>,
        %parallel_loop3A_171 = arith.constant 1 : i32
        %parallel_loop3A_172 = arith.index_cast %parallel_loop3A_171 : i32 to index
        %parallel_loop3A_173 = arith.index_cast %parallel_loop3A_141 : i32 to index
        %parallel_loop3A_174 = arith.index_cast %parallel_loop3A_159 : i32 to index
        %parallel_loop3A_175 = tpu.vector_load %arg13[%parallel_loop3A_172, %parallel_loop3A_173, %parallel_loop3A_174] {strides = array<i32>} : memref<2x64x128xf32, #tpu.memory_space<vmem>>, vector<16xf32>,
        %parallel_loop3A_176 = arith.addf %parallel_loop3A_170, %parallel_loop3A_175 : vector<16xf32>
        %parallel_loop3A_177 = arith.constant 0.000000e+00 : f32
        %parallel_loop3A_178 = vector.broadcast %parallel_loop3A_177 : f32 to vector<16xf32>
        %parallel_loop3A_179 = arith.maximumf %parallel_loop3A_176, %parallel_loop3A_178 : vector<16xf32>
        tpu.vector_store_idx %arg9[%parallel_loop3A_117], %parallel_loop3A_179 {add = true} : memref<10240xf32, #tpu.memory_space<vmem>>[vector<16xi32>], vector<16xf32>,
      } {sc.loop_unroll_factor = 4 : i64, sc.parallel_access}
      %add3A_100 = arith.constant 3 : i32
      %add3A_101 = arith.addi %mul3A_61, %add3A_100 : i32
      %lt3A_102 = arith.constant 40 : i32
      %lt3A_103 = arith.cmpi slt, %add3A_101, %lt3A_102 : i32
      %convert_element_type3A_104 = arith.extui %lt3A_103 : i1 to i32
      %cond3A_105 = arith.constant 0 : i32
      %cond3A_106 = arith.cmpi ne, %convert_element_type3A_104, %cond3A_105 : i32
      scf.if %cond3A_106 {
        %add3A_107 = arith.constant 3 : i32
        %add3A_108 = arith.addi %mul3A_61, %add3A_107 : i32
        %mul3A_109 = arith.constant 8192 : i32
        %mul3A_110 = arith.muli %add3A_108, %mul3A_109 : i32
        %dma_start3A_111 = tpu.memref_slice %arg4[%mul3A_110] : memref<327680xi32, #tpu.memory_space<hbm>> -> memref<8192xi32, #tpu.memory_space<hbm>>
        %dma_start3A_112 = tpu.memref_slice %arg4[%mul3A_110] : memref<327680xi32, #tpu.memory_space<hbm>> -> memref<8192xi32, #tpu.memory_space<hbm>>
        tpu.enqueue_dma source(%dma_start3A_112 : memref<8192xi32, #tpu.memory_space<hbm>>) target(%arg11 : memref<8192xi32, #tpu.memory_space<vmem>>) target_semaphore(%arg15 : memref<!tpu.dma_semaphore, #tpu.memory_space<semaphore_mem>>)
        %mul3A_113 = arith.constant 64 : i32
        %mul3A_114 = arith.muli %add3A_108, %mul3A_113 : i32
        %dma_start3A_115 = arith.constant 0 : i32
        %dma_start3A_116 = arith.constant 0 : i32
        %dma_start3A_117 = tpu.memref_slice %arg3[%add3A, %dma_start3A_115, %mul3A_114, %dma_start3A_116] : memref<32x2x2560x128xf32, #tpu.memory_space<hbm>> -> memref<1x2x64x128xf32, #tpu.memory_space<hbm>>
        %dma_start3A_118 = tpu.memref_squeeze %dma_start3A_117 : memref<1x2x64x128xf32, #tpu.memory_space<hbm>> -> memref<2x64x128xf32, #tpu.memory_space<hbm>>
        %dma_start3A_119 = arith.constant 0 : i32
        %dma_start3A_120 = arith.constant 0 : i32
        %dma_start3A_121 = tpu.memref_slice %arg3[%add3A, %dma_start3A_119, %mul3A_114, %dma_start3A_120] : memref<32x2x2560x128xf32, #tpu.memory_space<hbm>> -> memref<1x2x64x128xf32, #tpu.memory_space<hbm>>
        %dma_start3A_122 = tpu.memref_squeeze %dma_start3A_121 : memref<1x2x64x128xf32, #tpu.memory_space<hbm>> -> memref<2x64x128xf32, #tpu.memory_space<hbm>>
        tpu.enqueue_dma source(%dma_start3A_122 : memref<2x64x128xf32, #tpu.memory_space<hbm>>) target(%arg13 : memref<2x64x128xf32, #tpu.memory_space<vmem>>) target_semaphore(%arg17 : memref<!tpu.dma_semaphore, #tpu.memory_space<semaphore_mem>>)
      } else {
      }
    }
    %scan3A_48 = arith.constant 20 : i32
    %barrier3A = arith.constant 0 : index
    tpu.barrier barrier_id(%barrier3A)
    %mul3A_49 = arith.constant 2 : i32
    %mul3A_50 = arith.muli %add3A, %mul3A_49 : i32
    %mul3A_51 = arith.constant 10240 : i32
    %mul3A_52 = arith.muli %mul3A_50, %mul3A_51 : i32
    "tpu.region"() ({
      %run_scoped3A = tpu.sem_alloc : memref<!tpu.dma_semaphore, #tpu.memory_space<semaphore_mem>>
      %dma_start3A_59 = tpu.memref_slice %arg5[%mul3A_52] : memref<655360xf32, #tpu.memory_space<hbm>> -> memref<10240xf32, #tpu.memory_space<hbm>>
      %dma_start3A_60 = tpu.memref_slice %arg5[%mul3A_52] : memref<655360xf32, #tpu.memory_space<hbm>> -> memref<10240xf32, #tpu.memory_space<hbm>>
      tpu.enqueue_dma source(%arg8 : memref<10240xf32, #tpu.memory_space<vmem>>) target(%dma_start3A_60 : memref<10240xf32, #tpu.memory_space<hbm>>) target_semaphore(%run_scoped3A : memref<!tpu.dma_semaphore, #tpu.memory_space<semaphore_mem>>)
      %dma_wait3A = tpu.memref_slice %arg5[%mul3A_52] : memref<655360xf32, #tpu.memory_space<hbm>> -> memref<10240xf32, #tpu.memory_space<hbm>>
      %dma_wait3A_61 = tpu.memref_slice %arg5[%mul3A_52] : memref<655360xf32, #tpu.memory_space<hbm>> -> memref<10240xf32, #tpu.memory_space<hbm>>
      tpu.wait_dma2 semaphore(%run_scoped3A : memref<!tpu.dma_semaphore, #tpu.memory_space<semaphore_mem>>) src(%arg8 : memref<10240xf32, #tpu.memory_space<vmem>>) dst(%dma_wait3A_61 : memref<10240xf32, #tpu.memory_space<hbm>>)
      tpu.yield
    }) : () -> ()
    %mul3A_53 = arith.constant 2 : i32
    %mul3A_54 = arith.muli %add3A, %mul3A_53 : i32
    %add3A_55 = arith.constant 1 : i32
    %add3A_56 = arith.addi %mul3A_54, %add3A_55 : i32
    %mul3A_57 = arith.constant 10240 : i32
    %mul3A_58 = arith.muli %add3A_56, %mul3A_57 : i32
    "tpu.region"() ({
      %run_scoped3A = tpu.sem_alloc : memref<!tpu.dma_semaphore, #tpu.memory_space<semaphore_mem>>
      %dma_start3A_59 = tpu.memref_slice %arg5[%mul3A_58] : memref<655360xf32, #tpu.memory_space<hbm>> -> memref<10240xf32, #tpu.memory_space<hbm>>
      %dma_start3A_60 = tpu.memref_slice %arg5[%mul3A_58] : memref<655360xf32, #tpu.memory_space<hbm>> -> memref<10240xf32, #tpu.memory_space<hbm>>
      tpu.enqueue_dma source(%arg9 : memref<10240xf32, #tpu.memory_space<vmem>>) target(%dma_start3A_60 : memref<10240xf32, #tpu.memory_space<hbm>>) target_semaphore(%run_scoped3A : memref<!tpu.dma_semaphore, #tpu.memory_space<semaphore_mem>>)
      %dma_wait3A = tpu.memref_slice %arg5[%mul3A_58] : memref<655360xf32, #tpu.memory_space<hbm>> -> memref<10240xf32, #tpu.memory_space<hbm>>
      %dma_wait3A_61 = tpu.memref_slice %arg5[%mul3A_58] : memref<655360xf32, #tpu.memory_space<hbm>> -> memref<10240xf32, #tpu.memory_space<hbm>>
      tpu.wait_dma2 semaphore(%run_scoped3A : memref<!tpu.dma_semaphore, #tpu.memory_space<semaphore_mem>>) src(%arg9 : memref<10240xf32, #tpu.memory_space<vmem>>) dst(%dma_wait3A_61 : memref<10240xf32, #tpu.memory_space<hbm>>)
      tpu.yield
    }) : () -> ()
    return
  }
}

#map = affine_map<(d0, d1) -> (0)>
#map1 = affine_map<(d0, d1) -> (0, 0, 0, 0)>
module attributes {stable_mosaic.version = 14 : i64} {
  func.func @_sc_body(%arg0: i32, %arg1: i32, %arg2: memref<655360xf32, #tpu.memory_space<hbm>>, %arg3: memref<32x2x2560x128xf32, #tpu.memory_space<hbm>>, %arg4: memref<327680xi32, #tpu.memory_space<hbm>>, %arg5: memref<655360xf32, #tpu.memory_space<hbm>>, %arg6: memref<10240xf32, #tpu.memory_space<vmem>>, %arg7: memref<10240xf32, #tpu.memory_space<vmem>>, %arg8: memref<10240xf32, #tpu.memory_space<vmem>>, %arg9: memref<10240xf32, #tpu.memory_space<vmem>>, %arg10: memref<8192xi32, #tpu.memory_space<vmem>>, %arg11: memref<8192xi32, #tpu.memory_space<vmem>>, %arg12: memref<2x64x128xf32, #tpu.memory_space<vmem>>, %arg13: memref<2x64x128xf32, #tpu.memory_space<vmem>>, %arg14: memref<!tpu.dma_semaphore, #tpu.memory_space<semaphore_mem>>, %arg15: memref<!tpu.dma_semaphore, #tpu.memory_space<semaphore_mem>>, %arg16: memref<!tpu.dma_semaphore, #tpu.memory_space<semaphore_mem>>, %arg17: memref<!tpu.dma_semaphore, #tpu.memory_space<semaphore_mem>>) attributes {dimension_semantics = [#tpu.dimension_semantics<core_parallel>, #tpu.dimension_semantics<subcore_parallel>], iteration_bounds = array<i64: 2, 16>, scalar_prefetch = 0 : i64, scratch_operands = 12 : i64, tpu.core_type = #tpu.core_type<sc_vector_subcore>, window_params = [{transform_indices = #map}, {transform_indices = #map1}, {transform_indices = #map}, {transform_indices = #map}]} {
    %mul3A = arith.constant 2 : i32
    %mul3A_0 = arith.muli %arg1, %mul3A : i32
    %add3A = arith.addi %mul3A_0, %arg0 : i32
    %mul3A_1 = arith.constant 2 : i32
    %mul3A_2 = arith.muli %add3A, %mul3A_1 : i32
    %mul3A_3 = arith.constant 10240 : i32
    %mul3A_4 = arith.muli %mul3A_2, %mul3A_3 : i32
    "tpu.region"() ({
      %run_scoped3A = tpu.sem_alloc : memref<!tpu.dma_semaphore, #tpu.memory_space<semaphore_mem>>
      %dma_start3A_59 = tpu.memref_slice %arg2[%mul3A_4] : memref<655360xf32, #tpu.memory_space<hbm>> -> memref<10240xf32, #tpu.memory_space<hbm>>
      %dma_start3A_60 = tpu.memref_slice %arg2[%mul3A_4] : memref<655360xf32, #tpu.memory_space<hbm>> -> memref<10240xf32, #tpu.memory_space<hbm>>
      tpu.enqueue_dma source(%dma_start3A_60 : memref<10240xf32, #tpu.memory_space<hbm>>) target(%arg6 : memref<10240xf32, #tpu.memory_space<vmem>>) target_semaphore(%run_scoped3A : memref<!tpu.dma_semaphore, #tpu.memory_space<semaphore_mem>>)
      %dma_wait3A = tpu.memref_slice %arg2[%mul3A_4] : memref<655360xf32, #tpu.memory_space<hbm>> -> memref<10240xf32, #tpu.memory_space<hbm>>
      %dma_wait3A_61 = tpu.memref_slice %arg2[%mul3A_4] : memref<655360xf32, #tpu.memory_space<hbm>> -> memref<10240xf32, #tpu.memory_space<hbm>>
      tpu.wait_dma2 semaphore(%run_scoped3A : memref<!tpu.dma_semaphore, #tpu.memory_space<semaphore_mem>>) src(%dma_wait3A_61 : memref<10240xf32, #tpu.memory_space<hbm>>) dst(%arg6 : memref<10240xf32, #tpu.memory_space<vmem>>)
      tpu.yield
    }) : () -> ()
    %mul3A_5 = arith.constant 2 : i32
    %mul3A_6 = arith.muli %add3A, %mul3A_5 : i32
    %add3A_7 = arith.constant 1 : i32
    %add3A_8 = arith.addi %mul3A_6, %add3A_7 : i32
    %mul3A_9 = arith.constant 10240 : i32
    %mul3A_10 = arith.muli %add3A_8, %mul3A_9 : i32
    "tpu.region"() ({
      %run_scoped3A = tpu.sem_alloc : memref<!tpu.dma_semaphore, #tpu.memory_space<semaphore_mem>>
      %dma_start3A_59 = tpu.memref_slice %arg2[%mul3A_10] : memref<655360xf32, #tpu.memory_space<hbm>> -> memref<10240xf32, #tpu.memory_space<hbm>>
      %dma_start3A_60 = tpu.memref_slice %arg2[%mul3A_10] : memref<655360xf32, #tpu.memory_space<hbm>> -> memref<10240xf32, #tpu.memory_space<hbm>>
      tpu.enqueue_dma source(%dma_start3A_60 : memref<10240xf32, #tpu.memory_space<hbm>>) target(%arg7 : memref<10240xf32, #tpu.memory_space<vmem>>) target_semaphore(%run_scoped3A : memref<!tpu.dma_semaphore, #tpu.memory_space<semaphore_mem>>)
      %dma_wait3A = tpu.memref_slice %arg2[%mul3A_10] : memref<655360xf32, #tpu.memory_space<hbm>> -> memref<10240xf32, #tpu.memory_space<hbm>>
      %dma_wait3A_61 = tpu.memref_slice %arg2[%mul3A_10] : memref<655360xf32, #tpu.memory_space<hbm>> -> memref<10240xf32, #tpu.memory_space<hbm>>
      tpu.wait_dma2 semaphore(%run_scoped3A : memref<!tpu.dma_semaphore, #tpu.memory_space<semaphore_mem>>) src(%dma_wait3A_61 : memref<10240xf32, #tpu.memory_space<hbm>>) dst(%arg7 : memref<10240xf32, #tpu.memory_space<vmem>>)
      tpu.yield
    }) : () -> ()
    %scan3A = arith.constant 0 : i32
    %scan3A_11 = arith.constant 0 : i32
    %scan3A_12 = arith.constant 640 : i32
    %scan3A_13 = arith.addi %scan3A_11, %scan3A_12 : i32
    %scan3A_14 = arith.constant 8 : i32
    scf.for %scan3A_59 = %scan3A_11 to %scan3A_13 step %scan3A_14  : i32 {
      %mul3A_60 = arith.constant 16 : i32
      %mul3A_61 = arith.muli %scan3A_59, %mul3A_60 : i32
      %broadcast_in_dim3A = arith.constant 0.000000e+00 : f32
      %broadcast_in_dim3A_62 = vector.broadcast %broadcast_in_dim3A : f32 to vector<16xf32>
      %swap3A = arith.index_cast %mul3A_61 : i32 to index
      %swap3A_63 = tpu.vector_load %arg8[%swap3A] {strides = array<i32>} : memref<10240xf32, #tpu.memory_space<vmem>>, vector<16xf32>,
      tpu.vector_store %arg8[%swap3A], %broadcast_in_dim3A_62 {strides = array<i32>} : memref<10240xf32, #tpu.memory_space<vmem>>, vector<16xf32>,
      %broadcast_in_dim3A_64 = arith.constant 0.000000e+00 : f32
      %broadcast_in_dim3A_65 = vector.broadcast %broadcast_in_dim3A_64 : f32 to vector<16xf32>
      %swap3A_66 = arith.index_cast %mul3A_61 : i32 to index
      %swap3A_67 = tpu.vector_load %arg9[%swap3A_66] {strides = array<i32>} : memref<10240xf32, #tpu.memory_space<vmem>>, vector<16xf32>,
      tpu.vector_store %arg9[%swap3A_66], %broadcast_in_dim3A_65 {strides = array<i32>} : memref<10240xf32, #tpu.memory_space<vmem>>, vector<16xf32>,
      %scan3A_68 = arith.constant 1 : i32
      %scan3A_69 = arith.addi %scan3A_59, %scan3A_68 : i32
      %mul3A_70 = arith.constant 16 : i32
      %mul3A_71 = arith.muli %scan3A_69, %mul3A_70 : i32
      %broadcast_in_dim3A_72 = arith.constant 0.000000e+00 : f32
      %broadcast_in_dim3A_73 = vector.broadcast %broadcast_in_dim3A_72 : f32 to vector<16xf32>
      %swap3A_74 = arith.index_cast %mul3A_71 : i32 to index
      %swap3A_75 = tpu.vector_load %arg8[%swap3A_74] {strides = array<i32>} : memref<10240xf32, #tpu.memory_space<vmem>>, vector<16xf32>,
      tpu.vector_store %arg8[%swap3A_74], %broadcast_in_dim3A_73 {strides = array<i32>} : memref<10240xf32, #tpu.memory_space<vmem>>, vector<16xf32>,
      %broadcast_in_dim3A_76 = arith.constant 0.000000e+00 : f32
      %broadcast_in_dim3A_77 = vector.broadcast %broadcast_in_dim3A_76 : f32 to vector<16xf32>
      %swap3A_78 = arith.index_cast %mul3A_71 : i32 to index
      %swap3A_79 = tpu.vector_load %arg9[%swap3A_78] {strides = array<i32>} : memref<10240xf32, #tpu.memory_space<vmem>>, vector<16xf32>,
      tpu.vector_store %arg9[%swap3A_78], %broadcast_in_dim3A_77 {strides = array<i32>} : memref<10240xf32, #tpu.memory_space<vmem>>, vector<16xf32>,
      %scan3A_80 = arith.constant 2 : i32
      %scan3A_81 = arith.addi %scan3A_59, %scan3A_80 : i32
      %mul3A_82 = arith.constant 16 : i32
      %mul3A_83 = arith.muli %scan3A_81, %mul3A_82 : i32
      %broadcast_in_dim3A_84 = arith.constant 0.000000e+00 : f32
      %broadcast_in_dim3A_85 = vector.broadcast %broadcast_in_dim3A_84 : f32 to vector<16xf32>
      %swap3A_86 = arith.index_cast %mul3A_83 : i32 to index
      %swap3A_87 = tpu.vector_load %arg8[%swap3A_86] {strides = array<i32>} : memref<10240xf32, #tpu.memory_space<vmem>>, vector<16xf32>,
      tpu.vector_store %arg8[%swap3A_86], %broadcast_in_dim3A_85 {strides = array<i32>} : memref<10240xf32, #tpu.memory_space<vmem>>, vector<16xf32>,
      %broadcast_in_dim3A_88 = arith.constant 0.000000e+00 : f32
      %broadcast_in_dim3A_89 = vector.broadcast %broadcast_in_dim3A_88 : f32 to vector<16xf32>
      %swap3A_90 = arith.index_cast %mul3A_83 : i32 to index
      %swap3A_91 = tpu.vector_load %arg9[%swap3A_90] {strides = array<i32>} : memref<10240xf32, #tpu.memory_space<vmem>>, vector<16xf32>,
      tpu.vector_store %arg9[%swap3A_90], %broadcast_in_dim3A_89 {strides = array<i32>} : memref<10240xf32, #tpu.memory_space<vmem>>, vector<16xf32>,
      %scan3A_92 = arith.constant 3 : i32
      %scan3A_93 = arith.addi %scan3A_59, %scan3A_92 : i32
      %mul3A_94 = arith.constant 16 : i32
      %mul3A_95 = arith.muli %scan3A_93, %mul3A_94 : i32
      %broadcast_in_dim3A_96 = arith.constant 0.000000e+00 : f32
      %broadcast_in_dim3A_97 = vector.broadcast %broadcast_in_dim3A_96 : f32 to vector<16xf32>
      %swap3A_98 = arith.index_cast %mul3A_95 : i32 to index
      %swap3A_99 = tpu.vector_load %arg8[%swap3A_98] {strides = array<i32>} : memref<10240xf32, #tpu.memory_space<vmem>>, vector<16xf32>,
      tpu.vector_store %arg8[%swap3A_98], %broadcast_in_dim3A_97 {strides = array<i32>} : memref<10240xf32, #tpu.memory_space<vmem>>, vector<16xf32>,
      %broadcast_in_dim3A_100 = arith.constant 0.000000e+00 : f32
      %broadcast_in_dim3A_101 = vector.broadcast %broadcast_in_dim3A_100 : f32 to vector<16xf32>
      %swap3A_102 = arith.index_cast %mul3A_95 : i32 to index
      %swap3A_103 = tpu.vector_load %arg9[%swap3A_102] {strides = array<i32>} : memref<10240xf32, #tpu.memory_space<vmem>>, vector<16xf32>,
      tpu.vector_store %arg9[%swap3A_102], %broadcast_in_dim3A_101 {strides = array<i32>} : memref<10240xf32, #tpu.memory_space<vmem>>, vector<16xf32>,
      %scan3A_104 = arith.constant 4 : i32
      %scan3A_105 = arith.addi %scan3A_59, %scan3A_104 : i32
      %mul3A_106 = arith.constant 16 : i32
      %mul3A_107 = arith.muli %scan3A_105, %mul3A_106 : i32
      %broadcast_in_dim3A_108 = arith.constant 0.000000e+00 : f32
      %broadcast_in_dim3A_109 = vector.broadcast %broadcast_in_dim3A_108 : f32 to vector<16xf32>
      %swap3A_110 = arith.index_cast %mul3A_107 : i32 to index
      %swap3A_111 = tpu.vector_load %arg8[%swap3A_110] {strides = array<i32>} : memref<10240xf32, #tpu.memory_space<vmem>>, vector<16xf32>,
      tpu.vector_store %arg8[%swap3A_110], %broadcast_in_dim3A_109 {strides = array<i32>} : memref<10240xf32, #tpu.memory_space<vmem>>, vector<16xf32>,
      %broadcast_in_dim3A_112 = arith.constant 0.000000e+00 : f32
      %broadcast_in_dim3A_113 = vector.broadcast %broadcast_in_dim3A_112 : f32 to vector<16xf32>
      %swap3A_114 = arith.index_cast %mul3A_107 : i32 to index
      %swap3A_115 = tpu.vector_load %arg9[%swap3A_114] {strides = array<i32>} : memref<10240xf32, #tpu.memory_space<vmem>>, vector<16xf32>,
      tpu.vector_store %arg9[%swap3A_114], %broadcast_in_dim3A_113 {strides = array<i32>} : memref<10240xf32, #tpu.memory_space<vmem>>, vector<16xf32>,
      %scan3A_116 = arith.constant 5 : i32
      %scan3A_117 = arith.addi %scan3A_59, %scan3A_116 : i32
      %mul3A_118 = arith.constant 16 : i32
      %mul3A_119 = arith.muli %scan3A_117, %mul3A_118 : i32
      %broadcast_in_dim3A_120 = arith.constant 0.000000e+00 : f32
      %broadcast_in_dim3A_121 = vector.broadcast %broadcast_in_dim3A_120 : f32 to vector<16xf32>
      %swap3A_122 = arith.index_cast %mul3A_119 : i32 to index
      %swap3A_123 = tpu.vector_load %arg8[%swap3A_122] {strides = array<i32>} : memref<10240xf32, #tpu.memory_space<vmem>>, vector<16xf32>,
      tpu.vector_store %arg8[%swap3A_122], %broadcast_in_dim3A_121 {strides = array<i32>} : memref<10240xf32, #tpu.memory_space<vmem>>, vector<16xf32>,
      %broadcast_in_dim3A_124 = arith.constant 0.000000e+00 : f32
      %broadcast_in_dim3A_125 = vector.broadcast %broadcast_in_dim3A_124 : f32 to vector<16xf32>
      %swap3A_126 = arith.index_cast %mul3A_119 : i32 to index
      %swap3A_127 = tpu.vector_load %arg9[%swap3A_126] {strides = array<i32>} : memref<10240xf32, #tpu.memory_space<vmem>>, vector<16xf32>,
      tpu.vector_store %arg9[%swap3A_126], %broadcast_in_dim3A_125 {strides = array<i32>} : memref<10240xf32, #tpu.memory_space<vmem>>, vector<16xf32>,
      %scan3A_128 = arith.constant 6 : i32
      %scan3A_129 = arith.addi %scan3A_59, %scan3A_128 : i32
      %mul3A_130 = arith.constant 16 : i32
      %mul3A_131 = arith.muli %scan3A_129, %mul3A_130 : i32
      %broadcast_in_dim3A_132 = arith.constant 0.000000e+00 : f32
      %broadcast_in_dim3A_133 = vector.broadcast %broadcast_in_dim3A_132 : f32 to vector<16xf32>
      %swap3A_134 = arith.index_cast %mul3A_131 : i32 to index
      %swap3A_135 = tpu.vector_load %arg8[%swap3A_134] {strides = array<i32>} : memref<10240xf32, #tpu.memory_space<vmem>>, vector<16xf32>,
      tpu.vector_store %arg8[%swap3A_134], %broadcast_in_dim3A_133 {strides = array<i32>} : memref<10240xf32, #tpu.memory_space<vmem>>, vector<16xf32>,
      %broadcast_in_dim3A_136 = arith.constant 0.000000e+00 : f32
      %broadcast_in_dim3A_137 = vector.broadcast %broadcast_in_dim3A_136 : f32 to vector<16xf32>
      %swap3A_138 = arith.index_cast %mul3A_131 : i32 to index
      %swap3A_139 = tpu.vector_load %arg9[%swap3A_138] {strides = array<i32>} : memref<10240xf32, #tpu.memory_space<vmem>>, vector<16xf32>,
      tpu.vector_store %arg9[%swap3A_138], %broadcast_in_dim3A_137 {strides = array<i32>} : memref<10240xf32, #tpu.memory_space<vmem>>, vector<16xf32>,
      %scan3A_140 = arith.constant 7 : i32
      %scan3A_141 = arith.addi %scan3A_59, %scan3A_140 : i32
      %mul3A_142 = arith.constant 16 : i32
      %mul3A_143 = arith.muli %scan3A_141, %mul3A_142 : i32
      %broadcast_in_dim3A_144 = arith.constant 0.000000e+00 : f32
      %broadcast_in_dim3A_145 = vector.broadcast %broadcast_in_dim3A_144 : f32 to vector<16xf32>
      %swap3A_146 = arith.index_cast %mul3A_143 : i32 to index
      %swap3A_147 = tpu.vector_load %arg8[%swap3A_146] {strides = array<i32>} : memref<10240xf32, #tpu.memory_space<vmem>>, vector<16xf32>,
      tpu.vector_store %arg8[%swap3A_146], %broadcast_in_dim3A_145 {strides = array<i32>} : memref<10240xf32, #tpu.memory_space<vmem>>, vector<16xf32>,
      %broadcast_in_dim3A_148 = arith.constant 0.000000e+00 : f32
      %broadcast_in_dim3A_149 = vector.broadcast %broadcast_in_dim3A_148 : f32 to vector<16xf32>
      %swap3A_150 = arith.index_cast %mul3A_143 : i32 to index
      %swap3A_151 = tpu.vector_load %arg9[%swap3A_150] {strides = array<i32>} : memref<10240xf32, #tpu.memory_space<vmem>>, vector<16xf32>,
      tpu.vector_store %arg9[%swap3A_150], %broadcast_in_dim3A_149 {strides = array<i32>} : memref<10240xf32, #tpu.memory_space<vmem>>, vector<16xf32>,
    }
    %scan3A_15 = arith.constant 640 : i32
    %dma_start3A = arith.constant 0 : i32
    %dma_start3A_16 = tpu.memref_slice %arg4[%dma_start3A] : memref<327680xi32, #tpu.memory_space<hbm>> -> memref<8192xi32, #tpu.memory_space<hbm>>
    %dma_start3A_17 = arith.constant 0 : i32
    %dma_start3A_18 = tpu.memref_slice %arg4[%dma_start3A_17] : memref<327680xi32, #tpu.memory_space<hbm>> -> memref<8192xi32, #tpu.memory_space<hbm>>
    tpu.enqueue_dma source(%dma_start3A_18 : memref<8192xi32, #tpu.memory_space<hbm>>) target(%arg10 : memref<8192xi32, #tpu.memory_space<vmem>>) target_semaphore(%arg14 : memref<!tpu.dma_semaphore, #tpu.memory_space<semaphore_mem>>)
    %dma_start3A_19 = arith.constant 0 : i32
    %dma_start3A_20 = arith.constant 0 : i32
    %dma_start3A_21 = arith.constant 0 : i32
    %dma_start3A_22 = tpu.memref_slice %arg3[%add3A, %dma_start3A_19, %dma_start3A_20, %dma_start3A_21] : memref<32x2x2560x128xf32, #tpu.memory_space<hbm>> -> memref<1x2x64x128xf32, #tpu.memory_space<hbm>>
    %dma_start3A_23 = tpu.memref_squeeze %dma_start3A_22 : memref<1x2x64x128xf32, #tpu.memory_space<hbm>> -> memref<2x64x128xf32, #tpu.memory_space<hbm>>
    %dma_start3A_24 = arith.constant 0 : i32
    %dma_start3A_25 = arith.constant 0 : i32
    %dma_start3A_26 = arith.constant 0 : i32
    %dma_start3A_27 = tpu.memref_slice %arg3[%add3A, %dma_start3A_24, %dma_start3A_25, %dma_start3A_26] : memref<32x2x2560x128xf32, #tpu.memory_space<hbm>> -> memref<1x2x64x128xf32, #tpu.memory_space<hbm>>
    %dma_start3A_28 = tpu.memref_squeeze %dma_start3A_27 : memref<1x2x64x128xf32, #tpu.memory_space<hbm>> -> memref<2x64x128xf32, #tpu.memory_space<hbm>>
    tpu.enqueue_dma source(%dma_start3A_28 : memref<2x64x128xf32, #tpu.memory_space<hbm>>) target(%arg12 : memref<2x64x128xf32, #tpu.memory_space<vmem>>) target_semaphore(%arg16 : memref<!tpu.dma_semaphore, #tpu.memory_space<semaphore_mem>>)
    %dma_start3A_29 = arith.constant 8192 : i32
    %dma_start3A_30 = tpu.memref_slice %arg4[%dma_start3A_29] : memref<327680xi32, #tpu.memory_space<hbm>> -> memref<8192xi32, #tpu.memory_space<hbm>>
    %dma_start3A_31 = arith.constant 8192 : i32
    %dma_start3A_32 = tpu.memref_slice %arg4[%dma_start3A_31] : memref<327680xi32, #tpu.memory_space<hbm>> -> memref<8192xi32, #tpu.memory_space<hbm>>
    tpu.enqueue_dma source(%dma_start3A_32 : memref<8192xi32, #tpu.memory_space<hbm>>) target(%arg11 : memref<8192xi32, #tpu.memory_space<vmem>>) target_semaphore(%arg15 : memref<!tpu.dma_semaphore, #tpu.memory_space<semaphore_mem>>)
    %dma_start3A_33 = arith.constant 0 : i32
    %dma_start3A_34 = arith.constant 64 : i32
    %dma_start3A_35 = arith.constant 0 : i32
    %dma_start3A_36 = tpu.memref_slice %arg3[%add3A, %dma_start3A_33, %dma_start3A_34, %dma_start3A_35] : memref<32x2x2560x128xf32, #tpu.memory_space<hbm>> -> memref<1x2x64x128xf32, #tpu.memory_space<hbm>>
    %dma_start3A_37 = tpu.memref_squeeze %dma_start3A_36 : memref<1x2x64x128xf32, #tpu.memory_space<hbm>> -> memref<2x64x128xf32, #tpu.memory_space<hbm>>
    %dma_start3A_38 = arith.constant 0 : i32
    %dma_start3A_39 = arith.constant 64 : i32
    %dma_start3A_40 = arith.constant 0 : i32
    %dma_start3A_41 = tpu.memref_slice %arg3[%add3A, %dma_start3A_38, %dma_start3A_39, %dma_start3A_40] : memref<32x2x2560x128xf32, #tpu.memory_space<hbm>> -> memref<1x2x64x128xf32, #tpu.memory_space<hbm>>
    %dma_start3A_42 = tpu.memref_squeeze %dma_start3A_41 : memref<1x2x64x128xf32, #tpu.memory_space<hbm>> -> memref<2x64x128xf32, #tpu.memory_space<hbm>>
    tpu.enqueue_dma source(%dma_start3A_42 : memref<2x64x128xf32, #tpu.memory_space<hbm>>) target(%arg13 : memref<2x64x128xf32, #tpu.memory_space<vmem>>) target_semaphore(%arg17 : memref<!tpu.dma_semaphore, #tpu.memory_space<semaphore_mem>>)
    %scan3A_43 = arith.constant 0 : i32
    %scan3A_44 = arith.constant 0 : i32
    %scan3A_45 = arith.constant 20 : i32
    %scan3A_46 = arith.addi %scan3A_44, %scan3A_45 : i32
    %scan3A_47 = arith.constant 1 : i32
    scf.for %scan3A_59 = %scan3A_44 to %scan3A_46 step %scan3A_47  : i32 {
      %mul3A_60 = arith.constant 2 : i32
      %mul3A_61 = arith.muli %mul3A_60, %scan3A_59 : i32
      %mul3A_62 = arith.constant 8192 : i32
      %mul3A_63 = arith.muli %mul3A_61, %mul3A_62 : i32
      %dma_wait3A = tpu.memref_slice %arg4[%mul3A_63] : memref<327680xi32, #tpu.memory_space<hbm>> -> memref<8192xi32, #tpu.memory_space<hbm>>
      %dma_wait3A_64 = tpu.memref_slice %arg4[%mul3A_63] : memref<327680xi32, #tpu.memory_space<hbm>> -> memref<8192xi32, #tpu.memory_space<hbm>>
      tpu.wait_dma2 semaphore(%arg14 : memref<!tpu.dma_semaphore, #tpu.memory_space<semaphore_mem>>) src(%dma_wait3A_64 : memref<8192xi32, #tpu.memory_space<hbm>>) dst(%arg10 : memref<8192xi32, #tpu.memory_space<vmem>>)
      %mul3A_65 = arith.constant 64 : i32
      %mul3A_66 = arith.muli %mul3A_61, %mul3A_65 : i32
      %dma_wait3A_67 = arith.constant 0 : i32
      %dma_wait3A_68 = arith.constant 0 : i32
      %dma_wait3A_69 = tpu.memref_slice %arg3[%add3A, %dma_wait3A_67, %mul3A_66, %dma_wait3A_68] : memref<32x2x2560x128xf32, #tpu.memory_space<hbm>> -> memref<1x2x64x128xf32, #tpu.memory_space<hbm>>
      %dma_wait3A_70 = tpu.memref_squeeze %dma_wait3A_69 : memref<1x2x64x128xf32, #tpu.memory_space<hbm>> -> memref<2x64x128xf32, #tpu.memory_space<hbm>>
      %dma_wait3A_71 = arith.constant 0 : i32
      %dma_wait3A_72 = arith.constant 0 : i32
      %dma_wait3A_73 = tpu.memref_slice %arg3[%add3A, %dma_wait3A_71, %mul3A_66, %dma_wait3A_72] : memref<32x2x2560x128xf32, #tpu.memory_space<hbm>> -> memref<1x2x64x128xf32, #tpu.memory_space<hbm>>
      %dma_wait3A_74 = tpu.memref_squeeze %dma_wait3A_73 : memref<1x2x64x128xf32, #tpu.memory_space<hbm>> -> memref<2x64x128xf32, #tpu.memory_space<hbm>>
      tpu.wait_dma2 semaphore(%arg16 : memref<!tpu.dma_semaphore, #tpu.memory_space<semaphore_mem>>) src(%dma_wait3A_74 : memref<2x64x128xf32, #tpu.memory_space<hbm>>) dst(%arg12 : memref<2x64x128xf32, #tpu.memory_space<vmem>>)
      %parallel_loop3A = arith.constant 0 : i32
      %parallel_loop3A_75 = arith.constant 512 : i32
      %parallel_loop3A_76 = arith.constant 1 : i32
      scf.for %parallel_loop3A_107 = %parallel_loop3A to %parallel_loop3A_75 step %parallel_loop3A_76  : i32 {
        %parallel_loop3A_108 = arith.constant 16 : i32
        %parallel_loop3A_109 = arith.muli %parallel_loop3A_107, %parallel_loop3A_108 : i32
        %parallel_loop3A_110 = arith.index_cast %parallel_loop3A_109 : i32 to index
        %parallel_loop3A_111 = tpu.vector_load %arg10[%parallel_loop3A_110] {strides = array<i32>} : memref<8192xi32, #tpu.memory_space<vmem>>, vector<16xi32>,
        %parallel_loop3A_112 = arith.constant 14 : i32
        %parallel_loop3A_113 = vector.broadcast %parallel_loop3A_112 : i32 to vector<16xi32>
        %parallel_loop3A_114 = arith.shrui %parallel_loop3A_111, %parallel_loop3A_113 : vector<16xi32>
        %parallel_loop3A_115 = arith.constant 16383 : i32
        %parallel_loop3A_116 = vector.broadcast %parallel_loop3A_115 : i32 to vector<16xi32>
        %parallel_loop3A_117 = arith.andi %parallel_loop3A_111, %parallel_loop3A_116 : vector<16xi32>
        %parallel_loop3A_118 = arith.constant 8 : i32
        %parallel_loop3A_119 = arith.divsi %parallel_loop3A_107, %parallel_loop3A_118 : i32
        %parallel_loop3A_120 = arith.constant 0 : i32
        %parallel_loop3A_121 = arith.cmpi sgt, %parallel_loop3A_107, %parallel_loop3A_120 : i32
        %parallel_loop3A_122 = arith.extui %parallel_loop3A_121 : i1 to i32
        %parallel_loop3A_123 = arith.constant 0 : i32
        %parallel_loop3A_124 = arith.cmpi slt, %parallel_loop3A_107, %parallel_loop3A_123 : i32
        %parallel_loop3A_125 = arith.extui %parallel_loop3A_124 : i1 to i32
        %parallel_loop3A_126 = arith.subi %parallel_loop3A_122, %parallel_loop3A_125 : i32
        %parallel_loop3A_127 = arith.constant 0 : i32
        %parallel_loop3A_128 = arith.cmpi sgt, %parallel_loop3A_118, %parallel_loop3A_127 : i32
        %parallel_loop3A_129 = arith.extui %parallel_loop3A_128 : i1 to i32
        %parallel_loop3A_130 = arith.constant 0 : i32
        %parallel_loop3A_131 = arith.cmpi slt, %parallel_loop3A_118, %parallel_loop3A_130 : i32
        %parallel_loop3A_132 = arith.extui %parallel_loop3A_131 : i1 to i32
        %parallel_loop3A_133 = arith.subi %parallel_loop3A_129, %parallel_loop3A_132 : i32
        %parallel_loop3A_134 = arith.cmpi ne, %parallel_loop3A_126, %parallel_loop3A_133 : i32
        %parallel_loop3A_135 = arith.remsi %parallel_loop3A_107, %parallel_loop3A_118 : i32
        %parallel_loop3A_136 = arith.constant 0 : i32
        %parallel_loop3A_137 = arith.cmpi ne, %parallel_loop3A_135, %parallel_loop3A_136 : i32
        %parallel_loop3A_138 = arith.andi %parallel_loop3A_134, %parallel_loop3A_137 : i1
        %parallel_loop3A_139 = arith.constant 1 : i32
        %parallel_loop3A_140 = arith.subi %parallel_loop3A_119, %parallel_loop3A_139 : i32
        %parallel_loop3A_141 = arith.select %parallel_loop3A_138, %parallel_loop3A_140, %parallel_loop3A_119 : i32
        %parallel_loop3A_142 = arith.constant 8 : i32
        %parallel_loop3A_143 = arith.constant 0 : i32
        %parallel_loop3A_144 = arith.cmpi eq, %parallel_loop3A_142, %parallel_loop3A_143 : i32
        %parallel_loop3A_145 = arith.constant 1 : i32
        %parallel_loop3A_146 = arith.select %parallel_loop3A_144, %parallel_loop3A_145, %parallel_loop3A_142 : i32
        %parallel_loop3A_147 = arith.remsi %parallel_loop3A_107, %parallel_loop3A_146 : i32
        %parallel_loop3A_148 = arith.constant 0 : i32
        %parallel_loop3A_149 = arith.cmpi ne, %parallel_loop3A_147, %parallel_loop3A_148 : i32
        %parallel_loop3A_150 = arith.constant 0 : i32
        %parallel_loop3A_151 = arith.cmpi slt, %parallel_loop3A_147, %parallel_loop3A_150 : i32
        %parallel_loop3A_152 = arith.constant 0 : i32
        %parallel_loop3A_153 = arith.cmpi slt, %parallel_loop3A_146, %parallel_loop3A_152 : i32
        %parallel_loop3A_154 = arith.xori %parallel_loop3A_151, %parallel_loop3A_153 : i1
        %parallel_loop3A_155 = arith.andi %parallel_loop3A_154, %parallel_loop3A_149 : i1
        %parallel_loop3A_156 = arith.addi %parallel_loop3A_147, %parallel_loop3A_146 : i32
        %parallel_loop3A_157 = arith.select %parallel_loop3A_155, %parallel_loop3A_156, %parallel_loop3A_147 : i32
        %parallel_loop3A_158 = arith.constant 16 : i32
        %parallel_loop3A_159 = arith.muli %parallel_loop3A_157, %parallel_loop3A_158 : i32
        %parallel_loop3A_160 = tpu.vector_load_idx %arg6[%parallel_loop3A_114] : memref<10240xf32, #tpu.memory_space<vmem>>[vector<16xi32>], vector<16xf32>,
        %parallel_loop3A_161 = arith.constant 0 : i32
        %parallel_loop3A_162 = arith.index_cast %parallel_loop3A_161 : i32 to index
        %parallel_loop3A_163 = arith.index_cast %parallel_loop3A_141 : i32 to index
        %parallel_loop3A_164 = arith.index_cast %parallel_loop3A_159 : i32 to index
        %parallel_loop3A_165 = tpu.vector_load %arg12[%parallel_loop3A_162, %parallel_loop3A_163, %parallel_loop3A_164] {strides = array<i32>} : memref<2x64x128xf32, #tpu.memory_space<vmem>>, vector<16xf32>,
        %parallel_loop3A_166 = arith.addf %parallel_loop3A_160, %parallel_loop3A_165 : vector<16xf32>
        %parallel_loop3A_167 = arith.constant 0.000000e+00 : f32
        %parallel_loop3A_168 = vector.broadcast %parallel_loop3A_167 : f32 to vector<16xf32>
        %parallel_loop3A_169 = arith.maximumf %parallel_loop3A_166, %parallel_loop3A_168 : vector<16xf32>
        tpu.vector_store_idx %arg8[%parallel_loop3A_117], %parallel_loop3A_169 {add = true} : memref<10240xf32, #tpu.memory_space<vmem>>[vector<16xi32>], vector<16xf32>,
        %parallel_loop3A_170 = tpu.vector_load_idx %arg7[%parallel_loop3A_114] : memref<10240xf32, #tpu.memory_space<vmem>>[vector<16xi32>], vector<16xf32>,
        %parallel_loop3A_171 = arith.constant 1 : i32
        %parallel_loop3A_172 = arith.index_cast %parallel_loop3A_171 : i32 to index
        %parallel_loop3A_173 = arith.index_cast %parallel_loop3A_141 : i32 to index
        %parallel_loop3A_174 = arith.index_cast %parallel_loop3A_159 : i32 to index
        %parallel_loop3A_175 = tpu.vector_load %arg12[%parallel_loop3A_172, %parallel_loop3A_173, %parallel_loop3A_174] {strides = array<i32>} : memref<2x64x128xf32, #tpu.memory_space<vmem>>, vector<16xf32>,
        %parallel_loop3A_176 = arith.addf %parallel_loop3A_170, %parallel_loop3A_175 : vector<16xf32>
        %parallel_loop3A_177 = arith.constant 0.000000e+00 : f32
        %parallel_loop3A_178 = vector.broadcast %parallel_loop3A_177 : f32 to vector<16xf32>
        %parallel_loop3A_179 = arith.maximumf %parallel_loop3A_176, %parallel_loop3A_178 : vector<16xf32>
        tpu.vector_store_idx %arg9[%parallel_loop3A_117], %parallel_loop3A_179 {add = true} : memref<10240xf32, #tpu.memory_space<vmem>>[vector<16xi32>], vector<16xf32>,
      } {sc.loop_unroll_factor = 4 : i64, sc.parallel_access}
      %add3A_77 = arith.constant 2 : i32
      %add3A_78 = arith.addi %mul3A_61, %add3A_77 : i32
      %lt3A = arith.constant 40 : i32
      %lt3A_79 = arith.cmpi slt, %add3A_78, %lt3A : i32
      %convert_element_type3A = arith.extui %lt3A_79 : i1 to i32
      %cond3A = arith.constant 0 : i32
      %cond3A_80 = arith.cmpi ne, %convert_element_type3A, %cond3A : i32
      scf.if %cond3A_80 {
        %add3A_107 = arith.constant 2 : i32
        %add3A_108 = arith.addi %mul3A_61, %add3A_107 : i32
        %mul3A_109 = arith.constant 8192 : i32
        %mul3A_110 = arith.muli %add3A_108, %mul3A_109 : i32
        %dma_start3A_111 = tpu.memref_slice %arg4[%mul3A_110] : memref<327680xi32, #tpu.memory_space<hbm>> -> memref<8192xi32, #tpu.memory_space<hbm>>
        %dma_start3A_112 = tpu.memref_slice %arg4[%mul3A_110] : memref<327680xi32, #tpu.memory_space<hbm>> -> memref<8192xi32, #tpu.memory_space<hbm>>
        tpu.enqueue_dma source(%dma_start3A_112 : memref<8192xi32, #tpu.memory_space<hbm>>) target(%arg10 : memref<8192xi32, #tpu.memory_space<vmem>>) target_semaphore(%arg14 : memref<!tpu.dma_semaphore, #tpu.memory_space<semaphore_mem>>)
        %mul3A_113 = arith.constant 64 : i32
        %mul3A_114 = arith.muli %add3A_108, %mul3A_113 : i32
        %dma_start3A_115 = arith.constant 0 : i32
        %dma_start3A_116 = arith.constant 0 : i32
        %dma_start3A_117 = tpu.memref_slice %arg3[%add3A, %dma_start3A_115, %mul3A_114, %dma_start3A_116] : memref<32x2x2560x128xf32, #tpu.memory_space<hbm>> -> memref<1x2x64x128xf32, #tpu.memory_space<hbm>>
        %dma_start3A_118 = tpu.memref_squeeze %dma_start3A_117 : memref<1x2x64x128xf32, #tpu.memory_space<hbm>> -> memref<2x64x128xf32, #tpu.memory_space<hbm>>
        %dma_start3A_119 = arith.constant 0 : i32
        %dma_start3A_120 = arith.constant 0 : i32
        %dma_start3A_121 = tpu.memref_slice %arg3[%add3A, %dma_start3A_119, %mul3A_114, %dma_start3A_120] : memref<32x2x2560x128xf32, #tpu.memory_space<hbm>> -> memref<1x2x64x128xf32, #tpu.memory_space<hbm>>
        %dma_start3A_122 = tpu.memref_squeeze %dma_start3A_121 : memref<1x2x64x128xf32, #tpu.memory_space<hbm>> -> memref<2x64x128xf32, #tpu.memory_space<hbm>>
        tpu.enqueue_dma source(%dma_start3A_122 : memref<2x64x128xf32, #tpu.memory_space<hbm>>) target(%arg12 : memref<2x64x128xf32, #tpu.memory_space<vmem>>) target_semaphore(%arg16 : memref<!tpu.dma_semaphore, #tpu.memory_space<semaphore_mem>>)
      } else {
      }
      %add3A_81 = arith.constant 1 : i32
      %add3A_82 = arith.addi %mul3A_61, %add3A_81 : i32
      %mul3A_83 = arith.constant 8192 : i32
      %mul3A_84 = arith.muli %add3A_82, %mul3A_83 : i32
      %dma_wait3A_85 = tpu.memref_slice %arg4[%mul3A_84] : memref<327680xi32, #tpu.memory_space<hbm>> -> memref<8192xi32, #tpu.memory_space<hbm>>
      %dma_wait3A_86 = tpu.memref_slice %arg4[%mul3A_84] : memref<327680xi32, #tpu.memory_space<hbm>> -> memref<8192xi32, #tpu.memory_space<hbm>>
      tpu.wait_dma2 semaphore(%arg15 : memref<!tpu.dma_semaphore, #tpu.memory_space<semaphore_mem>>) src(%dma_wait3A_86 : memref<8192xi32, #tpu.memory_space<hbm>>) dst(%arg11 : memref<8192xi32, #tpu.memory_space<vmem>>)
      %mul3A_87 = arith.constant 64 : i32
      %mul3A_88 = arith.muli %add3A_82, %mul3A_87 : i32
      %dma_wait3A_89 = arith.constant 0 : i32
      %dma_wait3A_90 = arith.constant 0 : i32
      %dma_wait3A_91 = tpu.memref_slice %arg3[%add3A, %dma_wait3A_89, %mul3A_88, %dma_wait3A_90] : memref<32x2x2560x128xf32, #tpu.memory_space<hbm>> -> memref<1x2x64x128xf32, #tpu.memory_space<hbm>>
      %dma_wait3A_92 = tpu.memref_squeeze %dma_wait3A_91 : memref<1x2x64x128xf32, #tpu.memory_space<hbm>> -> memref<2x64x128xf32, #tpu.memory_space<hbm>>
      %dma_wait3A_93 = arith.constant 0 : i32
      %dma_wait3A_94 = arith.constant 0 : i32
      %dma_wait3A_95 = tpu.memref_slice %arg3[%add3A, %dma_wait3A_93, %mul3A_88, %dma_wait3A_94] : memref<32x2x2560x128xf32, #tpu.memory_space<hbm>> -> memref<1x2x64x128xf32, #tpu.memory_space<hbm>>
      %dma_wait3A_96 = tpu.memref_squeeze %dma_wait3A_95 : memref<1x2x64x128xf32, #tpu.memory_space<hbm>> -> memref<2x64x128xf32, #tpu.memory_space<hbm>>
      tpu.wait_dma2 semaphore(%arg17 : memref<!tpu.dma_semaphore, #tpu.memory_space<semaphore_mem>>) src(%dma_wait3A_96 : memref<2x64x128xf32, #tpu.memory_space<hbm>>) dst(%arg13 : memref<2x64x128xf32, #tpu.memory_space<vmem>>)
      %parallel_loop3A_97 = arith.constant 0 : i32
      %parallel_loop3A_98 = arith.constant 512 : i32
      %parallel_loop3A_99 = arith.constant 1 : i32
      scf.for %parallel_loop3A_107 = %parallel_loop3A_97 to %parallel_loop3A_98 step %parallel_loop3A_99  : i32 {
        %parallel_loop3A_108 = arith.constant 16 : i32
        %parallel_loop3A_109 = arith.muli %parallel_loop3A_107, %parallel_loop3A_108 : i32
        %parallel_loop3A_110 = arith.index_cast %parallel_loop3A_109 : i32 to index
        %parallel_loop3A_111 = tpu.vector_load %arg11[%parallel_loop3A_110] {strides = array<i32>} : memref<8192xi32, #tpu.memory_space<vmem>>, vector<16xi32>,
        %parallel_loop3A_112 = arith.constant 14 : i32
        %parallel_loop3A_113 = vector.broadcast %parallel_loop3A_112 : i32 to vector<16xi32>
        %parallel_loop3A_114 = arith.shrui %parallel_loop3A_111, %parallel_loop3A_113 : vector<16xi32>
        %parallel_loop3A_115 = arith.constant 16383 : i32
        %parallel_loop3A_116 = vector.broadcast %parallel_loop3A_115 : i32 to vector<16xi32>
        %parallel_loop3A_117 = arith.andi %parallel_loop3A_111, %parallel_loop3A_116 : vector<16xi32>
        %parallel_loop3A_118 = arith.constant 8 : i32
        %parallel_loop3A_119 = arith.divsi %parallel_loop3A_107, %parallel_loop3A_118 : i32
        %parallel_loop3A_120 = arith.constant 0 : i32
        %parallel_loop3A_121 = arith.cmpi sgt, %parallel_loop3A_107, %parallel_loop3A_120 : i32
        %parallel_loop3A_122 = arith.extui %parallel_loop3A_121 : i1 to i32
        %parallel_loop3A_123 = arith.constant 0 : i32
        %parallel_loop3A_124 = arith.cmpi slt, %parallel_loop3A_107, %parallel_loop3A_123 : i32
        %parallel_loop3A_125 = arith.extui %parallel_loop3A_124 : i1 to i32
        %parallel_loop3A_126 = arith.subi %parallel_loop3A_122, %parallel_loop3A_125 : i32
        %parallel_loop3A_127 = arith.constant 0 : i32
        %parallel_loop3A_128 = arith.cmpi sgt, %parallel_loop3A_118, %parallel_loop3A_127 : i32
        %parallel_loop3A_129 = arith.extui %parallel_loop3A_128 : i1 to i32
        %parallel_loop3A_130 = arith.constant 0 : i32
        %parallel_loop3A_131 = arith.cmpi slt, %parallel_loop3A_118, %parallel_loop3A_130 : i32
        %parallel_loop3A_132 = arith.extui %parallel_loop3A_131 : i1 to i32
        %parallel_loop3A_133 = arith.subi %parallel_loop3A_129, %parallel_loop3A_132 : i32
        %parallel_loop3A_134 = arith.cmpi ne, %parallel_loop3A_126, %parallel_loop3A_133 : i32
        %parallel_loop3A_135 = arith.remsi %parallel_loop3A_107, %parallel_loop3A_118 : i32
        %parallel_loop3A_136 = arith.constant 0 : i32
        %parallel_loop3A_137 = arith.cmpi ne, %parallel_loop3A_135, %parallel_loop3A_136 : i32
        %parallel_loop3A_138 = arith.andi %parallel_loop3A_134, %parallel_loop3A_137 : i1
        %parallel_loop3A_139 = arith.constant 1 : i32
        %parallel_loop3A_140 = arith.subi %parallel_loop3A_119, %parallel_loop3A_139 : i32
        %parallel_loop3A_141 = arith.select %parallel_loop3A_138, %parallel_loop3A_140, %parallel_loop3A_119 : i32
        %parallel_loop3A_142 = arith.constant 8 : i32
        %parallel_loop3A_143 = arith.constant 0 : i32
        %parallel_loop3A_144 = arith.cmpi eq, %parallel_loop3A_142, %parallel_loop3A_143 : i32
        %parallel_loop3A_145 = arith.constant 1 : i32
        %parallel_loop3A_146 = arith.select %parallel_loop3A_144, %parallel_loop3A_145, %parallel_loop3A_142 : i32
        %parallel_loop3A_147 = arith.remsi %parallel_loop3A_107, %parallel_loop3A_146 : i32
        %parallel_loop3A_148 = arith.constant 0 : i32
        %parallel_loop3A_149 = arith.cmpi ne, %parallel_loop3A_147, %parallel_loop3A_148 : i32
        %parallel_loop3A_150 = arith.constant 0 : i32
        %parallel_loop3A_151 = arith.cmpi slt, %parallel_loop3A_147, %parallel_loop3A_150 : i32
        %parallel_loop3A_152 = arith.constant 0 : i32
        %parallel_loop3A_153 = arith.cmpi slt, %parallel_loop3A_146, %parallel_loop3A_152 : i32
        %parallel_loop3A_154 = arith.xori %parallel_loop3A_151, %parallel_loop3A_153 : i1
        %parallel_loop3A_155 = arith.andi %parallel_loop3A_154, %parallel_loop3A_149 : i1
        %parallel_loop3A_156 = arith.addi %parallel_loop3A_147, %parallel_loop3A_146 : i32
        %parallel_loop3A_157 = arith.select %parallel_loop3A_155, %parallel_loop3A_156, %parallel_loop3A_147 : i32
        %parallel_loop3A_158 = arith.constant 16 : i32
        %parallel_loop3A_159 = arith.muli %parallel_loop3A_157, %parallel_loop3A_158 : i32
        %parallel_loop3A_160 = tpu.vector_load_idx %arg6[%parallel_loop3A_114] : memref<10240xf32, #tpu.memory_space<vmem>>[vector<16xi32>], vector<16xf32>,
        %parallel_loop3A_161 = arith.constant 0 : i32
        %parallel_loop3A_162 = arith.index_cast %parallel_loop3A_161 : i32 to index
        %parallel_loop3A_163 = arith.index_cast %parallel_loop3A_141 : i32 to index
        %parallel_loop3A_164 = arith.index_cast %parallel_loop3A_159 : i32 to index
        %parallel_loop3A_165 = tpu.vector_load %arg13[%parallel_loop3A_162, %parallel_loop3A_163, %parallel_loop3A_164] {strides = array<i32>} : memref<2x64x128xf32, #tpu.memory_space<vmem>>, vector<16xf32>,
        %parallel_loop3A_166 = arith.addf %parallel_loop3A_160, %parallel_loop3A_165 : vector<16xf32>
        %parallel_loop3A_167 = arith.constant 0.000000e+00 : f32
        %parallel_loop3A_168 = vector.broadcast %parallel_loop3A_167 : f32 to vector<16xf32>
        %parallel_loop3A_169 = arith.maximumf %parallel_loop3A_166, %parallel_loop3A_168 : vector<16xf32>
        tpu.vector_store_idx %arg8[%parallel_loop3A_117], %parallel_loop3A_169 {add = true} : memref<10240xf32, #tpu.memory_space<vmem>>[vector<16xi32>], vector<16xf32>,
        %parallel_loop3A_170 = tpu.vector_load_idx %arg7[%parallel_loop3A_114] : memref<10240xf32, #tpu.memory_space<vmem>>[vector<16xi32>], vector<16xf32>,
        %parallel_loop3A_171 = arith.constant 1 : i32
        %parallel_loop3A_172 = arith.index_cast %parallel_loop3A_171 : i32 to index
        %parallel_loop3A_173 = arith.index_cast %parallel_loop3A_141 : i32 to index
        %parallel_loop3A_174 = arith.index_cast %parallel_loop3A_159 : i32 to index
        %parallel_loop3A_175 = tpu.vector_load %arg13[%parallel_loop3A_172, %parallel_loop3A_173, %parallel_loop3A_174] {strides = array<i32>} : memref<2x64x128xf32, #tpu.memory_space<vmem>>, vector<16xf32>,
        %parallel_loop3A_176 = arith.addf %parallel_loop3A_170, %parallel_loop3A_175 : vector<16xf32>
        %parallel_loop3A_177 = arith.constant 0.000000e+00 : f32
        %parallel_loop3A_178 = vector.broadcast %parallel_loop3A_177 : f32 to vector<16xf32>
        %parallel_loop3A_179 = arith.maximumf %parallel_loop3A_176, %parallel_loop3A_178 : vector<16xf32>
        tpu.vector_store_idx %arg9[%parallel_loop3A_117], %parallel_loop3A_179 {add = true} : memref<10240xf32, #tpu.memory_space<vmem>>[vector<16xi32>], vector<16xf32>,
      } {sc.loop_unroll_factor = 4 : i64, sc.parallel_access}
      %add3A_100 = arith.constant 3 : i32
      %add3A_101 = arith.addi %mul3A_61, %add3A_100 : i32
      %lt3A_102 = arith.constant 40 : i32
      %lt3A_103 = arith.cmpi slt, %add3A_101, %lt3A_102 : i32
      %convert_element_type3A_104 = arith.extui %lt3A_103 : i1 to i32
      %cond3A_105 = arith.constant 0 : i32
      %cond3A_106 = arith.cmpi ne, %convert_element_type3A_104, %cond3A_105 : i32
      scf.if %cond3A_106 {
        %add3A_107 = arith.constant 3 : i32
        %add3A_108 = arith.addi %mul3A_61, %add3A_107 : i32
        %mul3A_109 = arith.constant 8192 : i32
        %mul3A_110 = arith.muli %add3A_108, %mul3A_109 : i32
        %dma_start3A_111 = tpu.memref_slice %arg4[%mul3A_110] : memref<327680xi32, #tpu.memory_space<hbm>> -> memref<8192xi32, #tpu.memory_space<hbm>>
        %dma_start3A_112 = tpu.memref_slice %arg4[%mul3A_110] : memref<327680xi32, #tpu.memory_space<hbm>> -> memref<8192xi32, #tpu.memory_space<hbm>>
        tpu.enqueue_dma source(%dma_start3A_112 : memref<8192xi32, #tpu.memory_space<hbm>>) target(%arg11 : memref<8192xi32, #tpu.memory_space<vmem>>) target_semaphore(%arg15 : memref<!tpu.dma_semaphore, #tpu.memory_space<semaphore_mem>>)
        %mul3A_113 = arith.constant 64 : i32
        %mul3A_114 = arith.muli %add3A_108, %mul3A_113 : i32
        %dma_start3A_115 = arith.constant 0 : i32
        %dma_start3A_116 = arith.constant 0 : i32
        %dma_start3A_117 = tpu.memref_slice %arg3[%add3A, %dma_start3A_115, %mul3A_114, %dma_start3A_116] : memref<32x2x2560x128xf32, #tpu.memory_space<hbm>> -> memref<1x2x64x128xf32, #tpu.memory_space<hbm>>
        %dma_start3A_118 = tpu.memref_squeeze %dma_start3A_117 : memref<1x2x64x128xf32, #tpu.memory_space<hbm>> -> memref<2x64x128xf32, #tpu.memory_space<hbm>>
        %dma_start3A_119 = arith.constant 0 : i32
        %dma_start3A_120 = arith.constant 0 : i32
        %dma_start3A_121 = tpu.memref_slice %arg3[%add3A, %dma_start3A_119, %mul3A_114, %dma_start3A_120] : memref<32x2x2560x128xf32, #tpu.memory_space<hbm>> -> memref<1x2x64x128xf32, #tpu.memory_space<hbm>>
        %dma_start3A_122 = tpu.memref_squeeze %dma_start3A_121 : memref<1x2x64x128xf32, #tpu.memory_space<hbm>> -> memref<2x64x128xf32, #tpu.memory_space<hbm>>
        tpu.enqueue_dma source(%dma_start3A_122 : memref<2x64x128xf32, #tpu.memory_space<hbm>>) target(%arg13 : memref<2x64x128xf32, #tpu.memory_space<vmem>>) target_semaphore(%arg17 : memref<!tpu.dma_semaphore, #tpu.memory_space<semaphore_mem>>)
      } else {
      }
    }
    %scan3A_48 = arith.constant 20 : i32
    %barrier3A = arith.constant 0 : index
    tpu.barrier barrier_id(%barrier3A)
    %mul3A_49 = arith.constant 2 : i32
    %mul3A_50 = arith.muli %add3A, %mul3A_49 : i32
    %mul3A_51 = arith.constant 10240 : i32
    %mul3A_52 = arith.muli %mul3A_50, %mul3A_51 : i32
    "tpu.region"() ({
      %run_scoped3A = tpu.sem_alloc : memref<!tpu.dma_semaphore, #tpu.memory_space<semaphore_mem>>
      %dma_start3A_59 = tpu.memref_slice %arg5[%mul3A_52] : memref<655360xf32, #tpu.memory_space<hbm>> -> memref<10240xf32, #tpu.memory_space<hbm>>
      %dma_start3A_60 = tpu.memref_slice %arg5[%mul3A_52] : memref<655360xf32, #tpu.memory_space<hbm>> -> memref<10240xf32, #tpu.memory_space<hbm>>
      tpu.enqueue_dma source(%arg8 : memref<10240xf32, #tpu.memory_space<vmem>>) target(%dma_start3A_60 : memref<10240xf32, #tpu.memory_space<hbm>>) target_semaphore(%run_scoped3A : memref<!tpu.dma_semaphore, #tpu.memory_space<semaphore_mem>>)
      %dma_wait3A = tpu.memref_slice %arg5[%mul3A_52] : memref<655360xf32, #tpu.memory_space<hbm>> -> memref<10240xf32, #tpu.memory_space<hbm>>
      %dma_wait3A_61 = tpu.memref_slice %arg5[%mul3A_52] : memref<655360xf32, #tpu.memory_space<hbm>> -> memref<10240xf32, #tpu.memory_space<hbm>>
      tpu.wait_dma2 semaphore(%run_scoped3A : memref<!tpu.dma_semaphore, #tpu.memory_space<semaphore_mem>>) src(%arg8 : memref<10240xf32, #tpu.memory_space<vmem>>) dst(%dma_wait3A_61 : memref<10240xf32, #tpu.memory_space<hbm>>)
      tpu.yield
    }) : () -> ()
    %mul3A_53 = arith.constant 2 : i32
    %mul3A_54 = arith.muli %add3A, %mul3A_53 : i32
    %add3A_55 = arith.constant 1 : i32
    %add3A_56 = arith.addi %mul3A_54, %add3A_55 : i32
    %mul3A_57 = arith.constant 10240 : i32
    %mul3A_58 = arith.muli %add3A_56, %mul3A_57 : i32
    "tpu.region"() ({
      %run_scoped3A = tpu.sem_alloc : memref<!tpu.dma_semaphore, #tpu.memory_space<semaphore_mem>>
      %dma_start3A_59 = tpu.memref_slice %arg5[%mul3A_58] : memref<655360xf32, #tpu.memory_space<hbm>> -> memref<10240xf32, #tpu.memory_space<hbm>>
      %dma_start3A_60 = tpu.memref_slice %arg5[%mul3A_58] : memref<655360xf32, #tpu.memory_space<hbm>> -> memref<10240xf32, #tpu.memory_space<hbm>>
      tpu.enqueue_dma source(%arg9 : memref<10240xf32, #tpu.memory_space<vmem>>) target(%dma_start3A_60 : memref<10240xf32, #tpu.memory_space<hbm>>) target_semaphore(%run_scoped3A : memref<!tpu.dma_semaphore, #tpu.memory_space<semaphore_mem>>)
      %dma_wait3A = tpu.memref_slice %arg5[%mul3A_58] : memref<655360xf32, #tpu.memory_space<hbm>> -> memref<10240xf32, #tpu.memory_space<hbm>>
      %dma_wait3A_61 = tpu.memref_slice %arg5[%mul3A_58] : memref<655360xf32, #tpu.memory_space<hbm>> -> memref<10240xf32, #tpu.memory_space<hbm>>
      tpu.wait_dma2 semaphore(%run_scoped3A : memref<!tpu.dma_semaphore, #tpu.memory_space<semaphore_mem>>) src(%arg9 : memref<10240xf32, #tpu.memory_space<vmem>>) dst(%dma_wait3A_61 : memref<10240xf32, #tpu.memory_space<hbm>>)
      tpu.yield
    }) : () -> ()
    return
  }
}

#map = affine_map<(d0, d1) -> (0)>
#map1 = affine_map<(d0, d1) -> (0, 0, 0, 0)>
module attributes {stable_mosaic.version = 14 : i64} {
  func.func @_sc_body(%arg0: i32, %arg1: i32, %arg2: memref<655360xf32, #tpu.memory_space<hbm>>, %arg3: memref<32x2x2560x128xf32, #tpu.memory_space<hbm>>, %arg4: memref<327680xi32, #tpu.memory_space<hbm>>, %arg5: memref<655360xf32, #tpu.memory_space<hbm>>, %arg6: memref<10240xf32, #tpu.memory_space<vmem>>, %arg7: memref<10240xf32, #tpu.memory_space<vmem>>, %arg8: memref<10240xf32, #tpu.memory_space<vmem>>, %arg9: memref<10240xf32, #tpu.memory_space<vmem>>, %arg10: memref<8192xi32, #tpu.memory_space<vmem>>, %arg11: memref<8192xi32, #tpu.memory_space<vmem>>, %arg12: memref<2x64x128xf32, #tpu.memory_space<vmem>>, %arg13: memref<2x64x128xf32, #tpu.memory_space<vmem>>, %arg14: memref<!tpu.dma_semaphore, #tpu.memory_space<semaphore_mem>>, %arg15: memref<!tpu.dma_semaphore, #tpu.memory_space<semaphore_mem>>, %arg16: memref<!tpu.dma_semaphore, #tpu.memory_space<semaphore_mem>>, %arg17: memref<!tpu.dma_semaphore, #tpu.memory_space<semaphore_mem>>) attributes {dimension_semantics = [#tpu.dimension_semantics<core_parallel>, #tpu.dimension_semantics<subcore_parallel>], iteration_bounds = array<i64: 2, 16>, scalar_prefetch = 0 : i64, scratch_operands = 12 : i64, tpu.core_type = #tpu.core_type<sc_vector_subcore>, window_params = [{transform_indices = #map}, {transform_indices = #map1}, {transform_indices = #map}, {transform_indices = #map}]} {
    %mul3A = arith.constant 2 : i32
    %mul3A_0 = arith.muli %arg1, %mul3A : i32
    %add3A = arith.addi %mul3A_0, %arg0 : i32
    %mul3A_1 = arith.constant 2 : i32
    %mul3A_2 = arith.muli %add3A, %mul3A_1 : i32
    %mul3A_3 = arith.constant 10240 : i32
    %mul3A_4 = arith.muli %mul3A_2, %mul3A_3 : i32
    "tpu.region"() ({
      %run_scoped3A = tpu.sem_alloc : memref<!tpu.dma_semaphore, #tpu.memory_space<semaphore_mem>>
      %dma_start3A_59 = tpu.memref_slice %arg2[%mul3A_4] : memref<655360xf32, #tpu.memory_space<hbm>> -> memref<10240xf32, #tpu.memory_space<hbm>>
      %dma_start3A_60 = tpu.memref_slice %arg2[%mul3A_4] : memref<655360xf32, #tpu.memory_space<hbm>> -> memref<10240xf32, #tpu.memory_space<hbm>>
      tpu.enqueue_dma source(%dma_start3A_60 : memref<10240xf32, #tpu.memory_space<hbm>>) target(%arg6 : memref<10240xf32, #tpu.memory_space<vmem>>) target_semaphore(%run_scoped3A : memref<!tpu.dma_semaphore, #tpu.memory_space<semaphore_mem>>)
      %dma_wait3A = tpu.memref_slice %arg2[%mul3A_4] : memref<655360xf32, #tpu.memory_space<hbm>> -> memref<10240xf32, #tpu.memory_space<hbm>>
      %dma_wait3A_61 = tpu.memref_slice %arg2[%mul3A_4] : memref<655360xf32, #tpu.memory_space<hbm>> -> memref<10240xf32, #tpu.memory_space<hbm>>
      tpu.wait_dma2 semaphore(%run_scoped3A : memref<!tpu.dma_semaphore, #tpu.memory_space<semaphore_mem>>) src(%dma_wait3A_61 : memref<10240xf32, #tpu.memory_space<hbm>>) dst(%arg6 : memref<10240xf32, #tpu.memory_space<vmem>>)
      tpu.yield
    }) : () -> ()
    %mul3A_5 = arith.constant 2 : i32
    %mul3A_6 = arith.muli %add3A, %mul3A_5 : i32
    %add3A_7 = arith.constant 1 : i32
    %add3A_8 = arith.addi %mul3A_6, %add3A_7 : i32
    %mul3A_9 = arith.constant 10240 : i32
    %mul3A_10 = arith.muli %add3A_8, %mul3A_9 : i32
    "tpu.region"() ({
      %run_scoped3A = tpu.sem_alloc : memref<!tpu.dma_semaphore, #tpu.memory_space<semaphore_mem>>
      %dma_start3A_59 = tpu.memref_slice %arg2[%mul3A_10] : memref<655360xf32, #tpu.memory_space<hbm>> -> memref<10240xf32, #tpu.memory_space<hbm>>
      %dma_start3A_60 = tpu.memref_slice %arg2[%mul3A_10] : memref<655360xf32, #tpu.memory_space<hbm>> -> memref<10240xf32, #tpu.memory_space<hbm>>
      tpu.enqueue_dma source(%dma_start3A_60 : memref<10240xf32, #tpu.memory_space<hbm>>) target(%arg7 : memref<10240xf32, #tpu.memory_space<vmem>>) target_semaphore(%run_scoped3A : memref<!tpu.dma_semaphore, #tpu.memory_space<semaphore_mem>>)
      %dma_wait3A = tpu.memref_slice %arg2[%mul3A_10] : memref<655360xf32, #tpu.memory_space<hbm>> -> memref<10240xf32, #tpu.memory_space<hbm>>
      %dma_wait3A_61 = tpu.memref_slice %arg2[%mul3A_10] : memref<655360xf32, #tpu.memory_space<hbm>> -> memref<10240xf32, #tpu.memory_space<hbm>>
      tpu.wait_dma2 semaphore(%run_scoped3A : memref<!tpu.dma_semaphore, #tpu.memory_space<semaphore_mem>>) src(%dma_wait3A_61 : memref<10240xf32, #tpu.memory_space<hbm>>) dst(%arg7 : memref<10240xf32, #tpu.memory_space<vmem>>)
      tpu.yield
    }) : () -> ()
    %scan3A = arith.constant 0 : i32
    %scan3A_11 = arith.constant 0 : i32
    %scan3A_12 = arith.constant 640 : i32
    %scan3A_13 = arith.addi %scan3A_11, %scan3A_12 : i32
    %scan3A_14 = arith.constant 8 : i32
    scf.for %scan3A_59 = %scan3A_11 to %scan3A_13 step %scan3A_14  : i32 {
      %mul3A_60 = arith.constant 16 : i32
      %mul3A_61 = arith.muli %scan3A_59, %mul3A_60 : i32
      %broadcast_in_dim3A = arith.constant 0.000000e+00 : f32
      %broadcast_in_dim3A_62 = vector.broadcast %broadcast_in_dim3A : f32 to vector<16xf32>
      %swap3A = arith.index_cast %mul3A_61 : i32 to index
      %swap3A_63 = tpu.vector_load %arg8[%swap3A] {strides = array<i32>} : memref<10240xf32, #tpu.memory_space<vmem>>, vector<16xf32>,
      tpu.vector_store %arg8[%swap3A], %broadcast_in_dim3A_62 {strides = array<i32>} : memref<10240xf32, #tpu.memory_space<vmem>>, vector<16xf32>,
      %broadcast_in_dim3A_64 = arith.constant 0.000000e+00 : f32
      %broadcast_in_dim3A_65 = vector.broadcast %broadcast_in_dim3A_64 : f32 to vector<16xf32>
      %swap3A_66 = arith.index_cast %mul3A_61 : i32 to index
      %swap3A_67 = tpu.vector_load %arg9[%swap3A_66] {strides = array<i32>} : memref<10240xf32, #tpu.memory_space<vmem>>, vector<16xf32>,
      tpu.vector_store %arg9[%swap3A_66], %broadcast_in_dim3A_65 {strides = array<i32>} : memref<10240xf32, #tpu.memory_space<vmem>>, vector<16xf32>,
      %scan3A_68 = arith.constant 1 : i32
      %scan3A_69 = arith.addi %scan3A_59, %scan3A_68 : i32
      %mul3A_70 = arith.constant 16 : i32
      %mul3A_71 = arith.muli %scan3A_69, %mul3A_70 : i32
      %broadcast_in_dim3A_72 = arith.constant 0.000000e+00 : f32
      %broadcast_in_dim3A_73 = vector.broadcast %broadcast_in_dim3A_72 : f32 to vector<16xf32>
      %swap3A_74 = arith.index_cast %mul3A_71 : i32 to index
      %swap3A_75 = tpu.vector_load %arg8[%swap3A_74] {strides = array<i32>} : memref<10240xf32, #tpu.memory_space<vmem>>, vector<16xf32>,
      tpu.vector_store %arg8[%swap3A_74], %broadcast_in_dim3A_73 {strides = array<i32>} : memref<10240xf32, #tpu.memory_space<vmem>>, vector<16xf32>,
      %broadcast_in_dim3A_76 = arith.constant 0.000000e+00 : f32
      %broadcast_in_dim3A_77 = vector.broadcast %broadcast_in_dim3A_76 : f32 to vector<16xf32>
      %swap3A_78 = arith.index_cast %mul3A_71 : i32 to index
      %swap3A_79 = tpu.vector_load %arg9[%swap3A_78] {strides = array<i32>} : memref<10240xf32, #tpu.memory_space<vmem>>, vector<16xf32>,
      tpu.vector_store %arg9[%swap3A_78], %broadcast_in_dim3A_77 {strides = array<i32>} : memref<10240xf32, #tpu.memory_space<vmem>>, vector<16xf32>,
      %scan3A_80 = arith.constant 2 : i32
      %scan3A_81 = arith.addi %scan3A_59, %scan3A_80 : i32
      %mul3A_82 = arith.constant 16 : i32
      %mul3A_83 = arith.muli %scan3A_81, %mul3A_82 : i32
      %broadcast_in_dim3A_84 = arith.constant 0.000000e+00 : f32
      %broadcast_in_dim3A_85 = vector.broadcast %broadcast_in_dim3A_84 : f32 to vector<16xf32>
      %swap3A_86 = arith.index_cast %mul3A_83 : i32 to index
      %swap3A_87 = tpu.vector_load %arg8[%swap3A_86] {strides = array<i32>} : memref<10240xf32, #tpu.memory_space<vmem>>, vector<16xf32>,
      tpu.vector_store %arg8[%swap3A_86], %broadcast_in_dim3A_85 {strides = array<i32>} : memref<10240xf32, #tpu.memory_space<vmem>>, vector<16xf32>,
      %broadcast_in_dim3A_88 = arith.constant 0.000000e+00 : f32
      %broadcast_in_dim3A_89 = vector.broadcast %broadcast_in_dim3A_88 : f32 to vector<16xf32>
      %swap3A_90 = arith.index_cast %mul3A_83 : i32 to index
      %swap3A_91 = tpu.vector_load %arg9[%swap3A_90] {strides = array<i32>} : memref<10240xf32, #tpu.memory_space<vmem>>, vector<16xf32>,
      tpu.vector_store %arg9[%swap3A_90], %broadcast_in_dim3A_89 {strides = array<i32>} : memref<10240xf32, #tpu.memory_space<vmem>>, vector<16xf32>,
      %scan3A_92 = arith.constant 3 : i32
      %scan3A_93 = arith.addi %scan3A_59, %scan3A_92 : i32
      %mul3A_94 = arith.constant 16 : i32
      %mul3A_95 = arith.muli %scan3A_93, %mul3A_94 : i32
      %broadcast_in_dim3A_96 = arith.constant 0.000000e+00 : f32
      %broadcast_in_dim3A_97 = vector.broadcast %broadcast_in_dim3A_96 : f32 to vector<16xf32>
      %swap3A_98 = arith.index_cast %mul3A_95 : i32 to index
      %swap3A_99 = tpu.vector_load %arg8[%swap3A_98] {strides = array<i32>} : memref<10240xf32, #tpu.memory_space<vmem>>, vector<16xf32>,
      tpu.vector_store %arg8[%swap3A_98], %broadcast_in_dim3A_97 {strides = array<i32>} : memref<10240xf32, #tpu.memory_space<vmem>>, vector<16xf32>,
      %broadcast_in_dim3A_100 = arith.constant 0.000000e+00 : f32
      %broadcast_in_dim3A_101 = vector.broadcast %broadcast_in_dim3A_100 : f32 to vector<16xf32>
      %swap3A_102 = arith.index_cast %mul3A_95 : i32 to index
      %swap3A_103 = tpu.vector_load %arg9[%swap3A_102] {strides = array<i32>} : memref<10240xf32, #tpu.memory_space<vmem>>, vector<16xf32>,
      tpu.vector_store %arg9[%swap3A_102], %broadcast_in_dim3A_101 {strides = array<i32>} : memref<10240xf32, #tpu.memory_space<vmem>>, vector<16xf32>,
      %scan3A_104 = arith.constant 4 : i32
      %scan3A_105 = arith.addi %scan3A_59, %scan3A_104 : i32
      %mul3A_106 = arith.constant 16 : i32
      %mul3A_107 = arith.muli %scan3A_105, %mul3A_106 : i32
      %broadcast_in_dim3A_108 = arith.constant 0.000000e+00 : f32
      %broadcast_in_dim3A_109 = vector.broadcast %broadcast_in_dim3A_108 : f32 to vector<16xf32>
      %swap3A_110 = arith.index_cast %mul3A_107 : i32 to index
      %swap3A_111 = tpu.vector_load %arg8[%swap3A_110] {strides = array<i32>} : memref<10240xf32, #tpu.memory_space<vmem>>, vector<16xf32>,
      tpu.vector_store %arg8[%swap3A_110], %broadcast_in_dim3A_109 {strides = array<i32>} : memref<10240xf32, #tpu.memory_space<vmem>>, vector<16xf32>,
      %broadcast_in_dim3A_112 = arith.constant 0.000000e+00 : f32
      %broadcast_in_dim3A_113 = vector.broadcast %broadcast_in_dim3A_112 : f32 to vector<16xf32>
      %swap3A_114 = arith.index_cast %mul3A_107 : i32 to index
      %swap3A_115 = tpu.vector_load %arg9[%swap3A_114] {strides = array<i32>} : memref<10240xf32, #tpu.memory_space<vmem>>, vector<16xf32>,
      tpu.vector_store %arg9[%swap3A_114], %broadcast_in_dim3A_113 {strides = array<i32>} : memref<10240xf32, #tpu.memory_space<vmem>>, vector<16xf32>,
      %scan3A_116 = arith.constant 5 : i32
      %scan3A_117 = arith.addi %scan3A_59, %scan3A_116 : i32
      %mul3A_118 = arith.constant 16 : i32
      %mul3A_119 = arith.muli %scan3A_117, %mul3A_118 : i32
      %broadcast_in_dim3A_120 = arith.constant 0.000000e+00 : f32
      %broadcast_in_dim3A_121 = vector.broadcast %broadcast_in_dim3A_120 : f32 to vector<16xf32>
      %swap3A_122 = arith.index_cast %mul3A_119 : i32 to index
      %swap3A_123 = tpu.vector_load %arg8[%swap3A_122] {strides = array<i32>} : memref<10240xf32, #tpu.memory_space<vmem>>, vector<16xf32>,
      tpu.vector_store %arg8[%swap3A_122], %broadcast_in_dim3A_121 {strides = array<i32>} : memref<10240xf32, #tpu.memory_space<vmem>>, vector<16xf32>,
      %broadcast_in_dim3A_124 = arith.constant 0.000000e+00 : f32
      %broadcast_in_dim3A_125 = vector.broadcast %broadcast_in_dim3A_124 : f32 to vector<16xf32>
      %swap3A_126 = arith.index_cast %mul3A_119 : i32 to index
      %swap3A_127 = tpu.vector_load %arg9[%swap3A_126] {strides = array<i32>} : memref<10240xf32, #tpu.memory_space<vmem>>, vector<16xf32>,
      tpu.vector_store %arg9[%swap3A_126], %broadcast_in_dim3A_125 {strides = array<i32>} : memref<10240xf32, #tpu.memory_space<vmem>>, vector<16xf32>,
      %scan3A_128 = arith.constant 6 : i32
      %scan3A_129 = arith.addi %scan3A_59, %scan3A_128 : i32
      %mul3A_130 = arith.constant 16 : i32
      %mul3A_131 = arith.muli %scan3A_129, %mul3A_130 : i32
      %broadcast_in_dim3A_132 = arith.constant 0.000000e+00 : f32
      %broadcast_in_dim3A_133 = vector.broadcast %broadcast_in_dim3A_132 : f32 to vector<16xf32>
      %swap3A_134 = arith.index_cast %mul3A_131 : i32 to index
      %swap3A_135 = tpu.vector_load %arg8[%swap3A_134] {strides = array<i32>} : memref<10240xf32, #tpu.memory_space<vmem>>, vector<16xf32>,
      tpu.vector_store %arg8[%swap3A_134], %broadcast_in_dim3A_133 {strides = array<i32>} : memref<10240xf32, #tpu.memory_space<vmem>>, vector<16xf32>,
      %broadcast_in_dim3A_136 = arith.constant 0.000000e+00 : f32
      %broadcast_in_dim3A_137 = vector.broadcast %broadcast_in_dim3A_136 : f32 to vector<16xf32>
      %swap3A_138 = arith.index_cast %mul3A_131 : i32 to index
      %swap3A_139 = tpu.vector_load %arg9[%swap3A_138] {strides = array<i32>} : memref<10240xf32, #tpu.memory_space<vmem>>, vector<16xf32>,
      tpu.vector_store %arg9[%swap3A_138], %broadcast_in_dim3A_137 {strides = array<i32>} : memref<10240xf32, #tpu.memory_space<vmem>>, vector<16xf32>,
      %scan3A_140 = arith.constant 7 : i32
      %scan3A_141 = arith.addi %scan3A_59, %scan3A_140 : i32
      %mul3A_142 = arith.constant 16 : i32
      %mul3A_143 = arith.muli %scan3A_141, %mul3A_142 : i32
      %broadcast_in_dim3A_144 = arith.constant 0.000000e+00 : f32
      %broadcast_in_dim3A_145 = vector.broadcast %broadcast_in_dim3A_144 : f32 to vector<16xf32>
      %swap3A_146 = arith.index_cast %mul3A_143 : i32 to index
      %swap3A_147 = tpu.vector_load %arg8[%swap3A_146] {strides = array<i32>} : memref<10240xf32, #tpu.memory_space<vmem>>, vector<16xf32>,
      tpu.vector_store %arg8[%swap3A_146], %broadcast_in_dim3A_145 {strides = array<i32>} : memref<10240xf32, #tpu.memory_space<vmem>>, vector<16xf32>,
      %broadcast_in_dim3A_148 = arith.constant 0.000000e+00 : f32
      %broadcast_in_dim3A_149 = vector.broadcast %broadcast_in_dim3A_148 : f32 to vector<16xf32>
      %swap3A_150 = arith.index_cast %mul3A_143 : i32 to index
      %swap3A_151 = tpu.vector_load %arg9[%swap3A_150] {strides = array<i32>} : memref<10240xf32, #tpu.memory_space<vmem>>, vector<16xf32>,
      tpu.vector_store %arg9[%swap3A_150], %broadcast_in_dim3A_149 {strides = array<i32>} : memref<10240xf32, #tpu.memory_space<vmem>>, vector<16xf32>,
    }
    %scan3A_15 = arith.constant 640 : i32
    %dma_start3A = arith.constant 0 : i32
    %dma_start3A_16 = tpu.memref_slice %arg4[%dma_start3A] : memref<327680xi32, #tpu.memory_space<hbm>> -> memref<8192xi32, #tpu.memory_space<hbm>>
    %dma_start3A_17 = arith.constant 0 : i32
    %dma_start3A_18 = tpu.memref_slice %arg4[%dma_start3A_17] : memref<327680xi32, #tpu.memory_space<hbm>> -> memref<8192xi32, #tpu.memory_space<hbm>>
    tpu.enqueue_dma source(%dma_start3A_18 : memref<8192xi32, #tpu.memory_space<hbm>>) target(%arg10 : memref<8192xi32, #tpu.memory_space<vmem>>) target_semaphore(%arg14 : memref<!tpu.dma_semaphore, #tpu.memory_space<semaphore_mem>>)
    %dma_start3A_19 = arith.constant 0 : i32
    %dma_start3A_20 = arith.constant 0 : i32
    %dma_start3A_21 = arith.constant 0 : i32
    %dma_start3A_22 = tpu.memref_slice %arg3[%add3A, %dma_start3A_19, %dma_start3A_20, %dma_start3A_21] : memref<32x2x2560x128xf32, #tpu.memory_space<hbm>> -> memref<1x2x64x128xf32, #tpu.memory_space<hbm>>
    %dma_start3A_23 = tpu.memref_squeeze %dma_start3A_22 : memref<1x2x64x128xf32, #tpu.memory_space<hbm>> -> memref<2x64x128xf32, #tpu.memory_space<hbm>>
    %dma_start3A_24 = arith.constant 0 : i32
    %dma_start3A_25 = arith.constant 0 : i32
    %dma_start3A_26 = arith.constant 0 : i32
    %dma_start3A_27 = tpu.memref_slice %arg3[%add3A, %dma_start3A_24, %dma_start3A_25, %dma_start3A_26] : memref<32x2x2560x128xf32, #tpu.memory_space<hbm>> -> memref<1x2x64x128xf32, #tpu.memory_space<hbm>>
    %dma_start3A_28 = tpu.memref_squeeze %dma_start3A_27 : memref<1x2x64x128xf32, #tpu.memory_space<hbm>> -> memref<2x64x128xf32, #tpu.memory_space<hbm>>
    tpu.enqueue_dma source(%dma_start3A_28 : memref<2x64x128xf32, #tpu.memory_space<hbm>>) target(%arg12 : memref<2x64x128xf32, #tpu.memory_space<vmem>>) target_semaphore(%arg16 : memref<!tpu.dma_semaphore, #tpu.memory_space<semaphore_mem>>)
    %dma_start3A_29 = arith.constant 8192 : i32
    %dma_start3A_30 = tpu.memref_slice %arg4[%dma_start3A_29] : memref<327680xi32, #tpu.memory_space<hbm>> -> memref<8192xi32, #tpu.memory_space<hbm>>
    %dma_start3A_31 = arith.constant 8192 : i32
    %dma_start3A_32 = tpu.memref_slice %arg4[%dma_start3A_31] : memref<327680xi32, #tpu.memory_space<hbm>> -> memref<8192xi32, #tpu.memory_space<hbm>>
    tpu.enqueue_dma source(%dma_start3A_32 : memref<8192xi32, #tpu.memory_space<hbm>>) target(%arg11 : memref<8192xi32, #tpu.memory_space<vmem>>) target_semaphore(%arg15 : memref<!tpu.dma_semaphore, #tpu.memory_space<semaphore_mem>>)
    %dma_start3A_33 = arith.constant 0 : i32
    %dma_start3A_34 = arith.constant 64 : i32
    %dma_start3A_35 = arith.constant 0 : i32
    %dma_start3A_36 = tpu.memref_slice %arg3[%add3A, %dma_start3A_33, %dma_start3A_34, %dma_start3A_35] : memref<32x2x2560x128xf32, #tpu.memory_space<hbm>> -> memref<1x2x64x128xf32, #tpu.memory_space<hbm>>
    %dma_start3A_37 = tpu.memref_squeeze %dma_start3A_36 : memref<1x2x64x128xf32, #tpu.memory_space<hbm>> -> memref<2x64x128xf32, #tpu.memory_space<hbm>>
    %dma_start3A_38 = arith.constant 0 : i32
    %dma_start3A_39 = arith.constant 64 : i32
    %dma_start3A_40 = arith.constant 0 : i32
    %dma_start3A_41 = tpu.memref_slice %arg3[%add3A, %dma_start3A_38, %dma_start3A_39, %dma_start3A_40] : memref<32x2x2560x128xf32, #tpu.memory_space<hbm>> -> memref<1x2x64x128xf32, #tpu.memory_space<hbm>>
    %dma_start3A_42 = tpu.memref_squeeze %dma_start3A_41 : memref<1x2x64x128xf32, #tpu.memory_space<hbm>> -> memref<2x64x128xf32, #tpu.memory_space<hbm>>
    tpu.enqueue_dma source(%dma_start3A_42 : memref<2x64x128xf32, #tpu.memory_space<hbm>>) target(%arg13 : memref<2x64x128xf32, #tpu.memory_space<vmem>>) target_semaphore(%arg17 : memref<!tpu.dma_semaphore, #tpu.memory_space<semaphore_mem>>)
    %scan3A_43 = arith.constant 0 : i32
    %scan3A_44 = arith.constant 0 : i32
    %scan3A_45 = arith.constant 20 : i32
    %scan3A_46 = arith.addi %scan3A_44, %scan3A_45 : i32
    %scan3A_47 = arith.constant 1 : i32
    scf.for %scan3A_59 = %scan3A_44 to %scan3A_46 step %scan3A_47  : i32 {
      %mul3A_60 = arith.constant 2 : i32
      %mul3A_61 = arith.muli %mul3A_60, %scan3A_59 : i32
      %mul3A_62 = arith.constant 8192 : i32
      %mul3A_63 = arith.muli %mul3A_61, %mul3A_62 : i32
      %dma_wait3A = tpu.memref_slice %arg4[%mul3A_63] : memref<327680xi32, #tpu.memory_space<hbm>> -> memref<8192xi32, #tpu.memory_space<hbm>>
      %dma_wait3A_64 = tpu.memref_slice %arg4[%mul3A_63] : memref<327680xi32, #tpu.memory_space<hbm>> -> memref<8192xi32, #tpu.memory_space<hbm>>
      tpu.wait_dma2 semaphore(%arg14 : memref<!tpu.dma_semaphore, #tpu.memory_space<semaphore_mem>>) src(%dma_wait3A_64 : memref<8192xi32, #tpu.memory_space<hbm>>) dst(%arg10 : memref<8192xi32, #tpu.memory_space<vmem>>)
      %mul3A_65 = arith.constant 64 : i32
      %mul3A_66 = arith.muli %mul3A_61, %mul3A_65 : i32
      %dma_wait3A_67 = arith.constant 0 : i32
      %dma_wait3A_68 = arith.constant 0 : i32
      %dma_wait3A_69 = tpu.memref_slice %arg3[%add3A, %dma_wait3A_67, %mul3A_66, %dma_wait3A_68] : memref<32x2x2560x128xf32, #tpu.memory_space<hbm>> -> memref<1x2x64x128xf32, #tpu.memory_space<hbm>>
      %dma_wait3A_70 = tpu.memref_squeeze %dma_wait3A_69 : memref<1x2x64x128xf32, #tpu.memory_space<hbm>> -> memref<2x64x128xf32, #tpu.memory_space<hbm>>
      %dma_wait3A_71 = arith.constant 0 : i32
      %dma_wait3A_72 = arith.constant 0 : i32
      %dma_wait3A_73 = tpu.memref_slice %arg3[%add3A, %dma_wait3A_71, %mul3A_66, %dma_wait3A_72] : memref<32x2x2560x128xf32, #tpu.memory_space<hbm>> -> memref<1x2x64x128xf32, #tpu.memory_space<hbm>>
      %dma_wait3A_74 = tpu.memref_squeeze %dma_wait3A_73 : memref<1x2x64x128xf32, #tpu.memory_space<hbm>> -> memref<2x64x128xf32, #tpu.memory_space<hbm>>
      tpu.wait_dma2 semaphore(%arg16 : memref<!tpu.dma_semaphore, #tpu.memory_space<semaphore_mem>>) src(%dma_wait3A_74 : memref<2x64x128xf32, #tpu.memory_space<hbm>>) dst(%arg12 : memref<2x64x128xf32, #tpu.memory_space<vmem>>)
      %parallel_loop3A = arith.constant 0 : i32
      %parallel_loop3A_75 = arith.constant 512 : i32
      %parallel_loop3A_76 = arith.constant 1 : i32
      scf.for %parallel_loop3A_107 = %parallel_loop3A to %parallel_loop3A_75 step %parallel_loop3A_76  : i32 {
        %parallel_loop3A_108 = arith.constant 16 : i32
        %parallel_loop3A_109 = arith.muli %parallel_loop3A_107, %parallel_loop3A_108 : i32
        %parallel_loop3A_110 = arith.index_cast %parallel_loop3A_109 : i32 to index
        %parallel_loop3A_111 = tpu.vector_load %arg10[%parallel_loop3A_110] {strides = array<i32>} : memref<8192xi32, #tpu.memory_space<vmem>>, vector<16xi32>,
        %parallel_loop3A_112 = arith.constant 14 : i32
        %parallel_loop3A_113 = vector.broadcast %parallel_loop3A_112 : i32 to vector<16xi32>
        %parallel_loop3A_114 = arith.shrui %parallel_loop3A_111, %parallel_loop3A_113 : vector<16xi32>
        %parallel_loop3A_115 = arith.constant 16383 : i32
        %parallel_loop3A_116 = vector.broadcast %parallel_loop3A_115 : i32 to vector<16xi32>
        %parallel_loop3A_117 = arith.andi %parallel_loop3A_111, %parallel_loop3A_116 : vector<16xi32>
        %parallel_loop3A_118 = arith.constant 8 : i32
        %parallel_loop3A_119 = arith.divsi %parallel_loop3A_107, %parallel_loop3A_118 : i32
        %parallel_loop3A_120 = arith.constant 0 : i32
        %parallel_loop3A_121 = arith.cmpi sgt, %parallel_loop3A_107, %parallel_loop3A_120 : i32
        %parallel_loop3A_122 = arith.extui %parallel_loop3A_121 : i1 to i32
        %parallel_loop3A_123 = arith.constant 0 : i32
        %parallel_loop3A_124 = arith.cmpi slt, %parallel_loop3A_107, %parallel_loop3A_123 : i32
        %parallel_loop3A_125 = arith.extui %parallel_loop3A_124 : i1 to i32
        %parallel_loop3A_126 = arith.subi %parallel_loop3A_122, %parallel_loop3A_125 : i32
        %parallel_loop3A_127 = arith.constant 0 : i32
        %parallel_loop3A_128 = arith.cmpi sgt, %parallel_loop3A_118, %parallel_loop3A_127 : i32
        %parallel_loop3A_129 = arith.extui %parallel_loop3A_128 : i1 to i32
        %parallel_loop3A_130 = arith.constant 0 : i32
        %parallel_loop3A_131 = arith.cmpi slt, %parallel_loop3A_118, %parallel_loop3A_130 : i32
        %parallel_loop3A_132 = arith.extui %parallel_loop3A_131 : i1 to i32
        %parallel_loop3A_133 = arith.subi %parallel_loop3A_129, %parallel_loop3A_132 : i32
        %parallel_loop3A_134 = arith.cmpi ne, %parallel_loop3A_126, %parallel_loop3A_133 : i32
        %parallel_loop3A_135 = arith.remsi %parallel_loop3A_107, %parallel_loop3A_118 : i32
        %parallel_loop3A_136 = arith.constant 0 : i32
        %parallel_loop3A_137 = arith.cmpi ne, %parallel_loop3A_135, %parallel_loop3A_136 : i32
        %parallel_loop3A_138 = arith.andi %parallel_loop3A_134, %parallel_loop3A_137 : i1
        %parallel_loop3A_139 = arith.constant 1 : i32
        %parallel_loop3A_140 = arith.subi %parallel_loop3A_119, %parallel_loop3A_139 : i32
        %parallel_loop3A_141 = arith.select %parallel_loop3A_138, %parallel_loop3A_140, %parallel_loop3A_119 : i32
        %parallel_loop3A_142 = arith.constant 8 : i32
        %parallel_loop3A_143 = arith.constant 0 : i32
        %parallel_loop3A_144 = arith.cmpi eq, %parallel_loop3A_142, %parallel_loop3A_143 : i32
        %parallel_loop3A_145 = arith.constant 1 : i32
        %parallel_loop3A_146 = arith.select %parallel_loop3A_144, %parallel_loop3A_145, %parallel_loop3A_142 : i32
        %parallel_loop3A_147 = arith.remsi %parallel_loop3A_107, %parallel_loop3A_146 : i32
        %parallel_loop3A_148 = arith.constant 0 : i32
        %parallel_loop3A_149 = arith.cmpi ne, %parallel_loop3A_147, %parallel_loop3A_148 : i32
        %parallel_loop3A_150 = arith.constant 0 : i32
        %parallel_loop3A_151 = arith.cmpi slt, %parallel_loop3A_147, %parallel_loop3A_150 : i32
        %parallel_loop3A_152 = arith.constant 0 : i32
        %parallel_loop3A_153 = arith.cmpi slt, %parallel_loop3A_146, %parallel_loop3A_152 : i32
        %parallel_loop3A_154 = arith.xori %parallel_loop3A_151, %parallel_loop3A_153 : i1
        %parallel_loop3A_155 = arith.andi %parallel_loop3A_154, %parallel_loop3A_149 : i1
        %parallel_loop3A_156 = arith.addi %parallel_loop3A_147, %parallel_loop3A_146 : i32
        %parallel_loop3A_157 = arith.select %parallel_loop3A_155, %parallel_loop3A_156, %parallel_loop3A_147 : i32
        %parallel_loop3A_158 = arith.constant 16 : i32
        %parallel_loop3A_159 = arith.muli %parallel_loop3A_157, %parallel_loop3A_158 : i32
        %parallel_loop3A_160 = tpu.vector_load_idx %arg6[%parallel_loop3A_114] : memref<10240xf32, #tpu.memory_space<vmem>>[vector<16xi32>], vector<16xf32>,
        %parallel_loop3A_161 = arith.constant 0 : i32
        %parallel_loop3A_162 = arith.index_cast %parallel_loop3A_161 : i32 to index
        %parallel_loop3A_163 = arith.index_cast %parallel_loop3A_141 : i32 to index
        %parallel_loop3A_164 = arith.index_cast %parallel_loop3A_159 : i32 to index
        %parallel_loop3A_165 = tpu.vector_load %arg12[%parallel_loop3A_162, %parallel_loop3A_163, %parallel_loop3A_164] {strides = array<i32>} : memref<2x64x128xf32, #tpu.memory_space<vmem>>, vector<16xf32>,
        %parallel_loop3A_166 = arith.addf %parallel_loop3A_160, %parallel_loop3A_165 : vector<16xf32>
        %parallel_loop3A_167 = arith.constant 0.000000e+00 : f32
        %parallel_loop3A_168 = vector.broadcast %parallel_loop3A_167 : f32 to vector<16xf32>
        %parallel_loop3A_169 = arith.maximumf %parallel_loop3A_166, %parallel_loop3A_168 : vector<16xf32>
        tpu.vector_store_idx %arg8[%parallel_loop3A_117], %parallel_loop3A_169 {add = true} : memref<10240xf32, #tpu.memory_space<vmem>>[vector<16xi32>], vector<16xf32>,
        %parallel_loop3A_170 = tpu.vector_load_idx %arg7[%parallel_loop3A_114] : memref<10240xf32, #tpu.memory_space<vmem>>[vector<16xi32>], vector<16xf32>,
        %parallel_loop3A_171 = arith.constant 1 : i32
        %parallel_loop3A_172 = arith.index_cast %parallel_loop3A_171 : i32 to index
        %parallel_loop3A_173 = arith.index_cast %parallel_loop3A_141 : i32 to index
        %parallel_loop3A_174 = arith.index_cast %parallel_loop3A_159 : i32 to index
        %parallel_loop3A_175 = tpu.vector_load %arg12[%parallel_loop3A_172, %parallel_loop3A_173, %parallel_loop3A_174] {strides = array<i32>} : memref<2x64x128xf32, #tpu.memory_space<vmem>>, vector<16xf32>,
        %parallel_loop3A_176 = arith.addf %parallel_loop3A_170, %parallel_loop3A_175 : vector<16xf32>
        %parallel_loop3A_177 = arith.constant 0.000000e+00 : f32
        %parallel_loop3A_178 = vector.broadcast %parallel_loop3A_177 : f32 to vector<16xf32>
        %parallel_loop3A_179 = arith.maximumf %parallel_loop3A_176, %parallel_loop3A_178 : vector<16xf32>
        tpu.vector_store_idx %arg9[%parallel_loop3A_117], %parallel_loop3A_179 {add = true} : memref<10240xf32, #tpu.memory_space<vmem>>[vector<16xi32>], vector<16xf32>,
      } {sc.loop_unroll_factor = 4 : i64, sc.parallel_access}
      %add3A_77 = arith.constant 2 : i32
      %add3A_78 = arith.addi %mul3A_61, %add3A_77 : i32
      %lt3A = arith.constant 40 : i32
      %lt3A_79 = arith.cmpi slt, %add3A_78, %lt3A : i32
      %convert_element_type3A = arith.extui %lt3A_79 : i1 to i32
      %cond3A = arith.constant 0 : i32
      %cond3A_80 = arith.cmpi ne, %convert_element_type3A, %cond3A : i32
      scf.if %cond3A_80 {
        %add3A_107 = arith.constant 2 : i32
        %add3A_108 = arith.addi %mul3A_61, %add3A_107 : i32
        %mul3A_109 = arith.constant 8192 : i32
        %mul3A_110 = arith.muli %add3A_108, %mul3A_109 : i32
        %dma_start3A_111 = tpu.memref_slice %arg4[%mul3A_110] : memref<327680xi32, #tpu.memory_space<hbm>> -> memref<8192xi32, #tpu.memory_space<hbm>>
        %dma_start3A_112 = tpu.memref_slice %arg4[%mul3A_110] : memref<327680xi32, #tpu.memory_space<hbm>> -> memref<8192xi32, #tpu.memory_space<hbm>>
        tpu.enqueue_dma source(%dma_start3A_112 : memref<8192xi32, #tpu.memory_space<hbm>>) target(%arg10 : memref<8192xi32, #tpu.memory_space<vmem>>) target_semaphore(%arg14 : memref<!tpu.dma_semaphore, #tpu.memory_space<semaphore_mem>>)
        %mul3A_113 = arith.constant 64 : i32
        %mul3A_114 = arith.muli %add3A_108, %mul3A_113 : i32
        %dma_start3A_115 = arith.constant 0 : i32
        %dma_start3A_116 = arith.constant 0 : i32
        %dma_start3A_117 = tpu.memref_slice %arg3[%add3A, %dma_start3A_115, %mul3A_114, %dma_start3A_116] : memref<32x2x2560x128xf32, #tpu.memory_space<hbm>> -> memref<1x2x64x128xf32, #tpu.memory_space<hbm>>
        %dma_start3A_118 = tpu.memref_squeeze %dma_start3A_117 : memref<1x2x64x128xf32, #tpu.memory_space<hbm>> -> memref<2x64x128xf32, #tpu.memory_space<hbm>>
        %dma_start3A_119 = arith.constant 0 : i32
        %dma_start3A_120 = arith.constant 0 : i32
        %dma_start3A_121 = tpu.memref_slice %arg3[%add3A, %dma_start3A_119, %mul3A_114, %dma_start3A_120] : memref<32x2x2560x128xf32, #tpu.memory_space<hbm>> -> memref<1x2x64x128xf32, #tpu.memory_space<hbm>>
        %dma_start3A_122 = tpu.memref_squeeze %dma_start3A_121 : memref<1x2x64x128xf32, #tpu.memory_space<hbm>> -> memref<2x64x128xf32, #tpu.memory_space<hbm>>
        tpu.enqueue_dma source(%dma_start3A_122 : memref<2x64x128xf32, #tpu.memory_space<hbm>>) target(%arg12 : memref<2x64x128xf32, #tpu.memory_space<vmem>>) target_semaphore(%arg16 : memref<!tpu.dma_semaphore, #tpu.memory_space<semaphore_mem>>)
      } else {
      }
      %add3A_81 = arith.constant 1 : i32
      %add3A_82 = arith.addi %mul3A_61, %add3A_81 : i32
      %mul3A_83 = arith.constant 8192 : i32
      %mul3A_84 = arith.muli %add3A_82, %mul3A_83 : i32
      %dma_wait3A_85 = tpu.memref_slice %arg4[%mul3A_84] : memref<327680xi32, #tpu.memory_space<hbm>> -> memref<8192xi32, #tpu.memory_space<hbm>>
      %dma_wait3A_86 = tpu.memref_slice %arg4[%mul3A_84] : memref<327680xi32, #tpu.memory_space<hbm>> -> memref<8192xi32, #tpu.memory_space<hbm>>
      tpu.wait_dma2 semaphore(%arg15 : memref<!tpu.dma_semaphore, #tpu.memory_space<semaphore_mem>>) src(%dma_wait3A_86 : memref<8192xi32, #tpu.memory_space<hbm>>) dst(%arg11 : memref<8192xi32, #tpu.memory_space<vmem>>)
      %mul3A_87 = arith.constant 64 : i32
      %mul3A_88 = arith.muli %add3A_82, %mul3A_87 : i32
      %dma_wait3A_89 = arith.constant 0 : i32
      %dma_wait3A_90 = arith.constant 0 : i32
      %dma_wait3A_91 = tpu.memref_slice %arg3[%add3A, %dma_wait3A_89, %mul3A_88, %dma_wait3A_90] : memref<32x2x2560x128xf32, #tpu.memory_space<hbm>> -> memref<1x2x64x128xf32, #tpu.memory_space<hbm>>
      %dma_wait3A_92 = tpu.memref_squeeze %dma_wait3A_91 : memref<1x2x64x128xf32, #tpu.memory_space<hbm>> -> memref<2x64x128xf32, #tpu.memory_space<hbm>>
      %dma_wait3A_93 = arith.constant 0 : i32
      %dma_wait3A_94 = arith.constant 0 : i32
      %dma_wait3A_95 = tpu.memref_slice %arg3[%add3A, %dma_wait3A_93, %mul3A_88, %dma_wait3A_94] : memref<32x2x2560x128xf32, #tpu.memory_space<hbm>> -> memref<1x2x64x128xf32, #tpu.memory_space<hbm>>
      %dma_wait3A_96 = tpu.memref_squeeze %dma_wait3A_95 : memref<1x2x64x128xf32, #tpu.memory_space<hbm>> -> memref<2x64x128xf32, #tpu.memory_space<hbm>>
      tpu.wait_dma2 semaphore(%arg17 : memref<!tpu.dma_semaphore, #tpu.memory_space<semaphore_mem>>) src(%dma_wait3A_96 : memref<2x64x128xf32, #tpu.memory_space<hbm>>) dst(%arg13 : memref<2x64x128xf32, #tpu.memory_space<vmem>>)
      %parallel_loop3A_97 = arith.constant 0 : i32
      %parallel_loop3A_98 = arith.constant 512 : i32
      %parallel_loop3A_99 = arith.constant 1 : i32
      scf.for %parallel_loop3A_107 = %parallel_loop3A_97 to %parallel_loop3A_98 step %parallel_loop3A_99  : i32 {
        %parallel_loop3A_108 = arith.constant 16 : i32
        %parallel_loop3A_109 = arith.muli %parallel_loop3A_107, %parallel_loop3A_108 : i32
        %parallel_loop3A_110 = arith.index_cast %parallel_loop3A_109 : i32 to index
        %parallel_loop3A_111 = tpu.vector_load %arg11[%parallel_loop3A_110] {strides = array<i32>} : memref<8192xi32, #tpu.memory_space<vmem>>, vector<16xi32>,
        %parallel_loop3A_112 = arith.constant 14 : i32
        %parallel_loop3A_113 = vector.broadcast %parallel_loop3A_112 : i32 to vector<16xi32>
        %parallel_loop3A_114 = arith.shrui %parallel_loop3A_111, %parallel_loop3A_113 : vector<16xi32>
        %parallel_loop3A_115 = arith.constant 16383 : i32
        %parallel_loop3A_116 = vector.broadcast %parallel_loop3A_115 : i32 to vector<16xi32>
        %parallel_loop3A_117 = arith.andi %parallel_loop3A_111, %parallel_loop3A_116 : vector<16xi32>
        %parallel_loop3A_118 = arith.constant 8 : i32
        %parallel_loop3A_119 = arith.divsi %parallel_loop3A_107, %parallel_loop3A_118 : i32
        %parallel_loop3A_120 = arith.constant 0 : i32
        %parallel_loop3A_121 = arith.cmpi sgt, %parallel_loop3A_107, %parallel_loop3A_120 : i32
        %parallel_loop3A_122 = arith.extui %parallel_loop3A_121 : i1 to i32
        %parallel_loop3A_123 = arith.constant 0 : i32
        %parallel_loop3A_124 = arith.cmpi slt, %parallel_loop3A_107, %parallel_loop3A_123 : i32
        %parallel_loop3A_125 = arith.extui %parallel_loop3A_124 : i1 to i32
        %parallel_loop3A_126 = arith.subi %parallel_loop3A_122, %parallel_loop3A_125 : i32
        %parallel_loop3A_127 = arith.constant 0 : i32
        %parallel_loop3A_128 = arith.cmpi sgt, %parallel_loop3A_118, %parallel_loop3A_127 : i32
        %parallel_loop3A_129 = arith.extui %parallel_loop3A_128 : i1 to i32
        %parallel_loop3A_130 = arith.constant 0 : i32
        %parallel_loop3A_131 = arith.cmpi slt, %parallel_loop3A_118, %parallel_loop3A_130 : i32
        %parallel_loop3A_132 = arith.extui %parallel_loop3A_131 : i1 to i32
        %parallel_loop3A_133 = arith.subi %parallel_loop3A_129, %parallel_loop3A_132 : i32
        %parallel_loop3A_134 = arith.cmpi ne, %parallel_loop3A_126, %parallel_loop3A_133 : i32
        %parallel_loop3A_135 = arith.remsi %parallel_loop3A_107, %parallel_loop3A_118 : i32
        %parallel_loop3A_136 = arith.constant 0 : i32
        %parallel_loop3A_137 = arith.cmpi ne, %parallel_loop3A_135, %parallel_loop3A_136 : i32
        %parallel_loop3A_138 = arith.andi %parallel_loop3A_134, %parallel_loop3A_137 : i1
        %parallel_loop3A_139 = arith.constant 1 : i32
        %parallel_loop3A_140 = arith.subi %parallel_loop3A_119, %parallel_loop3A_139 : i32
        %parallel_loop3A_141 = arith.select %parallel_loop3A_138, %parallel_loop3A_140, %parallel_loop3A_119 : i32
        %parallel_loop3A_142 = arith.constant 8 : i32
        %parallel_loop3A_143 = arith.constant 0 : i32
        %parallel_loop3A_144 = arith.cmpi eq, %parallel_loop3A_142, %parallel_loop3A_143 : i32
        %parallel_loop3A_145 = arith.constant 1 : i32
        %parallel_loop3A_146 = arith.select %parallel_loop3A_144, %parallel_loop3A_145, %parallel_loop3A_142 : i32
        %parallel_loop3A_147 = arith.remsi %parallel_loop3A_107, %parallel_loop3A_146 : i32
        %parallel_loop3A_148 = arith.constant 0 : i32
        %parallel_loop3A_149 = arith.cmpi ne, %parallel_loop3A_147, %parallel_loop3A_148 : i32
        %parallel_loop3A_150 = arith.constant 0 : i32
        %parallel_loop3A_151 = arith.cmpi slt, %parallel_loop3A_147, %parallel_loop3A_150 : i32
        %parallel_loop3A_152 = arith.constant 0 : i32
        %parallel_loop3A_153 = arith.cmpi slt, %parallel_loop3A_146, %parallel_loop3A_152 : i32
        %parallel_loop3A_154 = arith.xori %parallel_loop3A_151, %parallel_loop3A_153 : i1
        %parallel_loop3A_155 = arith.andi %parallel_loop3A_154, %parallel_loop3A_149 : i1
        %parallel_loop3A_156 = arith.addi %parallel_loop3A_147, %parallel_loop3A_146 : i32
        %parallel_loop3A_157 = arith.select %parallel_loop3A_155, %parallel_loop3A_156, %parallel_loop3A_147 : i32
        %parallel_loop3A_158 = arith.constant 16 : i32
        %parallel_loop3A_159 = arith.muli %parallel_loop3A_157, %parallel_loop3A_158 : i32
        %parallel_loop3A_160 = tpu.vector_load_idx %arg6[%parallel_loop3A_114] : memref<10240xf32, #tpu.memory_space<vmem>>[vector<16xi32>], vector<16xf32>,
        %parallel_loop3A_161 = arith.constant 0 : i32
        %parallel_loop3A_162 = arith.index_cast %parallel_loop3A_161 : i32 to index
        %parallel_loop3A_163 = arith.index_cast %parallel_loop3A_141 : i32 to index
        %parallel_loop3A_164 = arith.index_cast %parallel_loop3A_159 : i32 to index
        %parallel_loop3A_165 = tpu.vector_load %arg13[%parallel_loop3A_162, %parallel_loop3A_163, %parallel_loop3A_164] {strides = array<i32>} : memref<2x64x128xf32, #tpu.memory_space<vmem>>, vector<16xf32>,
        %parallel_loop3A_166 = arith.addf %parallel_loop3A_160, %parallel_loop3A_165 : vector<16xf32>
        %parallel_loop3A_167 = arith.constant 0.000000e+00 : f32
        %parallel_loop3A_168 = vector.broadcast %parallel_loop3A_167 : f32 to vector<16xf32>
        %parallel_loop3A_169 = arith.maximumf %parallel_loop3A_166, %parallel_loop3A_168 : vector<16xf32>
        tpu.vector_store_idx %arg8[%parallel_loop3A_117], %parallel_loop3A_169 {add = true} : memref<10240xf32, #tpu.memory_space<vmem>>[vector<16xi32>], vector<16xf32>,
        %parallel_loop3A_170 = tpu.vector_load_idx %arg7[%parallel_loop3A_114] : memref<10240xf32, #tpu.memory_space<vmem>>[vector<16xi32>], vector<16xf32>,
        %parallel_loop3A_171 = arith.constant 1 : i32
        %parallel_loop3A_172 = arith.index_cast %parallel_loop3A_171 : i32 to index
        %parallel_loop3A_173 = arith.index_cast %parallel_loop3A_141 : i32 to index
        %parallel_loop3A_174 = arith.index_cast %parallel_loop3A_159 : i32 to index
        %parallel_loop3A_175 = tpu.vector_load %arg13[%parallel_loop3A_172, %parallel_loop3A_173, %parallel_loop3A_174] {strides = array<i32>} : memref<2x64x128xf32, #tpu.memory_space<vmem>>, vector<16xf32>,
        %parallel_loop3A_176 = arith.addf %parallel_loop3A_170, %parallel_loop3A_175 : vector<16xf32>
        %parallel_loop3A_177 = arith.constant 0.000000e+00 : f32
        %parallel_loop3A_178 = vector.broadcast %parallel_loop3A_177 : f32 to vector<16xf32>
        %parallel_loop3A_179 = arith.maximumf %parallel_loop3A_176, %parallel_loop3A_178 : vector<16xf32>
        tpu.vector_store_idx %arg9[%parallel_loop3A_117], %parallel_loop3A_179 {add = true} : memref<10240xf32, #tpu.memory_space<vmem>>[vector<16xi32>], vector<16xf32>,
      } {sc.loop_unroll_factor = 4 : i64, sc.parallel_access}
      %add3A_100 = arith.constant 3 : i32
      %add3A_101 = arith.addi %mul3A_61, %add3A_100 : i32
      %lt3A_102 = arith.constant 40 : i32
      %lt3A_103 = arith.cmpi slt, %add3A_101, %lt3A_102 : i32
      %convert_element_type3A_104 = arith.extui %lt3A_103 : i1 to i32
      %cond3A_105 = arith.constant 0 : i32
      %cond3A_106 = arith.cmpi ne, %convert_element_type3A_104, %cond3A_105 : i32
      scf.if %cond3A_106 {
        %add3A_107 = arith.constant 3 : i32
        %add3A_108 = arith.addi %mul3A_61, %add3A_107 : i32
        %mul3A_109 = arith.constant 8192 : i32
        %mul3A_110 = arith.muli %add3A_108, %mul3A_109 : i32
        %dma_start3A_111 = tpu.memref_slice %arg4[%mul3A_110] : memref<327680xi32, #tpu.memory_space<hbm>> -> memref<8192xi32, #tpu.memory_space<hbm>>
        %dma_start3A_112 = tpu.memref_slice %arg4[%mul3A_110] : memref<327680xi32, #tpu.memory_space<hbm>> -> memref<8192xi32, #tpu.memory_space<hbm>>
        tpu.enqueue_dma source(%dma_start3A_112 : memref<8192xi32, #tpu.memory_space<hbm>>) target(%arg11 : memref<8192xi32, #tpu.memory_space<vmem>>) target_semaphore(%arg15 : memref<!tpu.dma_semaphore, #tpu.memory_space<semaphore_mem>>)
        %mul3A_113 = arith.constant 64 : i32
        %mul3A_114 = arith.muli %add3A_108, %mul3A_113 : i32
        %dma_start3A_115 = arith.constant 0 : i32
        %dma_start3A_116 = arith.constant 0 : i32
        %dma_start3A_117 = tpu.memref_slice %arg3[%add3A, %dma_start3A_115, %mul3A_114, %dma_start3A_116] : memref<32x2x2560x128xf32, #tpu.memory_space<hbm>> -> memref<1x2x64x128xf32, #tpu.memory_space<hbm>>
        %dma_start3A_118 = tpu.memref_squeeze %dma_start3A_117 : memref<1x2x64x128xf32, #tpu.memory_space<hbm>> -> memref<2x64x128xf32, #tpu.memory_space<hbm>>
        %dma_start3A_119 = arith.constant 0 : i32
        %dma_start3A_120 = arith.constant 0 : i32
        %dma_start3A_121 = tpu.memref_slice %arg3[%add3A, %dma_start3A_119, %mul3A_114, %dma_start3A_120] : memref<32x2x2560x128xf32, #tpu.memory_space<hbm>> -> memref<1x2x64x128xf32, #tpu.memory_space<hbm>>
        %dma_start3A_122 = tpu.memref_squeeze %dma_start3A_121 : memref<1x2x64x128xf32, #tpu.memory_space<hbm>> -> memref<2x64x128xf32, #tpu.memory_space<hbm>>
        tpu.enqueue_dma source(%dma_start3A_122 : memref<2x64x128xf32, #tpu.memory_space<hbm>>) target(%arg13 : memref<2x64x128xf32, #tpu.memory_space<vmem>>) target_semaphore(%arg17 : memref<!tpu.dma_semaphore, #tpu.memory_space<semaphore_mem>>)
      } else {
      }
    }
    %scan3A_48 = arith.constant 20 : i32
    %barrier3A = arith.constant 0 : index
    tpu.barrier barrier_id(%barrier3A)
    %mul3A_49 = arith.constant 2 : i32
    %mul3A_50 = arith.muli %add3A, %mul3A_49 : i32
    %mul3A_51 = arith.constant 10240 : i32
    %mul3A_52 = arith.muli %mul3A_50, %mul3A_51 : i32
    "tpu.region"() ({
      %run_scoped3A = tpu.sem_alloc : memref<!tpu.dma_semaphore, #tpu.memory_space<semaphore_mem>>
      %dma_start3A_59 = tpu.memref_slice %arg5[%mul3A_52] : memref<655360xf32, #tpu.memory_space<hbm>> -> memref<10240xf32, #tpu.memory_space<hbm>>
      %dma_start3A_60 = tpu.memref_slice %arg5[%mul3A_52] : memref<655360xf32, #tpu.memory_space<hbm>> -> memref<10240xf32, #tpu.memory_space<hbm>>
      tpu.enqueue_dma source(%arg8 : memref<10240xf32, #tpu.memory_space<vmem>>) target(%dma_start3A_60 : memref<10240xf32, #tpu.memory_space<hbm>>) target_semaphore(%run_scoped3A : memref<!tpu.dma_semaphore, #tpu.memory_space<semaphore_mem>>)
      %dma_wait3A = tpu.memref_slice %arg5[%mul3A_52] : memref<655360xf32, #tpu.memory_space<hbm>> -> memref<10240xf32, #tpu.memory_space<hbm>>
      %dma_wait3A_61 = tpu.memref_slice %arg5[%mul3A_52] : memref<655360xf32, #tpu.memory_space<hbm>> -> memref<10240xf32, #tpu.memory_space<hbm>>
      tpu.wait_dma2 semaphore(%run_scoped3A : memref<!tpu.dma_semaphore, #tpu.memory_space<semaphore_mem>>) src(%arg8 : memref<10240xf32, #tpu.memory_space<vmem>>) dst(%dma_wait3A_61 : memref<10240xf32, #tpu.memory_space<hbm>>)
      tpu.yield
    }) : () -> ()
    %mul3A_53 = arith.constant 2 : i32
    %mul3A_54 = arith.muli %add3A, %mul3A_53 : i32
    %add3A_55 = arith.constant 1 : i32
    %add3A_56 = arith.addi %mul3A_54, %add3A_55 : i32
    %mul3A_57 = arith.constant 10240 : i32
    %mul3A_58 = arith.muli %add3A_56, %mul3A_57 : i32
    "tpu.region"() ({
      %run_scoped3A = tpu.sem_alloc : memref<!tpu.dma_semaphore, #tpu.memory_space<semaphore_mem>>
      %dma_start3A_59 = tpu.memref_slice %arg5[%mul3A_58] : memref<655360xf32, #tpu.memory_space<hbm>> -> memref<10240xf32, #tpu.memory_space<hbm>>
      %dma_start3A_60 = tpu.memref_slice %arg5[%mul3A_58] : memref<655360xf32, #tpu.memory_space<hbm>> -> memref<10240xf32, #tpu.memory_space<hbm>>
      tpu.enqueue_dma source(%arg9 : memref<10240xf32, #tpu.memory_space<vmem>>) target(%dma_start3A_60 : memref<10240xf32, #tpu.memory_space<hbm>>) target_semaphore(%run_scoped3A : memref<!tpu.dma_semaphore, #tpu.memory_space<semaphore_mem>>)
      %dma_wait3A = tpu.memref_slice %arg5[%mul3A_58] : memref<655360xf32, #tpu.memory_space<hbm>> -> memref<10240xf32, #tpu.memory_space<hbm>>
      %dma_wait3A_61 = tpu.memref_slice %arg5[%mul3A_58] : memref<655360xf32, #tpu.memory_space<hbm>> -> memref<10240xf32, #tpu.memory_space<hbm>>
      tpu.wait_dma2 semaphore(%run_scoped3A : memref<!tpu.dma_semaphore, #tpu.memory_space<semaphore_mem>>) src(%arg9 : memref<10240xf32, #tpu.memory_space<vmem>>) dst(%dma_wait3A_61 : memref<10240xf32, #tpu.memory_space<hbm>>)
      tpu.yield
    }) : () -> ()
    return
  }
}

module attributes {stable_mosaic.version = 14 : i64} {
  func.func @_edge_proj_body(%arg0: i32, %arg1: memref<20480x16xf32, #tpu.memory_space<vmem>>, %arg2: memref<16x64xf32, #tpu.memory_space<vmem>>, %arg3: memref<1x64xf32, #tpu.memory_space<vmem>>, %arg4: memref<32x2x160x128xf32, #tpu.memory_space<vmem>>) attributes {dimension_semantics = [#tpu.dimension_semantics<arbitrary>], iteration_bounds = array<i64: 16>, scalar_prefetch = 0 : i64, scratch_operands = 0 : i64, tpu.core_type = #tpu.core_type<tc>, window_params = [{transform_indices = @transform_0, window_bounds = array<i64: 20480, 16>}, {pipeline_mode = #tpu.pipeline_mode<synchronous>, transform_indices = @transform_1, window_bounds = array<i64: 16, 64>}, {pipeline_mode = #tpu.pipeline_mode<synchronous>, transform_indices = @transform_2, window_bounds = array<i64: 1, 64>}, {transform_indices = @transform_3, window_bounds = array<i64: 32, 2, 160, 128>}]} {
    %get3A = arith.constant 0 : index
    %get3A_0 = arith.constant 0 : index
    %get3A_1 = vector.load %arg1[%get3A, %get3A_0] : memref<20480x16xf32, #tpu.memory_space<vmem>>, vector<20480x16xf32>
    %get3A_2 = arith.constant 0 : index
    %get3A_3 = arith.constant 0 : index
    %get3A_4 = vector.load %arg2[%get3A_2, %get3A_3] : memref<16x64xf32, #tpu.memory_space<vmem>>, vector<16x64xf32>
    %dot_general3A = arith.constant dense<0.000000e+00> : vector<20480x64xf32>
    %dot_general3A_5 = tpu.matmul %get3A_1, %get3A_4, %dot_general3A {dimension_numbers = #tpu.dot_dimension_numbers<[1], [0], [0], [1], [0, 0, 1, 1], [], []>, transpose_lhs_hint = false} : vector<20480x16xf32>, vector<16x64xf32>, vector<20480x64xf32> -> vector<20480x64xf32>
    %get3A_6 = arith.constant 0 : index
    %get3A_7 = arith.constant 0 : index
    %get3A_8 = vector.load %arg3[%get3A_6, %get3A_7] : memref<1x64xf32, #tpu.memory_space<vmem>>, vector<1x64xf32>
    %add3A = vector.broadcast %get3A_8 : vector<1x64xf32> to vector<20480x64xf32>
    %add3A_9 = arith.addf %dot_general3A_5, %add3A : vector<20480x64xf32>
    %transpose3A = tpu.transpose %add3A_9, [1, 0] : vector<20480x64xf32> -> vector<64x20480xf32>
    %reshape3A = vector.shape_cast %transpose3A : vector<64x20480xf32> to vector<32x2x160x128xf32>
    %swap3A = arith.constant 0 : index
    %swap3A_10 = arith.constant 0 : index
    %swap3A_11 = arith.constant 0 : index
    %swap3A_12 = arith.constant 0 : index
    %swap3A_13 = vector.load %arg4[%swap3A, %swap3A_10, %swap3A_11, %swap3A_12] : memref<32x2x160x128xf32, #tpu.memory_space<vmem>>, vector<32x2x160x128xf32>
    tpu.vector_store %arg4[%swap3A, %swap3A_10, %swap3A_11, %swap3A_12], %reshape3A {strides = array<i32>} : memref<32x2x160x128xf32, #tpu.memory_space<vmem>>, vector<32x2x160x128xf32>,
    return
  }
  func.func @transform_0(%arg0: i32) -> (i32, i32) {
    %c0_i32 = arith.constant 0 : i32
    %c0_i32_0 = arith.constant 0 : i32
    return %arg0, %c0_i32 : i32, i32
  }
  func.func @transform_1(%arg0: i32) -> (i32, i32) {
    %c0_i32 = arith.constant 0 : i32
    %c0_i32_0 = arith.constant 0 : i32
    %c0_i32_1 = arith.constant 0 : i32
    return %c0_i32, %c0_i32_0 : i32, i32
  }
  func.func @transform_2(%arg0: i32) -> (i32, i32) {
    %c0_i32 = arith.constant 0 : i32
    %c0_i32_0 = arith.constant 0 : i32
    %c0_i32_1 = arith.constant 0 : i32
    return %c0_i32, %c0_i32_0 : i32, i32
  }
  func.func @transform_3(%arg0: i32) -> (i32, i32, i32, i32) {
    %c0_i32 = arith.constant 0 : i32
    %c0_i32_0 = arith.constant 0 : i32
    %c0_i32_1 = arith.constant 0 : i32
    %c0_i32_2 = arith.constant 0 : i32
    return %c0_i32, %c0_i32_0, %arg0, %c0_i32_1 : i32, i32, i32, i32
  }
}

module attributes {stable_mosaic.version = 14 : i64} {
  func.func @_node_proj_body(%arg0: memref<10000x128xf32, #tpu.memory_space<vmem>>, %arg1: memref<128x64xf32, #tpu.memory_space<vmem>>, %arg2: memref<1x64xf32, #tpu.memory_space<vmem>>, %arg3: memref<10000x64xf32, #tpu.memory_space<vmem>>, %arg4: memref<655360xf32, #tpu.memory_space<vmem>>) attributes {dimension_semantics = [], scalar_prefetch = 0 : i64, scratch_operands = 0 : i64, tpu.core_type = #tpu.core_type<tc>} {
    %get3A = arith.constant 0 : index
    %get3A_0 = arith.constant 0 : index
    %get3A_1 = vector.load %arg0[%get3A, %get3A_0] : memref<10000x128xf32, #tpu.memory_space<vmem>>, vector<10000x128xf32>
    %get3A_2 = arith.constant 0 : index
    %get3A_3 = arith.constant 0 : index
    %get3A_4 = vector.load %arg1[%get3A_2, %get3A_3] : memref<128x64xf32, #tpu.memory_space<vmem>>, vector<128x64xf32>
    %dot_general3A = arith.constant dense<0.000000e+00> : vector<10000x64xf32>
    %dot_general3A_5 = tpu.matmul %get3A_1, %get3A_4, %dot_general3A {dimension_numbers = #tpu.dot_dimension_numbers<[1], [0], [0], [1], [0, 0, 1, 1], [], []>, transpose_lhs_hint = false} : vector<10000x128xf32>, vector<128x64xf32>, vector<10000x64xf32> -> vector<10000x64xf32>
    %get3A_6 = arith.constant 0 : index
    %get3A_7 = arith.constant 0 : index
    %get3A_8 = vector.load %arg2[%get3A_6, %get3A_7] : memref<1x64xf32, #tpu.memory_space<vmem>>, vector<1x64xf32>
    %add3A = vector.broadcast %get3A_8 : vector<1x64xf32> to vector<10000x64xf32>
    %add3A_9 = arith.addf %dot_general3A_5, %add3A : vector<10000x64xf32>
    %swap3A = arith.constant 0 : index
    %swap3A_10 = arith.constant 0 : index
    %swap3A_11 = vector.load %arg3[%swap3A, %swap3A_10] : memref<10000x64xf32, #tpu.memory_space<vmem>>, vector<10000x64xf32>
    tpu.vector_store %arg3[%swap3A, %swap3A_10], %add3A_9 {strides = array<i32>} : memref<10000x64xf32, #tpu.memory_space<vmem>>, vector<10000x64xf32>,
    %broadcast_in_dim3A = arith.constant 0.000000e+00 : f32
    %broadcast_in_dim3A_12 = vector.broadcast %broadcast_in_dim3A : f32 to vector<240x64xf32>
    %concatenate3A = tpu.concatenate %add3A_9, %broadcast_in_dim3A_12 in 0 : vector<10000x64xf32>, vector<240x64xf32> -> vector<10240x64xf32>
    %transpose3A = tpu.transpose %concatenate3A, [1, 0] : vector<10240x64xf32> -> vector<64x10240xf32>
    %reshape3A = vector.shape_cast %transpose3A : vector<64x10240xf32> to vector<655360xf32>
    %swap3A_13 = arith.constant 0 : index
    %swap3A_14 = vector.load %arg4[%swap3A_13] : memref<655360xf32, #tpu.memory_space<vmem>>, vector<655360xf32>
    tpu.vector_store %arg4[%swap3A_13], %reshape3A {strides = array<i32>} : memref<655360xf32, #tpu.memory_space<vmem>>, vector<655360xf32>,
    return
  }
}

module attributes {stable_mosaic.version = 14 : i64} {
  func.func @_layer_body(%arg0: memref<10000x64xf32, #tpu.memory_space<vmem>>, %arg1: memref<655360xf32, #tpu.memory_space<vmem>>, %arg2: memref<64x64xf32, #tpu.memory_space<vmem>>, %arg3: memref<1x64xf32, #tpu.memory_space<vmem>>, %arg4: memref<64x64xf32, #tpu.memory_space<vmem>>, %arg5: memref<1x64xf32, #tpu.memory_space<vmem>>, %arg6: memref<1x64xf32, #tpu.memory_space<vmem>>, %arg7: memref<1x64xf32, #tpu.memory_space<vmem>>, %arg8: memref<10000x64xf32, #tpu.memory_space<vmem>>, %arg9: memref<655360xf32, #tpu.memory_space<vmem>>) attributes {dimension_semantics = [], scalar_prefetch = 0 : i64, scratch_operands = 0 : i64, tpu.core_type = #tpu.core_type<tc>} {
    %get3A = arith.constant 0 : index
    %get3A_0 = vector.load %arg1[%get3A] : memref<655360xf32, #tpu.memory_space<vmem>>, vector<655360xf32>
    %reshape3A = vector.shape_cast %get3A_0 : vector<655360xf32> to vector<64x10240xf32>
    %transpose3A = tpu.transpose %reshape3A, [1, 0] : vector<64x10240xf32> -> vector<10240x64xf32>
    %slice3A = vector.extract_strided_slice %transpose3A {offsets = [0, 0], sizes = [10000, 64], strides = [1, 1]} : vector<10240x64xf32> to vector<10000x64xf32>
    %get3A_1 = arith.constant 0 : index
    %get3A_2 = arith.constant 0 : index
    %get3A_3 = vector.load %arg0[%get3A_1, %get3A_2] : memref<10000x64xf32, #tpu.memory_space<vmem>>, vector<10000x64xf32>
    %add3A = arith.addf %get3A_3, %slice3A : vector<10000x64xf32>
    %get3A_4 = arith.constant 0 : index
    %get3A_5 = arith.constant 0 : index
    %get3A_6 = vector.load %arg2[%get3A_4, %get3A_5] : memref<64x64xf32, #tpu.memory_space<vmem>>, vector<64x64xf32>
    %dot_general3A = arith.constant dense<0.000000e+00> : vector<10000x64xf32>
    %dot_general3A_7 = tpu.matmul %add3A, %get3A_6, %dot_general3A {dimension_numbers = #tpu.dot_dimension_numbers<[1], [0], [0], [1], [0, 0, 1, 1], [], []>, transpose_lhs_hint = false} : vector<10000x64xf32>, vector<64x64xf32>, vector<10000x64xf32> -> vector<10000x64xf32>
    %get3A_8 = arith.constant 0 : index
    %get3A_9 = arith.constant 0 : index
    %get3A_10 = vector.load %arg3[%get3A_8, %get3A_9] : memref<1x64xf32, #tpu.memory_space<vmem>>, vector<1x64xf32>
    %add3A_11 = vector.broadcast %get3A_10 : vector<1x64xf32> to vector<10000x64xf32>
    %add3A_12 = arith.addf %dot_general3A_7, %add3A_11 : vector<10000x64xf32>
    %max3A = arith.constant 0.000000e+00 : f32
    %max3A_13 = vector.broadcast %max3A : f32 to vector<10000x64xf32>
    %max3A_14 = arith.maximumf %add3A_12, %max3A_13 : vector<10000x64xf32>
    %get3A_15 = arith.constant 0 : index
    %get3A_16 = arith.constant 0 : index
    %get3A_17 = vector.load %arg4[%get3A_15, %get3A_16] : memref<64x64xf32, #tpu.memory_space<vmem>>, vector<64x64xf32>
    %dot_general3A_18 = arith.constant dense<0.000000e+00> : vector<10000x64xf32>
    %dot_general3A_19 = tpu.matmul %max3A_14, %get3A_17, %dot_general3A_18 {dimension_numbers = #tpu.dot_dimension_numbers<[1], [0], [0], [1], [0, 0, 1, 1], [], []>, transpose_lhs_hint = false} : vector<10000x64xf32>, vector<64x64xf32>, vector<10000x64xf32> -> vector<10000x64xf32>
    %get3A_20 = arith.constant 0 : index
    %get3A_21 = arith.constant 0 : index
    %get3A_22 = vector.load %arg5[%get3A_20, %get3A_21] : memref<1x64xf32, #tpu.memory_space<vmem>>, vector<1x64xf32>
    %add3A_23 = vector.broadcast %get3A_22 : vector<1x64xf32> to vector<10000x64xf32>
    %add3A_24 = arith.addf %dot_general3A_19, %add3A_23 : vector<10000x64xf32>
    %reduce_sum3A = arith.constant dense<0.000000e+00> : vector<64xf32>
    %reduce_sum3A_25 = vector.multi_reduction <add>, %add3A_24, %reduce_sum3A [0] : vector<10000x64xf32> to vector<64xf32>
    %broadcast_in_dim3A = vector.shape_cast %reduce_sum3A_25 : vector<64xf32> to vector<1x64xf32>
    %div3A = arith.constant 1.000000e+04 : f32
    %div3A_26 = vector.broadcast %div3A : f32 to vector<1x64xf32>
    %div3A_27 = arith.divf %broadcast_in_dim3A, %div3A_26 : vector<1x64xf32>
    %sub3A = vector.broadcast %div3A_27 : vector<1x64xf32> to vector<10000x64xf32>
    %sub3A_28 = arith.subf %add3A_24, %sub3A : vector<10000x64xf32>
    %mul3A = arith.mulf %sub3A_28, %sub3A_28 : vector<10000x64xf32>
    %reduce_sum3A_29 = arith.constant dense<0.000000e+00> : vector<64xf32>
    %reduce_sum3A_30 = vector.multi_reduction <add>, %mul3A, %reduce_sum3A_29 [0] : vector<10000x64xf32> to vector<64xf32>
    %broadcast_in_dim3A_31 = vector.shape_cast %reduce_sum3A_30 : vector<64xf32> to vector<1x64xf32>
    %div3A_32 = arith.constant 1.000000e+04 : f32
    %div3A_33 = vector.broadcast %div3A_32 : f32 to vector<1x64xf32>
    %div3A_34 = arith.divf %broadcast_in_dim3A_31, %div3A_33 : vector<1x64xf32>
    %get3A_35 = arith.constant 0 : index
    %get3A_36 = arith.constant 0 : index
    %get3A_37 = vector.load %arg6[%get3A_35, %get3A_36] : memref<1x64xf32, #tpu.memory_space<vmem>>, vector<1x64xf32>
    %add3A_38 = arith.constant 9.99999974E-6 : f32
    %add3A_39 = vector.broadcast %add3A_38 : f32 to vector<1x64xf32>
    %add3A_40 = arith.addf %div3A_34, %add3A_39 : vector<1x64xf32>
    %rsqrt3A = math.rsqrt %add3A_40 : vector<1x64xf32>
    %mul3A_41 = arith.mulf %get3A_37, %rsqrt3A : vector<1x64xf32>
    %mul3A_42 = vector.broadcast %mul3A_41 : vector<1x64xf32> to vector<10000x64xf32>
    %mul3A_43 = arith.mulf %sub3A_28, %mul3A_42 : vector<10000x64xf32>
    %get3A_44 = arith.constant 0 : index
    %get3A_45 = arith.constant 0 : index
    %get3A_46 = vector.load %arg7[%get3A_44, %get3A_45] : memref<1x64xf32, #tpu.memory_space<vmem>>, vector<1x64xf32>
    %add3A_47 = vector.broadcast %get3A_46 : vector<1x64xf32> to vector<10000x64xf32>
    %add3A_48 = arith.addf %mul3A_43, %add3A_47 : vector<10000x64xf32>
    %max3A_49 = arith.constant 0.000000e+00 : f32
    %max3A_50 = vector.broadcast %max3A_49 : f32 to vector<10000x64xf32>
    %max3A_51 = arith.maximumf %add3A_48, %max3A_50 : vector<10000x64xf32>
    %swap3A = arith.constant 0 : index
    %swap3A_52 = arith.constant 0 : index
    %swap3A_53 = vector.load %arg8[%swap3A, %swap3A_52] : memref<10000x64xf32, #tpu.memory_space<vmem>>, vector<10000x64xf32>
    tpu.vector_store %arg8[%swap3A, %swap3A_52], %max3A_51 {strides = array<i32>} : memref<10000x64xf32, #tpu.memory_space<vmem>>, vector<10000x64xf32>,
    %broadcast_in_dim3A_54 = arith.constant 0.000000e+00 : f32
    %broadcast_in_dim3A_55 = vector.broadcast %broadcast_in_dim3A_54 : f32 to vector<240x64xf32>
    %concatenate3A = tpu.concatenate %max3A_51, %broadcast_in_dim3A_55 in 0 : vector<10000x64xf32>, vector<240x64xf32> -> vector<10240x64xf32>
    %transpose3A_56 = tpu.transpose %concatenate3A, [1, 0] : vector<10240x64xf32> -> vector<64x10240xf32>
    %reshape3A_57 = vector.shape_cast %transpose3A_56 : vector<64x10240xf32> to vector<655360xf32>
    %swap3A_58 = arith.constant 0 : index
    %swap3A_59 = vector.load %arg9[%swap3A_58] : memref<655360xf32, #tpu.memory_space<vmem>>, vector<655360xf32>
    tpu.vector_store %arg9[%swap3A_58], %reshape3A_57 {strides = array<i32>} : memref<655360xf32, #tpu.memory_space<vmem>>, vector<655360xf32>,
    return
  }
}

module attributes {stable_mosaic.version = 14 : i64} {
  func.func @_layer_pool_body(%arg0: memref<10000x64xf32, #tpu.memory_space<vmem>>, %arg1: memref<655360xf32, #tpu.memory_space<vmem>>, %arg2: memref<64x64xf32, #tpu.memory_space<vmem>>, %arg3: memref<1x64xf32, #tpu.memory_space<vmem>>, %arg4: memref<64x64xf32, #tpu.memory_space<vmem>>, %arg5: memref<1x64xf32, #tpu.memory_space<vmem>>, %arg6: memref<1x64xf32, #tpu.memory_space<vmem>>, %arg7: memref<1x64xf32, #tpu.memory_space<vmem>>, %arg8: memref<1x10000xi32, #tpu.memory_space<vmem>>, %arg9: memref<10000x64xf32, #tpu.memory_space<vmem>>, %arg10: memref<64x64xf32, #tpu.memory_space<vmem>>) attributes {dimension_semantics = [], scalar_prefetch = 0 : i64, scratch_operands = 0 : i64, tpu.core_type = #tpu.core_type<tc>} {
    %get3A = arith.constant 0 : index
    %get3A_0 = vector.load %arg1[%get3A] : memref<655360xf32, #tpu.memory_space<vmem>>, vector<655360xf32>
    %reshape3A = vector.shape_cast %get3A_0 : vector<655360xf32> to vector<64x10240xf32>
    %transpose3A = tpu.transpose %reshape3A, [1, 0] : vector<64x10240xf32> -> vector<10240x64xf32>
    %slice3A = vector.extract_strided_slice %transpose3A {offsets = [0, 0], sizes = [10000, 64], strides = [1, 1]} : vector<10240x64xf32> to vector<10000x64xf32>
    %get3A_1 = arith.constant 0 : index
    %get3A_2 = arith.constant 0 : index
    %get3A_3 = vector.load %arg0[%get3A_1, %get3A_2] : memref<10000x64xf32, #tpu.memory_space<vmem>>, vector<10000x64xf32>
    %add3A = arith.addf %get3A_3, %slice3A : vector<10000x64xf32>
    %get3A_4 = arith.constant 0 : index
    %get3A_5 = arith.constant 0 : index
    %get3A_6 = vector.load %arg2[%get3A_4, %get3A_5] : memref<64x64xf32, #tpu.memory_space<vmem>>, vector<64x64xf32>
    %dot_general3A = arith.constant dense<0.000000e+00> : vector<10000x64xf32>
    %dot_general3A_7 = tpu.matmul %add3A, %get3A_6, %dot_general3A {dimension_numbers = #tpu.dot_dimension_numbers<[1], [0], [0], [1], [0, 0, 1, 1], [], []>, transpose_lhs_hint = false} : vector<10000x64xf32>, vector<64x64xf32>, vector<10000x64xf32> -> vector<10000x64xf32>
    %get3A_8 = arith.constant 0 : index
    %get3A_9 = arith.constant 0 : index
    %get3A_10 = vector.load %arg3[%get3A_8, %get3A_9] : memref<1x64xf32, #tpu.memory_space<vmem>>, vector<1x64xf32>
    %add3A_11 = vector.broadcast %get3A_10 : vector<1x64xf32> to vector<10000x64xf32>
    %add3A_12 = arith.addf %dot_general3A_7, %add3A_11 : vector<10000x64xf32>
    %max3A = arith.constant 0.000000e+00 : f32
    %max3A_13 = vector.broadcast %max3A : f32 to vector<10000x64xf32>
    %max3A_14 = arith.maximumf %add3A_12, %max3A_13 : vector<10000x64xf32>
    %get3A_15 = arith.constant 0 : index
    %get3A_16 = arith.constant 0 : index
    %get3A_17 = vector.load %arg4[%get3A_15, %get3A_16] : memref<64x64xf32, #tpu.memory_space<vmem>>, vector<64x64xf32>
    %dot_general3A_18 = arith.constant dense<0.000000e+00> : vector<10000x64xf32>
    %dot_general3A_19 = tpu.matmul %max3A_14, %get3A_17, %dot_general3A_18 {dimension_numbers = #tpu.dot_dimension_numbers<[1], [0], [0], [1], [0, 0, 1, 1], [], []>, transpose_lhs_hint = false} : vector<10000x64xf32>, vector<64x64xf32>, vector<10000x64xf32> -> vector<10000x64xf32>
    %get3A_20 = arith.constant 0 : index
    %get3A_21 = arith.constant 0 : index
    %get3A_22 = vector.load %arg5[%get3A_20, %get3A_21] : memref<1x64xf32, #tpu.memory_space<vmem>>, vector<1x64xf32>
    %add3A_23 = vector.broadcast %get3A_22 : vector<1x64xf32> to vector<10000x64xf32>
    %add3A_24 = arith.addf %dot_general3A_19, %add3A_23 : vector<10000x64xf32>
    %reduce_sum3A = arith.constant dense<0.000000e+00> : vector<64xf32>
    %reduce_sum3A_25 = vector.multi_reduction <add>, %add3A_24, %reduce_sum3A [0] : vector<10000x64xf32> to vector<64xf32>
    %broadcast_in_dim3A = vector.shape_cast %reduce_sum3A_25 : vector<64xf32> to vector<1x64xf32>
    %div3A = arith.constant 1.000000e+04 : f32
    %div3A_26 = vector.broadcast %div3A : f32 to vector<1x64xf32>
    %div3A_27 = arith.divf %broadcast_in_dim3A, %div3A_26 : vector<1x64xf32>
    %sub3A = vector.broadcast %div3A_27 : vector<1x64xf32> to vector<10000x64xf32>
    %sub3A_28 = arith.subf %add3A_24, %sub3A : vector<10000x64xf32>
    %mul3A = arith.mulf %sub3A_28, %sub3A_28 : vector<10000x64xf32>
    %reduce_sum3A_29 = arith.constant dense<0.000000e+00> : vector<64xf32>
    %reduce_sum3A_30 = vector.multi_reduction <add>, %mul3A, %reduce_sum3A_29 [0] : vector<10000x64xf32> to vector<64xf32>
    %broadcast_in_dim3A_31 = vector.shape_cast %reduce_sum3A_30 : vector<64xf32> to vector<1x64xf32>
    %div3A_32 = arith.constant 1.000000e+04 : f32
    %div3A_33 = vector.broadcast %div3A_32 : f32 to vector<1x64xf32>
    %div3A_34 = arith.divf %broadcast_in_dim3A_31, %div3A_33 : vector<1x64xf32>
    %get3A_35 = arith.constant 0 : index
    %get3A_36 = arith.constant 0 : index
    %get3A_37 = vector.load %arg6[%get3A_35, %get3A_36] : memref<1x64xf32, #tpu.memory_space<vmem>>, vector<1x64xf32>
    %add3A_38 = arith.constant 9.99999974E-6 : f32
    %add3A_39 = vector.broadcast %add3A_38 : f32 to vector<1x64xf32>
    %add3A_40 = arith.addf %div3A_34, %add3A_39 : vector<1x64xf32>
    %rsqrt3A = math.rsqrt %add3A_40 : vector<1x64xf32>
    %mul3A_41 = arith.mulf %get3A_37, %rsqrt3A : vector<1x64xf32>
    %mul3A_42 = vector.broadcast %mul3A_41 : vector<1x64xf32> to vector<10000x64xf32>
    %mul3A_43 = arith.mulf %sub3A_28, %mul3A_42 : vector<10000x64xf32>
    %get3A_44 = arith.constant 0 : index
    %get3A_45 = arith.constant 0 : index
    %get3A_46 = vector.load %arg7[%get3A_44, %get3A_45] : memref<1x64xf32, #tpu.memory_space<vmem>>, vector<1x64xf32>
    %add3A_47 = vector.broadcast %get3A_46 : vector<1x64xf32> to vector<10000x64xf32>
    %add3A_48 = arith.addf %mul3A_43, %add3A_47 : vector<10000x64xf32>
    %max3A_49 = arith.constant 0.000000e+00 : f32
    %max3A_50 = vector.broadcast %max3A_49 : f32 to vector<10000x64xf32>
    %max3A_51 = arith.maximumf %add3A_48, %max3A_50 : vector<10000x64xf32>
    %swap3A = arith.constant 0 : index
    %swap3A_52 = arith.constant 0 : index
    %swap3A_53 = vector.load %arg9[%swap3A, %swap3A_52] : memref<10000x64xf32, #tpu.memory_space<vmem>>, vector<10000x64xf32>
    tpu.vector_store %arg9[%swap3A, %swap3A_52], %max3A_51 {strides = array<i32>} : memref<10000x64xf32, #tpu.memory_space<vmem>>, vector<10000x64xf32>,
    %get3A_54 = arith.constant 0 : index
    %get3A_55 = arith.constant 0 : index
    %get3A_56 = vector.load %arg8[%get3A_54, %get3A_55] : memref<1x10000xi32, #tpu.memory_space<vmem>>, vector<1x10000xi32>
    %get3A_57 = vector.shape_cast %get3A_56 : vector<1x10000xi32> to vector<10000xi32>
    %broadcast_in_dim3A_58 = vector.shape_cast %get3A_57 : vector<10000xi32> to vector<10000x1xi32>
    %iota3A = tpu.iota {dimensions = array<i32: 1>} : vector<10000x64xi32>
    %eq3A = vector.broadcast %broadcast_in_dim3A_58 : vector<10000x1xi32> to vector<10000x64xi32>
    %eq3A_59 = arith.cmpi eq, %eq3A, %iota3A : vector<10000x64xi32>
    %convert_element_type3A = arith.extui %eq3A_59 : vector<10000x64xi1> to vector<10000x64xi32>
    %convert_element_type3A_60 = arith.sitofp %convert_element_type3A : vector<10000x64xi32> to vector<10000x64xf32>
    %dot_general3A_61 = arith.constant dense<0.000000e+00> : vector<64x64xf32>
    %dot_general3A_62 = tpu.matmul %convert_element_type3A_60, %max3A_51, %dot_general3A_61 {dimension_numbers = #tpu.dot_dimension_numbers<[0], [0], [1], [1], [0, 1, 1, 1], [], []>, transpose_lhs_hint = false} : vector<10000x64xf32>, vector<10000x64xf32>, vector<64x64xf32> -> vector<64x64xf32>
    %reduce_sum3A_63 = arith.constant dense<0.000000e+00> : vector<64xf32>
    %reduce_sum3A_64 = vector.multi_reduction <add>, %convert_element_type3A_60, %reduce_sum3A_63 [0] : vector<10000x64xf32> to vector<64xf32>
    %broadcast_in_dim3A_65 = vector.shape_cast %reduce_sum3A_64 : vector<64xf32> to vector<64x1xf32>
    %max3A_66 = arith.constant 1.000000e+00 : f32
    %max3A_67 = vector.broadcast %max3A_66 : f32 to vector<64x1xf32>
    %max3A_68 = arith.maximumf %broadcast_in_dim3A_65, %max3A_67 : vector<64x1xf32>
    %div3A_69 = vector.broadcast %max3A_68 : vector<64x1xf32> to vector<64x64xf32>
    %div3A_70 = arith.divf %dot_general3A_62, %div3A_69 : vector<64x64xf32>
    %swap3A_71 = arith.constant 0 : index
    %swap3A_72 = arith.constant 0 : index
    %swap3A_73 = vector.load %arg10[%swap3A_71, %swap3A_72] : memref<64x64xf32, #tpu.memory_space<vmem>>, vector<64x64xf32>
    tpu.vector_store %arg10[%swap3A_71, %swap3A_72], %div3A_70 {strides = array<i32>} : memref<64x64xf32, #tpu.memory_space<vmem>>, vector<64x64xf32>,
    return
  }
}

</mosaic_0001>

<sc_bundles>
// kernel: kernel.10.cloned.1.call-start
scs
__scs_entry_jumppad:
0x0: {  	(pc) =	sbr.rel $0x88, $3  }
0x1: {  	(tag) =	ssettag $0x0;
	lr =	simm.s32 $0x1  }
0x2: {  	[smem:$0x3F93] =	sst lr;
	_ =	strace $0xD0000000  }
0x3: {  	_ = 	snop  }
0x4: {  	_ = 	snop  }
0x5: {  	_ = 	snop  }
0x6: {  	_ = 	snop  }
0x7: {  	_ = 	snop  }
__scs_overlays_trampoline_lowered:
0x8: {  	[smem:$0x3FA2] =	sst s0  }
0x9: {  	[smem:$0x3FA3] =	sst s1  }
0xa: {  	[smem:$0x3FA4] =	sst s2  }
0xb: {  	[smem:$0x3FA5] =	sst s3  }
0xc: {  	[smem:$0x3FA6] =	sst s4  }
0xd: {  	[smem:$0x3FA7] =	sst s5  }
0xe: {  	[smem:$0x3FA8] =	sst s6  }
0xf: {  	[smem:$0x3FA9] =	sst s7  }
0x10: {  	[smem:$0x3FAA] =	sst s8  }
0x11: {  	[smem:$0x3FAB] =	sst s9;
	s0 =	simm.s32 @!p0 $0x0  }
0x12: {  	s1 =	sld [smem:$0x3F91];
	s0 =	simm.s32 @p0 $0x1  }
0x13: {  	[smem:$0x3FAC] =	sst s0;
	s0 =	simm.s32 @!p1 $0x0  }
0x14: {  	s2 =	sld [smem:$0x3F90];
	s0 =	simm.s32 @p1 $0x1  }
0x15: {  	[smem:$0x3FAD] =	sst s0;
	s0 =	simm.s32 @!p2 $0x0  }
0x16: {  	s3 =	sld [smem:$0x3FDB];
	s0 =	simm.s32 @p2 $0x1  }
0x17: {  	s4 =	simm.s32 $0x1BF5;
	[smem:$0x3FAF] =	sst s0  }
0x18: {  	s0 =	sld [smem:$0x3F92];
	_ =	swait.ge [sflag:s4], $0x0  }
0x19: {  	s7 =	sld [smem:$0x3F93]  }
0x1a: {  	s8 =	sadd.s32 $0xFFFFE003, lr  }
0x1b: {  	s9 =	sadd.s32 $0xFFFFFEF7, lr;
	s5 =	simm.s32 $0xFFFFFFFF;
	p2 =	slt.u32 s8, $0xFFFFF086  }
0x1c: {  	p1 =	slt.u32 s9, $0xF7A;
	s5 =	simm.s32 @!p2 $0x0  }
0x1d: {  	s5 =	simm.s32 @p1 $0x1;
	p0 =	seq.s32 s7, s2  }
0x1e: {  	s7 =	smul.u32 @!p0 $0xF7A, s2;
	p2 =	seq.s32 @!p0 s5, $0x0  }
0x1f: {  	s9 =	smul.u32 $0xF7A, s1;
	s8 =	simm.s32 @!p0 $0x1BF5;
	p2 =	por !p2, p0  }
0x20: {  	[sflag:s8] =	ssyncset.s32 @!p0 $0xFFFFF086;
	s6 =	sadd.s32 @!p0 s3, s7;
	s7 =	simm.s32 @!p0 $0x108  }
0x21: {  	s3 =	sadd.s32 s3, s9;
	s6 =	sadd.s32 @!p0 $0x88, s6;
	s7 =	simm.s32 @p2 $0x1082  }
0x22: {  	[simem:s7], [sflag:s8] =	dma.local @!p0 [hbm:s6], $0xF7A  }
0x23: {  	s9 =	sor.u32 $0xD0000000, s2;
	s6 =	simm.s32 $0x108;
	_ =	swait.ge @!p0 [sflag:s8], $0x0  }
0x24: {  	s3 =	sadd.s32 $0x88, s3;
	s6 =	simm.s32 @!p1 $0x1082;
	[sflag:s4] =	ssyncset.s32 $0xFFFFF086  }
0x25: {  	[simem:s6], [sflag:s4] =	dma.local [hbm:s3], $0xF7A  }
0x26: {  	[smem:$0x3F93] =	sst s1;
	(tag) =	ssettag s2;
	_ =	strace s9  }
0x27: {  	s1 =	sld [smem:$0x3FA3]  }
0x28: {  	s2 =	sld [smem:$0x3FA4]  }
0x29: {  	s4 =	sld [smem:$0x3FA6]  }
0x2a: {  	p0 =	seq.s32 s5, $0x0;
	s5 =	sld [smem:$0x3FA7]  }
0x2b: {  	s6 =	sld [smem:$0x3FA8]  }
0x2c: {  	s7 =	sld [smem:$0x3FA9]  }
0x2d: {  	s3 =	simm.s32 $0x108;
	s8 =	sld [smem:$0x3FAA]  }
0x2e: {  	s3 =	simm.s32 @!p0 $0x1082;
	s9 =	sld [smem:$0x3FAB]  }
0x2f: {  	lr =	sadd.s32 s0, s3;
	s0 =	sld [smem:$0x3FA2]  }
0x30: {  	s3 =	sld [smem:$0x3FA5]  }
0x31: {  	[smem:$0x3FAE] =	sst s10  }
0x32: {  	s10 =	sld [smem:$0x3FAC];
	_ =	sdelay $0x3  }
0x33: {  	p0 =	seq.s32 s10, $0x1;
	s10 =	sld [smem:$0x3FAE];
	_ =	sdelay $0x3  }
0x34: {  	[smem:$0x3FAE] =	sst s10  }
0x35: {  	s10 =	sld [smem:$0x3FAD];
	_ =	sdelay $0x3  }
0x36: {  	p1 =	seq.s32 s10, $0x1;
	s10 =	sld [smem:$0x3FAE];
	_ =	sdelay $0x3  }
0x37: {  	[smem:$0x3FAE] =	sst s10  }
0x38: {  	s10 =	sld [smem:$0x3FAF]  }
0x39: {  	_ = 	snop;
	(pc) =	sbr.ind lr, $3  }
0x3a: {  	_ = 	snop  }
0x3b: {  	_ = 	snop  }
0x3c: {  	p2 =	seq.s32 s10, $0x1;
	s10 =	sld [smem:$0x3FAE]  }
0x3d: {  	_ =	shalt  }
0x3e: {  	_ =	shalt  }
0x3f: {  	_ =	shalt  }
0x40: {  	_ =	shalt  }
0x41: {  	_ =	shalt  }
0x42: {  	_ =	shalt  }
0x43: {  	_ =	shalt  }
0x44: {  	_ =	shalt  }
0x45: {  	_ =	shalt  }
0x46: {  	_ =	shalt  }
0x47: {  	_ =	shalt  }
0x48: {  	_ =	shalt  }
0x49: {  	_ =	shalt  }
0x4a: {  	_ =	shalt  }
0x4b: {  	_ =	shalt  }
0x4c: {  	_ =	shalt  }
0x4d: {  	_ =	shalt  }
0x4e: {  	_ =	shalt  }
0x4f: {  	_ =	shalt  }
0x50: {  	_ =	shalt  }
0x51: {  	_ =	shalt  }
0x52: {  	_ =	shalt  }
0x53: {  	_ =	shalt  }
0x54: {  	_ =	shalt  }
0x55: {  	_ =	shalt  }
0x56: {  	_ =	shalt  }
0x57: {  	_ =	shalt  }
0x58: {  	_ =	shalt  }
0x59: {  	_ =	shalt  }
0x5a: {  	_ =	shalt  }
0x5b: {  	_ =	shalt  }
0x5c: {  	_ =	shalt  }
0x5d: {  	_ =	shalt  }
0x5e: {  	_ =	shalt  }
0x5f: {  	_ =	shalt  }
0x60: {  	_ =	shalt  }
0x61: {  	_ =	shalt  }
0x62: {  	_ =	shalt  }
0x63: {  	_ =	shalt  }
0x64: {  	_ =	shalt  }
0x65: {  	_ =	shalt  }
0x66: {  	_ =	shalt  }
0x67: {  	_ =	shalt  }
0x68: {  	_ =	shalt  }
0x69: {  	_ =	shalt  }
0x6a: {  	_ =	shalt  }
0x6b: {  	_ =	shalt  }
0x6c: {  	_ =	shalt  }
0x6d: {  	_ =	shalt  }
0x6e: {  	_ =	shalt  }
0x6f: {  	_ =	shalt  }
0x70: {  	_ =	shalt  }
0x71: {  	_ =	shalt  }
0x72: {  	_ =	shalt  }
0x73: {  	_ =	shalt  }
0x74: {  	_ =	shalt  }
0x75: {  	_ =	shalt  }
0x76: {  	_ =	shalt  }
0x77: {  	_ =	shalt  }
0x78: {  	_ =	shalt  }
0x79: {  	_ =	shalt  }
0x7a: {  	_ =	shalt  }
0x7b: {  	_ =	shalt  }
0x7c: {  	_ =	shalt  }
0x7d: {  	_ =	shalt  }
0x7e: {  	_ =	shalt  }
0x7f: {  	_ =	shalt  }
0x80: {  	_ =	shalt  }
0x81: {  	_ =	shalt  }
0x82: {  	_ =	shalt  }
0x83: {  	_ =	shalt  }
0x84: {  	_ =	shalt  }
0x85: {  	_ =	shalt  }
0x86: {  	_ =	shalt  }
0x87: {  	_ =	shalt  }
.Lfunc_end0:
.L_simem_size_0:
called_computation_lowered:
.L_overlay_start_0:
0x88: {  	s2 =	sld [smem:$0x3FD9]  }
0x89: {  	s3 =	sld [smem:$0x3FFE];
	_ =	sdelay $0x1  }
0x8a: {  	s1 =	srdreg.scid  }
0x8b: {  	s0 =	sand.u32 $0x1, s1  }
0x8c: {  	s14 =	sshll.u32 s0, $0xA;
	s2 =	sadd.s32 s3, s2  }
0x8d: {  	s2 =	sadd.s32 s2, s14  }
0x8e: {  	[smem:$0x3FBA] =	sst s2  }
0x8f: {  	_ = 	snop  }
0x90: {  	s2 =	sld [smem:$0x3FD0];
	_ =	sdelay $0x2  }
0x91: {  	s15 =	simm.s32 $0xA;
	s4 =	simm.s32 $0x10  }
0x92: {  	[smem:s4], [sflag:s15] =	dma.local [hbm:s2], $0x1  }
0x93: {  	_ =	swait.eq [sflag:s15], $0x1  }
0x94: {  	[sflag:s15] =	ssyncset.done $0x0  }
0x95: {  	[sflag:s15] =	ssyncadd.s32 $0xFFFFFFFF  }
0x96: {  	s16 =	sld [smem:$0x10];
	(tm) =	ssettm $0x1  }
0x97: {  	s17 =	sld [smem:$0x3FFB];
	_ =	sdelay $0x3  }
0x98: {  	_ =	strace s17  }
0x99: {  	s3 =	sld [smem:$0x3FFC];
	_ =	sdelay $0x3  }
0x9a: {  	_ =	strace s3  }
0x9b: {  	s3 =	sld [smem:$0x3FFD];
	_ =	sdelay $0x3  }
0x9c: {  	_ =	strace s3  }
0x9d: {  	_ =	strace $0x8FFFFFFF  }
0x9e: {  	s18 =	sld [smem:$0x3FDB];
	_ =	sdelay $0x1  }
0x9f: {  	s19 =	simm.s32 $_scs_section_size  }
0xa0: {  	s5 =	simm.s32 $_size__tile_overlayer_lowered;
	s6 =	simm.s32 $_tile_overlayer_lowered  }
0xa1: {  	s22 =	simm.s32 $0x1BFF;
	s21 =	sshll.u32 s6, $0x1;
	s3 =	sadd.s32 s19, s18  }
0xa2: {  	s7 =	simm.s32 $0x0;
	s20 =	sshll.u32 s5, $0x1;
	s5 =	sadd.s32 s21, s3  }
0xa3: {  	[timem:s7], [sflag:s22] =	dma.local [hbm:s5], s20  }
0xa4: {  	_ =	swait.ge [sflag:s22], s20  }
0xa5: {  	s4 =	ssub.s32 $0x0, s20;
	[sflag:s22] =	ssyncset.done $0x0  }
0xa6: {  	[sflag:s22] =	ssyncadd.s32 s4;
	_ =	sdelay $0x1  }
0xa7: {  	s23 =	simm.s32 $0x1B8B  }
0xa8: {  	_ =	swait.ge [sflag:s23], $0x1  }
0xa9: {  	[sflag:s23] =	ssyncset.done $0x0  }
0xaa: {  	s25 =	simm.s32 $0x1B8E;
	s24 =	sld [smem:$0x3FFE];
	[sflag:s23] =	ssyncadd.s32 $0xFFFFFFFF  }
0xab: {  	s26 =	simm.s32 $execute0_lowered;
	[smem:$0x3FD2] =	sst s25  }
0xac: {  	s5 =	sshll.u32 s26, $0x1;
	_ =	strace $0x80000046;
	[dreg:$0x1] =	wrdreg $0xFFFFFFFF  }
0xad: {  	s28 =	simm.s32 $_size_execute0_lowered;
	s3 =	sadd.s32 s3, s5;
	[dreg:$0x0] =	wrdreg $0x0  }
0xae: {  	s5 =	sshll.u32 s28, $0x1;
	[dreg:$0x2] =	wrdreg s3  }
0xaf: {  	[dreg:$0x3] =	wrdreg s5  }
0xb0: {  	[dreg:$0x4] =	wrdreg $0xC0  }
0xb1: {  	_ =	task [dreg:s7], $0x5FFFF  }
0xb2: {  	[dreg:$0x1] =	wrdreg $0xFFFFFFFF  }
0xb3: {  	[dreg:$0x0] =	wrdreg $0x60  }
0xb4: {  	[dreg:$0x2] =	wrdreg s24  }
0xb5: {  	[dreg:$0x3] =	wrdreg s16  }
0xb6: {  	[dreg:$0x4] =	wrdreg $0x9  }
0xb7: {  	_ =	task.clear_ibuf [dreg:s7], $0x5FFFF;
	_ =	strace $0x90000046  }
0xb8: {  	s29 =	simm.s32 $0x9;
	_ =	strace $0x80000048  }
0xb9: {  	_ =	swait.ge [sflag:s29], $0x1  }
0xba: {  	[sflag:s29] =	ssyncadd.s32 $0xFFFFFFFF  }
0xbb: {  	_ =	strace $0x90000048  }
0xbc: {  	_ =	sfence  }
0xbd: {  	s30 =	sld [smem:$0x0];
	_ =	sdelay $0x2  }
0xbe: {  	s31 =	sshll.u32 s1, $0xD;
	s1 =	sshrl.u32 s1, $0x2  }
0xbf: {  	s3 =	sand.u32 $0x4000, s31;
	s1 =	sadd.s32 s1, s30  }
0xc0: {  	s0 =	sor.u32 s3, s0;
	s1 =	sshll.u32 s1, $0x11  }
0xc1: {  	s0 =	sor.u32 s1, s0  }
0xc2: {  	s0 =	sadd.s32 $0x8F2B, s0  }
0xc3: {  	[sflag:s0] =	ssyncadd.remote.s32 $0x1  }
0xc4: {  	_ =	sfence.sel $0xFFFF  }
0xc5: {  	[dreg:$0x0] =	wrdreg $0xFFFFFFFF;
	(pc) =	sbr.abs _section_cstart, $3  }
0xc6: {  	[dreg:$0x1] =	wrdreg $0xFFFFFFFF  }
0xc7: {  	_ =	task.clear_ibuf [dreg:s7], $0x2FFFF;
	_ =	strace $0x9FFFFFFF  }
0xc8: {  	(tm) =	ssettm $0x7FFFFFFF  }
0xc9: {  	_ =	shalt  }
tec
execute0_lowered:
.L_overlay_start_1:
0x0: {  	(tag) =	ssettag $0x1  }
0x1: {  	s0 =	rddreg [dreg:$0x0]  }
0x2: {  	s2 =	rddreg [dreg:$0x1];
	s3 =	simm.s32 $0x0;
	s1 =	srdreg.scid  }
0x3: {  	s4 =	stileid.u32;
	s14 =	simm.s32 $0x5;
	s15 =	simm.s32 $0x2800  }
0x4: {  	s17 =	simm.s32 $0x2000;
	s18 =	simm.s32 $0x50000;
	s20 =	simm.s32 $0xC000  }
0x5: {  	s21 =	simm.s32 $0x12000;
	s1 =	sand.u32 $0x1, s1;
	s4 =	sshll.u32 s4, $0x1  }
0x6: {  	s22 =	simm.s32 $0x1;
	s23 =	simm.s32 $0x3;
	s6 =	sor.u32 s1, s4  }
0x7: {  	[smem:$0x7FF] =	sst s3;
	s8 =	sadd.s32 $0x284400, s0;
	s7 =	smul.u32 $0x5000, s6  }
0x8: {  	s30 =	sadd.s32 $0x400, s2;
	_ =	strace $0x80000047;
	s5 =	smul.u32 $0xA0000, s6  }
0x9: {  	s4 =	sadd.s32 $0x4400, s0;
	s1 =	ssub.s32 $0x2, s1;
	s6 =	smul.u32 $0xA00, s6  }
0xa: {  	s0 =	sadd.s32 $0x298400, s0;
	[dreg:$0x6] =	wrdreg s30;
	s9 =	sshrl.u32 s1, $0x1  }
0xb: {  	s1 =	ssub.s32 s1, s9;
	s7 =	sshrl.u32 s7, $0x3;
	s10 =	sadd.s32 s8, s6  }
0xc: {  	s25 =	sshrl.u32 s5, $0x3;
	s6 =	sadd.s32 s0, s6;
	[dreg:$0x3] =	wrdreg s10  }
0xd: {  	s31 =	smax.u32 s1, $0x1;
	s12 =	sadd.s32 $0x500, s7;
	[dreg:$0x8] =	wrdreg s6  }
.Ltmp0:
0xe: {  	s26 =	sadd.s32 s4, s25;
	[dreg:$0xa] =	wrdreg s31;
	(pc) =	sbr.rel .LBB2_1-.Ltmp0, $4  }
0xf: {  	s24 =	simm.s32 $0x5000;
	s8 =	sadd.s32 s8, s12;
	[dreg:$0x4] =	wrdreg s26  }
0x10: {  	s28 =	simm.s32 $0x4;
	s7 =	sadd.s32 $0x400, s26;
	[dreg:$0x5] =	wrdreg s8  }
0x11: {  	s29 =	simm.s32 $0x0;
	s0 =	sadd.s32 s0, s12;
	[dreg:$0x7] =	wrdreg s7  }
0x12: {  	v0 =	vimm.f32 $0.0e+00;
	s25 =	simm.s32 $0x7800;
	s26 =	simm.s32 $0x2;
	[dreg:$0x9] =	wrdreg s0  }
.LBB2_10:
0x13: {  	[bflag:$0x0] =	sbarrier.arrive $0xFFFF  }
0x14: {  	s0 =	rddreg [dreg:$0x8]  }
0x15: {  	[hbm4b:s0+s3] =	stream.linear.scatter [tilespmem:s24], [sflag:$0x5], $0x2800, $0x38;
	[tilespmem:$0x16000] =	vst v63  }
0x16: {  	_ =	swait.ge [sflag:s14], $0x2800  }
0x17: {  	[sflag:s14] =	ssyncset.done $0x0  }
0x18: {  	s30 =	rddreg [dreg:$0x9];
	[sflag:s14] =	ssyncadd.s32 $0xFFFFD800  }
0x19: {  	[hbm4b:s30+s3] =	stream.linear.scatter [tilespmem:s25], [sflag:$0x5], $0x2800, $0x38;
	[tilespmem:$0x16000] =	vst v63  }
0x1a: {  	_ =	swait.ge [sflag:s14], $0x2800  }
0x1b: {  	s29 =	sadd.s32 $0x1, s29;
	s31 =	rddreg [dreg:$0xa]  }
0x1c: {  	p0 =	sne.s32 s29, s31  }
.Ltmp1:
0x1d: {  	_ = 	snop;
	(pc) =	sbr.rel @!p0 .LBB2_11-.Ltmp1, $3  }
0x1e: {  	_ =	sdelay $0x1  }
0x1f: {  	[sflag:s14] =	ssyncset.done $0x0  }
0x20: {  	[sflag:s14] =	ssyncadd.s32 $0xFFFFD800  }
.LBB2_1:
0x21: {  	s0 =	rddreg [dreg:$0x3]  }
0x22: {  	[tilespmem:s3], [sflag:$0x5] =	stream.linear.gather [hbm4b:s0+s3], $0x2800, $0x38;
	[tilespmem:$0x16000] =	vst v63  }
0x23: {  	_ =	swait.ge [sflag:s14], $0x2800  }
0x24: {  	[sflag:s14] =	ssyncset.done $0x0  }
0x25: {  	s31 =	rddreg [dreg:$0x5];
	[sflag:s14] =	ssyncadd.s32 $0xFFFFD800  }
0x26: {  	[tilespmem:s15], [sflag:$0x5] =	stream.linear.gather [hbm4b:s31+s3], $0x2800, $0x38;
	[tilespmem:$0x16000] =	vst v63  }
0x27: {  	_ =	swait.ge [sflag:s14], $0x2800  }
0x28: {  	[sflag:s14] =	ssyncset.done $0x0  }
0x29: {  	s1 =	simm.s32 $0x5040;
	[sflag:s14] =	ssyncadd.s32 $0xFFFFD800  }
0x2a: {  	s0 =	simm.s32 $0x7840;
	[tilespmem:s1+$0xFFFFFFC0] =	vst v0  }
0x2b: {  	[tilespmem:s0+$0xFFFFFFC0] =	vst v0  }
0x2c: {  	[tilespmem:s1+$0xFFFFFFD0] =	vst v0  }
0x2d: {  	[tilespmem:s0+$0xFFFFFFD0] =	vst v0  }
0x2e: {  	[tilespmem:s1+$0xFFFFFFE0] =	vst v0  }
0x2f: {  	[tilespmem:s0+$0xFFFFFFE0] =	vst v0  }
0x30: {  	[tilespmem:s1+$0xFFFFFFF0] =	vst v0  }
0x31: {  	[tilespmem:s0+$0xFFFFFFF0] =	vst v0  }
0x32: {  	[tilespmem:s1+$0x0] =	vst v0  }
0x33: {  	[tilespmem:s0+$0x0] =	vst v0  }
0x34: {  	[tilespmem:s1+$0x10] =	vst v0  }
0x35: {  	[tilespmem:s0+$0x10] =	vst v0  }
0x36: {  	[tilespmem:s1+$0x20] =	vst v0  }
0x37: {  	[tilespmem:s0+$0x20] =	vst v0  }
0x38: {  	[tilespmem:s1+$0x30] =	vst v0  }
0x39: {  	s6 =	simm.s32 $0x50C0;
	s1 =	simm.s32 $0x0;
	[tilespmem:s0+$0x30] =	vst v0  }
.LBB2_2:
0x3a: {  	[tilespmem:s6+$0xFFFFFFC0] =	vst v0;
	s0 =	sadd.s32 $0x80, s0  }
0x3b: {  	[tilespmem:s0+$0xFFFFFFC0] =	vst v0  }
0x3c: {  	[tilespmem:s6+$0xFFFFFFD0] =	vst v0  }
0x3d: {  	[tilespmem:s0+$0xFFFFFFD0] =	vst v0  }
0x3e: {  	[tilespmem:s6+$0xFFFFFFE0] =	vst v0  }
0x3f: {  	[tilespmem:s0+$0xFFFFFFE0] =	vst v0  }
0x40: {  	[tilespmem:s6+$0xFFFFFFF0] =	vst v0  }
0x41: {  	[tilespmem:s0+$0xFFFFFFF0] =	vst v0  }
0x42: {  	[tilespmem:s6+$0x0] =	vst v0  }
0x43: {  	s1 =	sadd.s32 $0x8, s1;
	[tilespmem:s0+$0x0] =	vst v0  }
0x44: {  	p0 =	slt.u32 s1, $0x278;
	[tilespmem:s6+$0x10] =	vst v0  }
.Ltmp2:
0x45: {  	[tilespmem:s0+$0x10] =	vst v0;
	(pc) =	sbr.rel @p0 .LBB2_2-.Ltmp2, $4  }
0x46: {  	[tilespmem:s6+$0x20] =	vst v0  }
0x47: {  	[tilespmem:s0+$0x20] =	vst v0  }
0x48: {  	[tilespmem:s6+$0x30] =	vst v0  }
0x49: {  	s6 =	sadd.s32 $0x80, s6;
	[tilespmem:s0+$0x30] =	vst v0  }
0x4a: {  	s30 =	simm.s32 $0x0;
	s0 =	simm.s32 $0xA000  }
0x4b: {  	[tilespmem:s0], [sflag:$0x1] =	stream.linear.gather [hbm4b:s2+s30], $0x2000, $0x38;
	[tilespmem:$0x16000] =	vst v63  }
0x4c: {  	s16 =	rddreg [dreg:$0x4];
	s1 =	simm.s32 $0xE000  }
0x4d: {  	[tilespmem:s1], [sflag:$0x3] =	stream.strided.gather [hbm4b:s16+s17], $0x4000, s18, s17, $0x38;
	[tilespmem:$0x16000] =	vst v63  }
0x4e: {  	s19 =	rddreg [dreg:$0x6]  }
0x4f: {  	[tilespmem:s20], [sflag:$0x2] =	stream.linear.gather [hbm4b:s19+s30], $0x2000, $0x38;
	[tilespmem:$0x16000] =	vst v63  }
0x50: {  	s31 =	rddreg [dreg:$0x7]  }
0x51: {  	[tilespmem:s21], [sflag:$0x4] =	stream.strided.gather [hbm4b:s31+s17], $0x4000, s18, s17, $0x38;
	[tilespmem:$0x16000] =	vst v63  }
.LBB2_4:
0x52: {  	_ =	swait.ge [sflag:s22], $0x2000  }
0x53: {  	[sflag:s22] =	ssyncset.done $0x0  }
0x54: {  	[sflag:s22] =	ssyncadd.s32 $0xFFFFE000  }
0x55: {  	_ =	swait.ge [sflag:s23], $0x4000  }
0x56: {  	[sflag:s23] =	ssyncset.done $0x0  }
0x57: {  	s0 =	simm.s32 $0xA020;
	[sflag:s23] =	ssyncadd.s32 $0xFFFFC000  }
0x58: {  	v1 =	vld [tilespmem:s0+$0x10];
	_ =	sdelay $0x2  }
0x59: {  	v4 =	vld [tilespmem:s0+$0xFFFFFFE0]  }
0x5a: {  	v2 =	vld [tilespmem:s0+$0xFFFFFFF0]  }
0x5b: {  	s12 =	simm.s32 $0x0;
	v5 =	vshrl.u32 v1, $0xE  }
0x5c: {  	s1 =	simm.s32 $0x30;
	s6 =	sand.u32 $0x1F80, s12;
	v3 =	vld [tilespmem:s0+$0x0]  }
0x5d: {  	s1 =	sand.u32 $0x70, s1;
	s8 =	sor.u32 $0xE000, s6  }
0x5e: {  	s16 =	sor.u32 s1, s8;
	v8 =	vshrl.u32 v4, $0xE  }
0x5f: {  	s13 =	simm.s32 $0x10;
	s19 =	sand.u32 $0x40, s12;
	v10 =	vld [tilespmem:s16+$0x0];
	v6 =	vshrl.u32 v2, $0xE  }
0x60: {  	s31 =	sor.u32 s19, s8;
	s16 =	sand.u32 $0x50, s13;
	v9 =	vld.idx.msk [tilespmem:v5+s3+$0x0], $0xffff  }
0x61: {  	v15 =	vld [tilespmem:s31+$0x0];
	s9 =	sor.u32 s16, s8;
	v7 =	vshrl.u32 v3, $0xE  }
0x62: {  	v16 =	vld [tilespmem:s9+$0x0]  }
0x63: {  	v14 =	vand.u32 $0x3FFF, v1;
	v13 =	vld.idx.msk [tilespmem:v8+s3+$0x0], $0xffff  }
0x64: {  	s7 =	simm.s32 $0x20;
	v11 =	vld.idx.msk [tilespmem:v6+s3+$0x0], $0xffff  }
0x65: {  	s0 =	sand.u32 $0x60, s7;
	v1 =	vadd.f32 v10, v9  }
0x66: {  	s8 =	sor.u32 s0, s8;
	v4 =	vand.u32 $0x3FFF, v4;
	v12 =	vld.idx.msk [tilespmem:v7+s3+$0x0], $0xffff  }
0x67: {  	v9 =	vld [tilespmem:s8+$0x0];
	v10 =	vand.u32 $0x3FFF, v2;
	v2 =	vmax.f32 v1, $0.0e+00  }
0x68: {  	s6 =	sor.u32 $0x10000, s6;
	[tilespmem:v14+s24+$0x0] =	vst.idx.add.f32.msk $0xffff, v2;
	v2 =	vadd.f32 v15, v13  }
0x69: {  	s1 =	sor.u32 s1, s6;
	v1 =	vand.u32 $0x3FFF, v3;
	v3 =	vld.idx.msk [tilespmem:v5+s15+$0x0], $0xffff;
	v5 =	vadd.f32 v16, v11  }
0x6a: {  	v11 =	vld [tilespmem:s1+$0x0];
	v2 =	vmax.f32 v2, $0.0e+00  }
0x6b: {  	[tilespmem:v4+s24+$0x0] =	vst.idx.add.f32.msk $0xffff, v2;
	v2 =	vmax.f32 v5, $0.0e+00  }
0x6c: {  	v9 =	vadd.f32 v9, v12;
	[tilespmem:v10+s24+$0x0] =	vst.idx.add.f32.msk $0xffff, v2  }
0x6d: {  	s8 =	simm.s32 $0xA060;
	v5 =	vld.idx.msk [tilespmem:v8+s15+$0x0], $0xffff  }
0x6e: {  	s10 =	simm.s32 $0x40;
	v2 =	vmax.f32 v9, $0.0e+00;
	v8 =	vld [tilespmem:s8+$0xFFFFFFF0]  }
0x6f: {  	s12 =	simm.s32 $0x50;
	s31 =	simm.s32 $0x70;
	s1 =	sand.u32 $0x1F80, s10;
	[tilespmem:v1+s24+$0x0] =	vst.idx.add.f32.msk $0xffff, v2  }
0x70: {  	s13 =	sor.u32 s16, s6;
	s7 =	sand.u32 $0x70, s31;
	s16 =	sor.u32 $0xE000, s1;
	v2 =	vld [tilespmem:s8+$0x10]  }
0x71: {  	s9 =	sor.u32 s19, s6;
	s19 =	sand.u32 $0x50, s12;
	s11 =	sor.u32 s7, s16;
	v9 =	vld [tilespmem:s8+$0x0]  }
0x72: {  	s12 =	sor.u32 s19, s16;
	v18 =	vld [tilespmem:s11+$0x0]  }
0x73: {  	v23 =	vld [tilespmem:s12+$0x0]  }
0x74: {  	v54 =	vld.idx.msk [tilespmem:v6+s15+$0x0], $0xffff  }
0x75: {  	v3 =	vadd.f32 v11, v3;
	v11 =	vld [tilespmem:s8+$0xFFFFFFE0];
	v55 =	vshrl.u32 v2, $0xE  }
0x76: {  	v6 =	vld [tilespmem:s9+$0x0]  }
0x77: {  	v57 =	vld [tilespmem:s13+$0x0]  }
0x78: {  	s0 =	sor.u32 s0, s6;
	s11 =	simm.s32 $0x60;
	v7 =	vld.idx.msk [tilespmem:v7+s15+$0x0], $0xffff  }
0x79: {  	s13 =	sand.u32 $0x60, s11;
	v60 =	vld [tilespmem:s0+$0x0];
	v56 =	vshrl.u32 v8, $0xE  }
0x7a: {  	s9 =	sor.u32 s13, s16;
	v58 =	vshrl.u32 v11, $0xE;
	v17 =	vld.idx.msk [tilespmem:v55+s3+$0x0], $0xffff  }
0x7b: {  	s8 =	sand.u32 $0x40, s10;
	v59 =	vld [tilespmem:s9+$0x0];
	v3 =	vmax.f32 v3, $0.0e+00  }
0x7c: {  	s10 =	sor.u32 s8, s16;
	[tilespmem:v14+s25+$0x0] =	vst.idx.add.f32.msk $0xffff, v3;
	v3 =	vshrl.u32 v9, $0xE  }
0x7d: {  	v22 =	vld [tilespmem:s10+$0x0];
	v5 =	vadd.f32 v6, v5;
	v6 =	vand.u32 $0x3FFF, v2  }
0x7e: {  	v19 =	vld.idx.msk [tilespmem:v56+s3+$0x0], $0xffff  }
0x7f: {  	v2 =	vmax.f32 v5, $0.0e+00;
	v21 =	vld.idx.msk [tilespmem:v58+s3+$0x0], $0xffff;
	v5 =	vadd.f32 v18, v17  }
0x80: {  	[tilespmem:v4+s25+$0x0] =	vst.idx.add.f32.msk $0xffff, v2  }
0x81: {  	v2 =	vand.u32 $0x3FFF, v8;
	v20 =	vld.idx.msk [tilespmem:v3+s3+$0x0], $0xffff;
	v5 =	vmax.f32 v5, $0.0e+00  }
0x82: {  	s1 =	sor.u32 $0x10000, s1;
	v4 =	vand.u32 $0x3FFF, v11;
	v8 =	vadd.f32 v57, v54;
	[tilespmem:v6+s24+$0x0] =	vst.idx.add.f32.msk $0xffff, v5  }
0x83: {  	s16 =	sor.u32 s7, s1;
	v61 =	vadd.f32 v23, v19;
	v11 =	vld.idx.msk [tilespmem:v55+s15+$0x0], $0xffff  }
0x84: {  	v8 =	vmax.f32 v8, $0.0e+00;
	v5 =	vand.u32 $0x3FFF, v9;
	v9 =	vadd.f32 v22, v21;
	v62 =	vld [tilespmem:s16+$0x0]  }
0x85: {  	[tilespmem:v10+s25+$0x0] =	vst.idx.add.f32.msk $0xffff, v8;
	v8 =	vmax.f32 v61, $0.0e+00  }
0x86: {  	v63 =	vadd.f32 v59, v20;
	[tilespmem:v2+s24+$0x0] =	vst.idx.add.f32.msk $0xffff, v8;
	v9 =	vmax.f32 v9, $0.0e+00  }
0x87: {  	[tilespmem:v4+s24+$0x0] =	vst.idx.add.f32.msk $0xffff, v9  }
0x88: {  	v7 =	vadd.f32 v60, v7;
	v8 =	vmax.f32 v63, $0.0e+00;
	v9 =	vld.idx.msk [tilespmem:v56+s15+$0x0], $0xffff  }
0x89: {  	s19 =	sor.u32 s19, s1;
	s0 =	simm.s32 $0x4;
	[tilespmem:v5+s24+$0x0] =	vst.idx.add.f32.msk $0xffff, v8;
	v10 =	vadd.f32 v62, v11  }
0x8a: {  	s6 =	sor.u32 s8, s1;
	v7 =	vmax.f32 v7, $0.0e+00;
	s16 =	sor.u32 s13, s1;
	s1 =	simm.s32 $0xA0A0;
	v8 =	vld.idx.msk [tilespmem:v58+s15+$0x0], $0xffff  }
.LBB2_5:
0x8b: {  	v11 =	vld [tilespmem:s1+$0x10];
	s0 =	sadd.s32 $0x4, s0;
	v10 =	vmax.f32 v10, $0.0e+00  }
0x8c: {  	p0 =	slt.u32 s0, $0x1FC;
	[tilespmem:v6+s25+$0x0] =	vst.idx.add.f32.msk $0xffff, v10  }
0x8d: {  	v6 =	vld [tilespmem:s1+$0xFFFFFFF0]  }
0x8e: {  	v10 =	vld [tilespmem:s1+$0x0]  }
0x8f: {  	v12 =	vld [tilespmem:s1+$0xFFFFFFE0]  }
0x90: {  	v13 =	vshrl.u32 v11, $0xE;
	v14 =	vld.idx.msk [tilespmem:v3+s15+$0x0], $0xffff  }
0x91: {  	s31 =	sadd.s32 $0x40, s31;
	v15 =	vld [tilespmem:s6+$0x0]  }
0x92: {  	s8 =	sadd.s32 $0xFFFFFFE0, s31;
	s9 =	sadd.s32 $0xFFFFFFF0, s31;
	s6 =	sadd.s32 $0xFFFFFFD0, s31;
	v16 =	vshrl.u32 v6, $0xE;
	v17 =	vand.u32 $0x3FFF, v6;
	v6 =	vld [tilespmem:s19+$0x0]  }
0x93: {  	s8 =	sand.u32 $0x50, s8;
	s10 =	sand.u32 $0x40, s6;
	s6 =	sand.u32 $0x1F80, s6;
	v3 =	vshrl.u32 v10, $0xE;
	v10 =	vand.u32 $0x3FFF, v10;
	v18 =	vld [tilespmem:s16+$0x0]  }
0x94: {  	s12 =	sand.u32 $0x70, s31;
	s9 =	sand.u32 $0x60, s9;
	s11 =	sor.u32 $0xE000, s6;
	v19 =	vshrl.u32 v12, $0xE;
	v12 =	vand.u32 $0x3FFF, v12;
	[tilespmem:v1+s25+$0x0] =	vst.idx.add.f32.msk $0xffff, v7;
	v1 =	vmovc v5;
	v5 =	vmov v10  }
0x95: {  	s16 =	sor.u32 s10, s11;
	s19 =	sor.u32 s8, s11;
	s13 =	sor.u32 s12, s11;
	v10 =	vld.idx.msk [tilespmem:v13+s3+$0x0], $0xffff  }
0x96: {  	s11 =	sor.u32 s9, s11;
	v20 =	vld [tilespmem:s13+$0x0];
	v7 =	vadd.f32 v15, v8  }
0x97: {  	v8 =	vld.idx.msk [tilespmem:v16+s3+$0x0], $0xffff;
	v9 =	vadd.f32 v6, v9  }
0x98: {  	v15 =	vld.idx.msk [tilespmem:v3+s3+$0x0], $0xffff;
	v21 =	vmax.f32 v7, $0.0e+00;
	v7 =	vadd.f32 v18, v14  }
0x99: {  	v6 =	vand.u32 $0x3FFF, v11;
	v14 =	vld.idx.msk [tilespmem:v19+s3+$0x0], $0xffff;
	v9 =	vmax.f32 v9, $0.0e+00  }
0x9a: {  	v11 =	vld [tilespmem:s16+$0x0];
	v7 =	vmax.f32 v7, $0.0e+00  }
0x9b: {  	v18 =	vld [tilespmem:s19+$0x0];
	v10 =	vadd.f32 v20, v10  }
0x9c: {  	v20 =	vld [tilespmem:s11+$0x0]  }
0x9d: {  	v10 =	vmax.f32 v10, $0.0e+00;
	[tilespmem:v4+s25+$0x0] =	vst.idx.add.f32.msk $0xffff, v21;
	v4 =	vmov v12  }
0x9e: {  	s11 =	sor.u32 $0x10000, s6;
	[tilespmem:v6+s24+$0x0] =	vst.idx.add.f32.msk $0xffff, v10  }
0x9f: {  	s6 =	sor.u32 s10, s11;
	s19 =	sor.u32 s8, s11;
	s8 =	sor.u32 s12, s11;
	v10 =	vadd.f32 v11, v14;
	v11 =	vld.idx.msk [tilespmem:v13+s15+$0x0], $0xffff  }
0xa0: {  	s16 =	sor.u32 s9, s11;
	v8 =	vadd.f32 v18, v8;
	v12 =	vld [tilespmem:s8+$0x0]  }
0xa1: {  	v10 =	vmax.f32 v10, $0.0e+00;
	v13 =	vadd.f32 v20, v15;
	[tilespmem:v2+s25+$0x0] =	vst.idx.add.f32.msk $0xffff, v9;
	v2 =	vmov v17  }
.Ltmp3:
0xa2: {  	[tilespmem:v4+s24+$0x0] =	vst.idx.add.f32.msk $0xffff, v10;
	v8 =	vmax.f32 v8, $0.0e+00;
	(pc) =	sbr.rel @p0 .LBB2_5-.Ltmp3, $4  }
0xa3: {  	[tilespmem:v17+s24+$0x0] =	vst.idx.add.f32.msk $0xffff, v8;
	v8 =	vmax.f32 v13, $0.0e+00  }
0xa4: {  	[tilespmem:v5+s24+$0x0] =	vst.idx.add.f32.msk $0xffff, v8  }
0xa5: {  	v8 =	vld.idx.msk [tilespmem:v19+s15+$0x0], $0xffff;
	v10 =	vadd.f32 v12, v11  }
0xa6: {  	s1 =	sadd.s32 $0x40, s1;
	v9 =	vld.idx.msk [tilespmem:v16+s15+$0x0], $0xffff  }
0xa7: {  	_ =	sdelay $0x3  }
0xa8: {  	v3 =	vld.idx.msk [tilespmem:v3+s15+$0x0], $0xffff  }
0xa9: {  	v11 =	vld [tilespmem:s6+$0x0]  }
0xaa: {  	v12 =	vld [tilespmem:s19+$0x0]  }
0xab: {  	v13 =	vld [tilespmem:s16+$0x0];
	_ =	sdelay $0x2  }
0xac: {  	v10 =	vmax.f32 v10, $0.0e+00;
	s31 =	sshll.u32 s30, $0x1;
	p0 =	seq.s32 s30, $0x13;
	v8 =	vadd.f32 v11, v8  }
0xad: {  	[tilespmem:v6+s25+$0x0] =	vst.idx.add.f32.msk $0xffff, v10;
	s0 =	sadd.s32 @!p0 $0x2, s31;
	v6 =	vadd.f32 v12, v9  }
0xae: {  	[tilespmem:v1+s25+$0x0] =	vst.idx.add.f32.msk $0xffff, v7;
	s1 =	sshll.u32 @!p0 s0, $0xA;
	s0 =	sshll.u32 @!p0 s0, $0xD;
	v3 =	vadd.f32 v13, v3;
	v1 =	vmax.f32 v8, $0.0e+00  }
0xaf: {  	s0 =	sadd.s32 @!p0 s5, s0;
	v6 =	vmax.f32 v6, $0.0e+00;
	[tilespmem:v4+s25+$0x0] =	vst.idx.add.f32.msk $0xffff, v1  }
0xb0: {  	s6 =	simm.s32 @!p0 $0x0;
	s0 =	sshrl.u32 @!p0 s0, $0x3;
	v1 =	vmax.f32 v3, $0.0e+00;
	[tilespmem:v2+s25+$0x0] =	vst.idx.add.f32.msk $0xffff, v6  }
0xb1: {  	s8 =	simm.s32 @!p0 $0xA000;
	s1 =	sadd.s32 @!p0 s2, s1;
	s0 =	sadd.s32 @!p0 s4, s0;
	[tilespmem:v5+s25+$0x0] =	vst.idx.add.f32.msk $0xffff, v1  }
0xb2: {  	[tilespmem:s8], [sflag:$0x1] =	stream.linear.gather @!p0 [hbm4b:s1+s6], $0x2000, $0x38;
	[tilespmem:$0x16000] =	vst v63  }
0xb3: {  	s1 =	simm.s32 @!p0 $0x2000;
	s6 =	simm.s32 @!p0 $0x50000;
	s8 =	simm.s32 @!p0 $0xE000  }
0xb4: {  	[tilespmem:s8], [sflag:$0x3] =	stream.strided.gather @!p0 [hbm4b:s0+s1], $0x4000, s6, s1, $0x38;
	[tilespmem:$0x16000] =	vst v63  }
0xb5: {  	_ =	swait.ge [sflag:s26], $0x2000  }
0xb6: {  	[sflag:s26] =	ssyncset.done $0x0  }
0xb7: {  	[sflag:s26] =	ssyncadd.s32 $0xFFFFE000  }
0xb8: {  	_ =	swait.ge [sflag:s28], $0x4000  }
0xb9: {  	[sflag:s28] =	ssyncset.done $0x0  }
0xba: {  	s12 =	simm.s32 $0xC020;
	[sflag:s28] =	ssyncadd.s32 $0xFFFFC000  }
0xbb: {  	v1 =	vld [tilespmem:s12+$0x10];
	_ =	sdelay $0x2  }
0xbc: {  	v4 =	vld [tilespmem:s12+$0xFFFFFFE0];
	_ =	sdelay $0x1  }
0xbd: {  	s13 =	simm.s32 $0x0;
	v2 =	vld [tilespmem:s12+$0xFFFFFFF0];
	v5 =	vshrl.u32 v1, $0xE  }
0xbe: {  	s16 =	simm.s32 $0x30;
	s19 =	sand.u32 $0x1F80, s13;
	v3 =	vld [tilespmem:s12+$0x0]  }
0xbf: {  	s9 =	sand.u32 $0x70, s16;
	s7 =	sor.u32 $0x12000, s19  }
0xc0: {  	s1 =	sor.u32 s9, s7;
	v8 =	vshrl.u32 v4, $0xE  }
0xc1: {  	v10 =	vld [tilespmem:s1+$0x0]  }
0xc2: {  	s0 =	sand.u32 $0x40, s13;
	s12 =	simm.s32 $0x10;
	v6 =	vshrl.u32 v2, $0xE;
	v9 =	vld.idx.msk [tilespmem:v5+s3+$0x0], $0xffff  }
0xc3: {  	s11 =	sand.u32 $0x50, s12;
	s12 =	sor.u32 s0, s7;
	v7 =	vshrl.u32 v3, $0xE  }
0xc4: {  	v15 =	vld [tilespmem:s12+$0x0]  }
0xc5: {  	s13 =	sor.u32 s11, s7;
	v14 =	vand.u32 $0x3FFF, v1;
	v54 =	vld.idx.msk [tilespmem:v8+s3+$0x0], $0xffff  }
0xc6: {  	s10 =	simm.s32 $0x20;
	v16 =	vld [tilespmem:s13+$0x0]  }
0xc7: {  	s1 =	sand.u32 $0x60, s10;
	v11 =	vld.idx.msk [tilespmem:v6+s3+$0x0], $0xffff;
	v1 =	vadd.f32 v10, v9  }
0xc8: {  	s8 =	sor.u32 s1, s7;
	v4 =	vand.u32 $0x3FFF, v4;
	v53 =	vld.idx.msk [tilespmem:v7+s3+$0x0], $0xffff  }
0xc9: {  	v9 =	vld [tilespmem:s8+$0x0];
	v10 =	vand.u32 $0x3FFF, v2;
	v2 =	vmax.f32 v1, $0.0e+00  }
0xca: {  	s6 =	sor.u32 $0x14000, s19;
	[tilespmem:v14+s24+$0x0] =	vst.idx.add.f32.msk $0xffff, v2;
	v2 =	vadd.f32 v15, v54  }
0xcb: {  	s16 =	sor.u32 s9, s6;
	v1 =	vand.u32 $0x3FFF, v3;
	v3 =	vld.idx.msk [tilespmem:v5+s15+$0x0], $0xffff  }
0xcc: {  	v5 =	vadd.f32 v16, v11;
	v11 =	vld [tilespmem:s16+$0x0];
	v2 =	vmax.f32 v2, $0.0e+00  }
0xcd: {  	s19 =	simm.s32 $0xC060;
	[tilespmem:v4+s24+$0x0] =	vst.idx.add.f32.msk $0xffff, v2  }
0xce: {  	v2 =	vmax.f32 v5, $0.0e+00;
	v5 =	vld [tilespmem:s19+$0x10]  }
0xcf: {  	v9 =	vadd.f32 v9, v53;
	[tilespmem:v10+s24+$0x0] =	vst.idx.add.f32.msk $0xffff, v2  }
0xd0: {  	v8 =	vld.idx.msk [tilespmem:v8+s15+$0x0], $0xffff  }
0xd1: {  	v2 =	vmax.f32 v9, $0.0e+00;
	v9 =	vld [tilespmem:s19+$0xFFFFFFF0]  }
0xd2: {  	[tilespmem:v1+s24+$0x0] =	vst.idx.add.f32.msk $0xffff, v2  }
0xd3: {  	s0 =	sor.u32 s0, s6;
	v55 =	vld.idx.msk [tilespmem:v6+s15+$0x0], $0xffff  }
0xd4: {  	s13 =	sor.u32 s11, s6;
	v6 =	vld [tilespmem:s0+$0x0]  }
0xd5: {  	s7 =	simm.s32 $0x40;
	v58 =	vld [tilespmem:s13+$0x0]  }
0xd6: {  	s10 =	sand.u32 $0x1F80, s7;
	v2 =	vadd.f32 v11, v3;
	v11 =	vld [tilespmem:s19+$0x0]  }
0xd7: {  	s9 =	sor.u32 $0x12000, s10;
	s8 =	sand.u32 $0x40, s7;
	v3 =	vld [tilespmem:s19+$0xFFFFFFE0];
	v56 =	vshrl.u32 v5, $0xE  }
0xd8: {  	s0 =	simm.s32 $0x70;
	s13 =	sor.u32 s8, s9;
	v7 =	vld.idx.msk [tilespmem:v7+s15+$0x0], $0xffff  }
0xd9: {  	s1 =	sor.u32 s1, s6;
	s11 =	sand.u32 $0x70, s0;
	v22 =	vld [tilespmem:s13+$0x0]  }
0xda: {  	v23 =	vld [tilespmem:s1+$0x0];
	s16 =	sor.u32 s11, s9  }
0xdb: {  	s7 =	simm.s32 $0x60;
	s19 =	simm.s32 $0x50;
	v18 =	vld [tilespmem:s16+$0x0];
	v57 =	vshrl.u32 v9, $0xE  }
0xdc: {  	s7 =	sand.u32 $0x60, s7;
	s12 =	sand.u32 $0x50, s19;
	v2 =	vmax.f32 v2, $0.0e+00;
	v17 =	vld.idx.msk [tilespmem:v56+s3+$0x0], $0xffff  }
0xdd: {  	s19 =	sor.u32 s12, s9;
	s9 =	sor.u32 s7, s9;
	[tilespmem:v14+s25+$0x0] =	vst.idx.add.f32.msk $0xffff, v2;
	v8 =	vadd.f32 v6, v8;
	v59 =	vshrl.u32 v3, $0xE  }
0xde: {  	v60 =	vld [tilespmem:s9+$0x0];
	v2 =	vshrl.u32 v11, $0xE  }
0xdf: {  	v6 =	vand.u32 $0x3FFF, v5;
	v5 =	vmax.f32 v8, $0.0e+00;
	v8 =	vld [tilespmem:s19+$0x0]  }
0xe0: {  	v19 =	vld.idx.msk [tilespmem:v57+s3+$0x0], $0xffff  }
0xe1: {  	[tilespmem:v4+s25+$0x0] =	vst.idx.add.f32.msk $0xffff, v5;
	v17 =	vadd.f32 v18, v17  }
0xe2: {  	v21 =	vld.idx.msk [tilespmem:v59+s3+$0x0], $0xffff  }
0xe3: {  	v4 =	vand.u32 $0x3FFF, v9;
	v20 =	vld.idx.msk [tilespmem:v2+s3+$0x0], $0xffff;
	v5 =	vmax.f32 v17, $0.0e+00  }
0xe4: {  	s16 =	sor.u32 $0x14000, s10;
	v9 =	vadd.f32 v58, v55;
	[tilespmem:v6+s24+$0x0] =	vst.idx.add.f32.msk $0xffff, v5  }
0xe5: {  	v3 =	vand.u32 $0x3FFF, v3;
	s19 =	sor.u32 s11, s16;
	v8 =	vadd.f32 v8, v19;
	v61 =	vld.idx.msk [tilespmem:v56+s15+$0x0], $0xffff  }
0xe6: {  	v9 =	vmax.f32 v9, $0.0e+00;
	v5 =	vand.u32 $0x3FFF, v11;
	v62 =	vld [tilespmem:s19+$0x0]  }
0xe7: {  	[tilespmem:v10+s25+$0x0] =	vst.idx.add.f32.msk $0xffff, v9;
	v11 =	vadd.f32 v22, v21;
	v8 =	vmax.f32 v8, $0.0e+00  }
0xe8: {  	v63 =	vadd.f32 v60, v20;
	[tilespmem:v4+s24+$0x0] =	vst.idx.add.f32.msk $0xffff, v8  }
0xe9: {  	v11 =	vmax.f32 v11, $0.0e+00;
	v9 =	vld.idx.msk [tilespmem:v57+s15+$0x0], $0xffff  }
0xea: {  	v7 =	vadd.f32 v23, v7;
	v8 =	vmax.f32 v63, $0.0e+00;
	[tilespmem:v3+s24+$0x0] =	vst.idx.add.f32.msk $0xffff, v11  }
0xeb: {  	s1 =	simm.s32 $0x4;
	s8 =	sor.u32 s8, s16;
	[tilespmem:v5+s24+$0x0] =	vst.idx.add.f32.msk $0xffff, v8;
	v10 =	vadd.f32 v62, v61  }
0xec: {  	s6 =	sor.u32 s12, s16;
	v7 =	vmax.f32 v7, $0.0e+00;
	s19 =	sor.u32 s7, s16;
	s16 =	simm.s32 $0xC0A0;
	v8 =	vld.idx.msk [tilespmem:v59+s15+$0x0], $0xffff  }
.LBB2_7:
0xed: {  	v11 =	vld [tilespmem:s16+$0x10];
	s1 =	sadd.s32 $0x4, s1;
	v10 =	vmax.f32 v10, $0.0e+00  }
0xee: {  	p1 =	slt.u32 s1, $0x1FC;
	[tilespmem:v6+s25+$0x0] =	vst.idx.add.f32.msk $0xffff, v10  }
0xef: {  	v6 =	vld [tilespmem:s16+$0xFFFFFFF0]  }
0xf0: {  	v10 =	vld [tilespmem:s16+$0x0]  }
0xf1: {  	v12 =	vld [tilespmem:s16+$0xFFFFFFE0]  }
0xf2: {  	v13 =	vshrl.u32 v11, $0xE;
	v14 =	vld.idx.msk [tilespmem:v2+s15+$0x0], $0xffff  }
0xf3: {  	s0 =	sadd.s32 $0x40, s0;
	v15 =	vld [tilespmem:s8+$0x0]  }
0xf4: {  	s9 =	sadd.s32 $0xFFFFFFE0, s0;
	s10 =	sadd.s32 $0xFFFFFFF0, s0;
	s8 =	sadd.s32 $0xFFFFFFD0, s0;
	v16 =	vshrl.u32 v6, $0xE;
	v17 =	vand.u32 $0x3FFF, v6;
	v6 =	vld [tilespmem:s6+$0x0]  }
0xf5: {  	s9 =	sand.u32 $0x50, s9;
	s6 =	sand.u32 $0x40, s8;
	s8 =	sand.u32 $0x1F80, s8;
	v2 =	vshrl.u32 v10, $0xE;
	v10 =	vand.u32 $0x3FFF, v10;
	v18 =	vld [tilespmem:s19+$0x0]  }
0xf6: {  	s12 =	sand.u32 $0x70, s0;
	s10 =	sand.u32 $0x60, s10;
	s11 =	sor.u32 $0x12000, s8;
	v19 =	vshrl.u32 v12, $0xE;
	v12 =	vand.u32 $0x3FFF, v12;
	[tilespmem:v1+s25+$0x0] =	vst.idx.add.f32.msk $0xffff, v7;
	v1 =	vmovc v5;
	v5 =	vmov v10  }
0xf7: {  	s13 =	sor.u32 s6, s11;
	s19 =	sor.u32 s9, s11;
	s7 =	sor.u32 s12, s11;
	v10 =	vld.idx.msk [tilespmem:v13+s3+$0x0], $0xffff  }
0xf8: {  	s11 =	sor.u32 s10, s11;
	v20 =	vld [tilespmem:s7+$0x0];
	v7 =	vadd.f32 v15, v8  }
0xf9: {  	v8 =	vld.idx.msk [tilespmem:v16+s3+$0x0], $0xffff;
	v9 =	vadd.f32 v6, v9  }
0xfa: {  	v15 =	vld.idx.msk [tilespmem:v2+s3+$0x0], $0xffff;
	v21 =	vmax.f32 v7, $0.0e+00;
	v7 =	vadd.f32 v18, v14  }
0xfb: {  	v6 =	vand.u32 $0x3FFF, v11;
	v14 =	vld.idx.msk [tilespmem:v19+s3+$0x0], $0xffff;
	v9 =	vmax.f32 v9, $0.0e+00  }
0xfc: {  	v11 =	vld [tilespmem:s13+$0x0];
	v7 =	vmax.f32 v7, $0.0e+00  }
0xfd: {  	v18 =	vld [tilespmem:s19+$0x0];
	v10 =	vadd.f32 v20, v10  }
0xfe: {  	v20 =	vld [tilespmem:s11+$0x0]  }
0xff: {  	v10 =	vmax.f32 v10, $0.0e+00;
	[tilespmem:v3+s25+$0x0] =	vst.idx.add.f32.msk $0xffff, v21;
	v3 =	vmov v12  }
0x100: {  	s7 =	sor.u32 $0x14000, s8;
	[tilespmem:v6+s24+$0x0] =	vst.idx.add.f32.msk $0xffff, v10  }
0x101: {  	s8 =	sor.u32 s6, s7;
	s6 =	sor.u32 s9, s7;
	s9 =	sor.u32 s12, s7;
	v10 =	vadd.f32 v11, v14;
	v11 =	vld.idx.msk [tilespmem:v13+s15+$0x0], $0xffff  }
0x102: {  	s19 =	sor.u32 s10, s7;
	v8 =	vadd.f32 v18, v8;
	v12 =	vld [tilespmem:s9+$0x0]  }
0x103: {  	v10 =	vmax.f32 v10, $0.0e+00;
	v13 =	vadd.f32 v20, v15;
	[tilespmem:v4+s25+$0x0] =	vst.idx.add.f32.msk $0xffff, v9;
	v4 =	vmov v17  }
.Ltmp4:
0x104: {  	[tilespmem:v3+s24+$0x0] =	vst.idx.add.f32.msk $0xffff, v10;
	v8 =	vmax.f32 v8, $0.0e+00;
	(pc) =	sbr.rel @p1 .LBB2_7-.Ltmp4, $4  }
0x105: {  	[tilespmem:v17+s24+$0x0] =	vst.idx.add.f32.msk $0xffff, v8;
	v8 =	vmax.f32 v13, $0.0e+00  }
0x106: {  	[tilespmem:v5+s24+$0x0] =	vst.idx.add.f32.msk $0xffff, v8  }
0x107: {  	v8 =	vld.idx.msk [tilespmem:v19+s15+$0x0], $0xffff;
	v10 =	vadd.f32 v12, v11  }
0x108: {  	s16 =	sadd.s32 $0x40, s16;
	v9 =	vld.idx.msk [tilespmem:v16+s15+$0x0], $0xffff  }
0x109: {  	_ =	sdelay $0x3  }
0x10a: {  	v2 =	vld.idx.msk [tilespmem:v2+s15+$0x0], $0xffff  }
0x10b: {  	v11 =	vld [tilespmem:s8+$0x0]  }
0x10c: {  	v12 =	vld [tilespmem:s6+$0x0]  }
0x10d: {  	v13 =	vld [tilespmem:s19+$0x0];
	_ =	sdelay $0x2  }
0x10e: {  	v8 =	vadd.f32 v11, v8  }
.Ltmp5:
0x10f: {  	v10 =	vmax.f32 v10, $0.0e+00;
	[tilespmem:v1+s25+$0x0] =	vst.idx.add.f32.msk $0xffff, v7;
	v63 =	vadd.f32 v12, v9;
	(pc) =	sbr.rel @p0 .LBB2_10-.Ltmp5, $4  }
0x110: {  	[tilespmem:v6+s25+$0x0] =	vst.idx.add.f32.msk $0xffff, v10;
	v2 =	vadd.f32 v13, v2;
	v1 =	vmax.f32 v8, $0.0e+00  }
0x111: {  	v6 =	vmax.f32 v63, $0.0e+00;
	[tilespmem:v3+s25+$0x0] =	vst.idx.add.f32.msk $0xffff, v1  }
0x112: {  	v1 =	vmax.f32 v2, $0.0e+00;
	[tilespmem:v4+s25+$0x0] =	vst.idx.add.f32.msk $0xffff, v6  }
0x113: {  	[tilespmem:v5+s25+$0x0] =	vst.idx.add.f32.msk $0xffff, v1  }
0x114: {  	s0 =	sadd.s32 $0x3, s31  }
0x115: {  	s1 =	sshll.u32 s0, $0xA;
	s0 =	sshll.u32 s0, $0xD  }
.Ltmp6:
0x116: {  	s1 =	sadd.s32 s2, s1;
	s0 =	sadd.s32 s5, s0;
	(pc) =	sbr.rel .LBB2_4-.Ltmp6, $4  }
0x117: {  	[tilespmem:s20], [sflag:$0x2] =	stream.linear.gather [hbm4b:s1+s3], $0x2000, $0x38;
	[tilespmem:$0x16000] =	vst v63  }
0x118: {  	s0 =	sshrl.u32 s0, $0x3  }
0x119: {  	s30 =	sadd.s32 $0x1, s30;
	s0 =	sadd.s32 s4, s0  }
0x11a: {  	[tilespmem:s21], [sflag:$0x4] =	stream.strided.gather [hbm4b:s0+s17], $0x4000, s18, s17, $0x38;
	[tilespmem:$0x16000] =	vst v63  }
.LBB2_11:
0x11b: {  	_ =	sfence.sel $0x180000  }
0x11c: {  	[bflag:$0x0] =	sbarrier.arrive $0xFFFF  }
0x11d: {  	_ =	strace $0x90000047  }
0x11e: {  	s0 =	stileid.u32;
	[bflag:$0x2] =	sbarrier.arrive $0xFFFF  }
0x11f: {  	p0 =	sne.s32 s0, $0x0;
	s0 =	rddreg [dreg:$0x2]  }
0x120: {  	s0 =	sadd.s32 @!p0 $0x100000, s0  }
0x121: {  	[sflag:s0] =	ssyncadd.tile.s32 @!p0 $0x1;
	_ =	shalt  }
.Lfunc_end2:
_tile_overlayer_lowered:
.L_overlay_start_2:
0x122: {  	(tag) =	ssettag $0x2  }
0x123: {  	s0 =	rddreg [dreg:$0x0];
	s2 =	stileid.u32  }
0x124: {  	s1 =	rddreg [dreg:$0x1];
	p0 =	sne.s32 s2, $0x0  }
0x125: {  	s3 =	rddreg [dreg:$0x2];
	[bflag:$0x3] =	sbarrier.arrive $0xFFFF;
	s2 =	simm.s32 @!p0 $0x1C05  }
0x126: {  	[timem:s3], [sflag:s2] =	dma.local @!p0 [hbm:s0], s1  }
0x127: {  	s0 =	simm.s32 @!p0 $0x5  }
0x128: {  	_ =	swait.ge @!p0 [sflag:s0], s1  }
0x129: {  	s1 =	ssub.s32 @!p0 $0x0, s1;
	[sflag:s0] =	ssyncset.done @!p0 $0x0  }
0x12a: {  	[sflag:s0] =	ssyncadd.s32 @!p0 s1  }
0x12b: {  	[bflag:$0x3] =	sbarrier.arrive $0xFFFF  }
0x12c: {  	_ =	shalt  }

// kernel: kernel.13.cloned.1.call-start
scs
__scs_entry_jumppad:
0x0: {  	(pc) =	sbr.rel $0x88, $3  }
0x1: {  	(tag) =	ssettag $0x0;
	lr =	simm.s32 $0x1  }
0x2: {  	[smem:$0x3F93] =	sst lr;
	_ =	strace $0xD0000000  }
0x3: {  	_ = 	snop  }
0x4: {  	_ = 	snop  }
0x5: {  	_ = 	snop  }
0x6: {  	_ = 	snop  }
0x7: {  	_ = 	snop  }
__scs_overlays_trampoline_lowered:
0x8: {  	[smem:$0x3FA2] =	sst s0  }
0x9: {  	[smem:$0x3FA3] =	sst s1  }
0xa: {  	[smem:$0x3FA4] =	sst s2  }
0xb: {  	[smem:$0x3FA5] =	sst s3  }
0xc: {  	[smem:$0x3FA6] =	sst s4  }
0xd: {  	[smem:$0x3FA7] =	sst s5  }
0xe: {  	[smem:$0x3FA8] =	sst s6  }
0xf: {  	[smem:$0x3FA9] =	sst s7  }
0x10: {  	[smem:$0x3FAA] =	sst s8  }
0x11: {  	[smem:$0x3FAB] =	sst s9;
	s0 =	simm.s32 @!p0 $0x0  }
0x12: {  	s1 =	sld [smem:$0x3F91];
	s0 =	simm.s32 @p0 $0x1  }
0x13: {  	[smem:$0x3FAC] =	sst s0;
	s0 =	simm.s32 @!p1 $0x0  }
0x14: {  	s2 =	sld [smem:$0x3F90];
	s0 =	simm.s32 @p1 $0x1  }
0x15: {  	[smem:$0x3FAD] =	sst s0;
	s0 =	simm.s32 @!p2 $0x0  }
0x16: {  	s3 =	sld [smem:$0x3FDB];
	s0 =	simm.s32 @p2 $0x1  }
0x17: {  	s4 =	simm.s32 $0x1BF5;
	[smem:$0x3FAF] =	sst s0  }
0x18: {  	s0 =	sld [smem:$0x3F92];
	_ =	swait.ge [sflag:s4], $0x0  }
0x19: {  	s7 =	sld [smem:$0x3F93]  }
0x1a: {  	s8 =	sadd.s32 $0xFFFFE003, lr  }
0x1b: {  	s9 =	sadd.s32 $0xFFFFFEF7, lr;
	s5 =	simm.s32 $0xFFFFFFFF;
	p2 =	slt.u32 s8, $0xFFFFF086  }
0x1c: {  	p1 =	slt.u32 s9, $0xF7A;
	s5 =	simm.s32 @!p2 $0x0  }
0x1d: {  	s5 =	simm.s32 @p1 $0x1;
	p0 =	seq.s32 s7, s2  }
0x1e: {  	s7 =	smul.u32 @!p0 $0xF7A, s2;
	p2 =	seq.s32 @!p0 s5, $0x0  }
0x1f: {  	s9 =	smul.u32 $0xF7A, s1;
	s8 =	simm.s32 @!p0 $0x1BF5;
	p2 =	por !p2, p0  }
0x20: {  	[sflag:s8] =	ssyncset.s32 @!p0 $0xFFFFF086;
	s6 =	sadd.s32 @!p0 s3, s7;
	s7 =	simm.s32 @!p0 $0x108  }
0x21: {  	s3 =	sadd.s32 s3, s9;
	s6 =	sadd.s32 @!p0 $0x88, s6;
	s7 =	simm.s32 @p2 $0x1082  }
0x22: {  	[simem:s7], [sflag:s8] =	dma.local @!p0 [hbm:s6], $0xF7A  }
0x23: {  	s9 =	sor.u32 $0xD0000000, s2;
	s6 =	simm.s32 $0x108;
	_ =	swait.ge @!p0 [sflag:s8], $0x0  }
0x24: {  	s3 =	sadd.s32 $0x88, s3;
	s6 =	simm.s32 @!p1 $0x1082;
	[sflag:s4] =	ssyncset.s32 $0xFFFFF086  }
0x25: {  	[simem:s6], [sflag:s4] =	dma.local [hbm:s3], $0xF7A  }
0x26: {  	[smem:$0x3F93] =	sst s1;
	(tag) =	ssettag s2;
	_ =	strace s9  }
0x27: {  	s1 =	sld [smem:$0x3FA3]  }
0x28: {  	s2 =	sld [smem:$0x3FA4]  }
0x29: {  	s4 =	sld [smem:$0x3FA6]  }
0x2a: {  	p0 =	seq.s32 s5, $0x0;
	s5 =	sld [smem:$0x3FA7]  }
0x2b: {  	s6 =	sld [smem:$0x3FA8]  }
0x2c: {  	s7 =	sld [smem:$0x3FA9]  }
0x2d: {  	s3 =	simm.s32 $0x108;
	s8 =	sld [smem:$0x3FAA]  }
0x2e: {  	s3 =	simm.s32 @!p0 $0x1082;
	s9 =	sld [smem:$0x3FAB]  }
0x2f: {  	lr =	sadd.s32 s0, s3;
	s0 =	sld [smem:$0x3FA2]  }
0x30: {  	s3 =	sld [smem:$0x3FA5]  }
0x31: {  	[smem:$0x3FAE] =	sst s10  }
0x32: {  	s10 =	sld [smem:$0x3FAC];
	_ =	sdelay $0x3  }
0x33: {  	p0 =	seq.s32 s10, $0x1;
	s10 =	sld [smem:$0x3FAE];
	_ =	sdelay $0x3  }
0x34: {  	[smem:$0x3FAE] =	sst s10  }
0x35: {  	s10 =	sld [smem:$0x3FAD];
	_ =	sdelay $0x3  }
0x36: {  	p1 =	seq.s32 s10, $0x1;
	s10 =	sld [smem:$0x3FAE];
	_ =	sdelay $0x3  }
0x37: {  	[smem:$0x3FAE] =	sst s10  }
0x38: {  	s10 =	sld [smem:$0x3FAF]  }
0x39: {  	_ = 	snop;
	(pc) =	sbr.ind lr, $3  }
0x3a: {  	_ = 	snop  }
0x3b: {  	_ = 	snop  }
0x3c: {  	p2 =	seq.s32 s10, $0x1;
	s10 =	sld [smem:$0x3FAE]  }
0x3d: {  	_ =	shalt  }
0x3e: {  	_ =	shalt  }
0x3f: {  	_ =	shalt  }
0x40: {  	_ =	shalt  }
0x41: {  	_ =	shalt  }
0x42: {  	_ =	shalt  }
0x43: {  	_ =	shalt  }
0x44: {  	_ =	shalt  }
0x45: {  	_ =	shalt  }
0x46: {  	_ =	shalt  }
0x47: {  	_ =	shalt  }
0x48: {  	_ =	shalt  }
0x49: {  	_ =	shalt  }
0x4a: {  	_ =	shalt  }
0x4b: {  	_ =	shalt  }
0x4c: {  	_ =	shalt  }
0x4d: {  	_ =	shalt  }
0x4e: {  	_ =	shalt  }
0x4f: {  	_ =	shalt  }
0x50: {  	_ =	shalt  }
0x51: {  	_ =	shalt  }
0x52: {  	_ =	shalt  }
0x53: {  	_ =	shalt  }
0x54: {  	_ =	shalt  }
0x55: {  	_ =	shalt  }
0x56: {  	_ =	shalt  }
0x57: {  	_ =	shalt  }
0x58: {  	_ =	shalt  }
0x59: {  	_ =	shalt  }
0x5a: {  	_ =	shalt  }
0x5b: {  	_ =	shalt  }
0x5c: {  	_ =	shalt  }
0x5d: {  	_ =	shalt  }
0x5e: {  	_ =	shalt  }
0x5f: {  	_ =	shalt  }
0x60: {  	_ =	shalt  }
0x61: {  	_ =	shalt  }
0x62: {  	_ =	shalt  }
0x63: {  	_ =	shalt  }
0x64: {  	_ =	shalt  }
0x65: {  	_ =	shalt  }
0x66: {  	_ =	shalt  }
0x67: {  	_ =	shalt  }
0x68: {  	_ =	shalt  }
0x69: {  	_ =	shalt  }
0x6a: {  	_ =	shalt  }
0x6b: {  	_ =	shalt  }
0x6c: {  	_ =	shalt  }
0x6d: {  	_ =	shalt  }
0x6e: {  	_ =	shalt  }
0x6f: {  	_ =	shalt  }
0x70: {  	_ =	shalt  }
0x71: {  	_ =	shalt  }
0x72: {  	_ =	shalt  }
0x73: {  	_ =	shalt  }
0x74: {  	_ =	shalt  }
0x75: {  	_ =	shalt  }
0x76: {  	_ =	shalt  }
0x77: {  	_ =	shalt  }
0x78: {  	_ =	shalt  }
0x79: {  	_ =	shalt  }
0x7a: {  	_ =	shalt  }
0x7b: {  	_ =	shalt  }
0x7c: {  	_ =	shalt  }
0x7d: {  	_ =	shalt  }
0x7e: {  	_ =	shalt  }
0x7f: {  	_ =	shalt  }
0x80: {  	_ =	shalt  }
0x81: {  	_ =	shalt  }
0x82: {  	_ =	shalt  }
0x83: {  	_ =	shalt  }
0x84: {  	_ =	shalt  }
0x85: {  	_ =	shalt  }
0x86: {  	_ =	shalt  }
0x87: {  	_ =	shalt  }
.Lfunc_end0:
.L_simem_size_0:
called_computation.1_lowered:
.L_overlay_start_0:
0x88: {  	s2 =	sld [smem:$0x3FD9]  }
0x89: {  	s3 =	sld [smem:$0x3FFE];
	_ =	sdelay $0x1  }
0x8a: {  	s1 =	srdreg.scid  }
0x8b: {  	s0 =	sand.u32 $0x1, s1  }
0x8c: {  	s14 =	sshll.u32 s0, $0xA;
	s2 =	sadd.s32 s3, s2  }
0x8d: {  	s2 =	sadd.s32 s2, s14  }
0x8e: {  	[smem:$0x3FBA] =	sst s2  }
0x8f: {  	_ = 	snop  }
0x90: {  	s2 =	sld [smem:$0x3FD0];
	_ =	sdelay $0x2  }
0x91: {  	s15 =	simm.s32 $0xA;
	s4 =	simm.s32 $0x10  }
0x92: {  	[smem:s4], [sflag:s15] =	dma.local [hbm:s2], $0x1  }
0x93: {  	_ =	swait.eq [sflag:s15], $0x1  }
0x94: {  	[sflag:s15] =	ssyncset.done $0x0  }
0x95: {  	[sflag:s15] =	ssyncadd.s32 $0xFFFFFFFF  }
0x96: {  	s16 =	sld [smem:$0x10];
	(tm) =	ssettm $0x1  }
0x97: {  	s17 =	sld [smem:$0x3FFB];
	_ =	sdelay $0x3  }
0x98: {  	_ =	strace s17  }
0x99: {  	s3 =	sld [smem:$0x3FFC];
	_ =	sdelay $0x3  }
0x9a: {  	_ =	strace s3  }
0x9b: {  	s3 =	sld [smem:$0x3FFD];
	_ =	sdelay $0x3  }
0x9c: {  	_ =	strace s3  }
0x9d: {  	_ =	strace $0x8FFFFFFF  }
0x9e: {  	s18 =	sld [smem:$0x3FDB];
	_ =	sdelay $0x1  }
0x9f: {  	s19 =	simm.s32 $_scs_section_size  }
0xa0: {  	s5 =	simm.s32 $_size__tile_overlayer_lowered;
	s6 =	simm.s32 $_tile_overlayer_lowered  }
0xa1: {  	s22 =	simm.s32 $0x1BFF;
	s21 =	sshll.u32 s6, $0x1;
	s3 =	sadd.s32 s19, s18  }
0xa2: {  	s7 =	simm.s32 $0x0;
	s20 =	sshll.u32 s5, $0x1;
	s5 =	sadd.s32 s21, s3  }
0xa3: {  	[timem:s7], [sflag:s22] =	dma.local [hbm:s5], s20  }
0xa4: {  	_ =	swait.ge [sflag:s22], s20  }
0xa5: {  	s4 =	ssub.s32 $0x0, s20;
	[sflag:s22] =	ssyncset.done $0x0  }
0xa6: {  	[sflag:s22] =	ssyncadd.s32 s4;
	_ =	sdelay $0x1  }
0xa7: {  	s23 =	simm.s32 $0x1B8B  }
0xa8: {  	_ =	swait.ge [sflag:s23], $0x1  }
0xa9: {  	[sflag:s23] =	ssyncset.done $0x0  }
0xaa: {  	s25 =	simm.s32 $0x1B8E;
	s24 =	sld [smem:$0x3FFE];
	[sflag:s23] =	ssyncadd.s32 $0xFFFFFFFF  }
0xab: {  	s26 =	simm.s32 $execute0_lowered;
	[smem:$0x3FD2] =	sst s25  }
0xac: {  	s5 =	sshll.u32 s26, $0x1;
	_ =	strace $0x80000049;
	[dreg:$0x1] =	wrdreg $0xFFFFFFFF  }
0xad: {  	s28 =	simm.s32 $_size_execute0_lowered;
	s3 =	sadd.s32 s3, s5;
	[dreg:$0x0] =	wrdreg $0x0  }
0xae: {  	s5 =	sshll.u32 s28, $0x1;
	[dreg:$0x2] =	wrdreg s3  }
0xaf: {  	[dreg:$0x3] =	wrdreg s5  }
0xb0: {  	[dreg:$0x4] =	wrdreg $0xC0  }
0xb1: {  	_ =	task [dreg:s7], $0x5FFFF  }
0xb2: {  	[dreg:$0x1] =	wrdreg $0xFFFFFFFF  }
0xb3: {  	[dreg:$0x0] =	wrdreg $0x60  }
0xb4: {  	[dreg:$0x2] =	wrdreg s24  }
0xb5: {  	[dreg:$0x3] =	wrdreg s16  }
0xb6: {  	[dreg:$0x4] =	wrdreg $0x9  }
0xb7: {  	_ =	task.clear_ibuf [dreg:s7], $0x5FFFF;
	_ =	strace $0x90000049  }
0xb8: {  	s29 =	simm.s32 $0x9;
	_ =	strace $0x8000004B  }
0xb9: {  	_ =	swait.ge [sflag:s29], $0x1  }
0xba: {  	[sflag:s29] =	ssyncadd.s32 $0xFFFFFFFF  }
0xbb: {  	_ =	strace $0x9000004B  }
0xbc: {  	_ =	sfence  }
0xbd: {  	s30 =	sld [smem:$0x0];
	_ =	sdelay $0x2  }
0xbe: {  	s31 =	sshll.u32 s1, $0xD;
	s1 =	sshrl.u32 s1, $0x2  }
0xbf: {  	s3 =	sand.u32 $0x4000, s31;
	s1 =	sadd.s32 s1, s30  }
0xc0: {  	s0 =	sor.u32 s3, s0;
	s1 =	sshll.u32 s1, $0x11  }
0xc1: {  	s0 =	sor.u32 s1, s0  }
0xc2: {  	s0 =	sadd.s32 $0x8F2B, s0  }
0xc3: {  	[sflag:s0] =	ssyncadd.remote.s32 $0x1  }
0xc4: {  	_ =	sfence.sel $0xFFFF  }
0xc5: {  	[dreg:$0x0] =	wrdreg $0xFFFFFFFF;
	(pc) =	sbr.abs _section_cstart, $3  }
0xc6: {  	[dreg:$0x1] =	wrdreg $0xFFFFFFFF  }
0xc7: {  	_ =	task.clear_ibuf [dreg:s7], $0x2FFFF;
	_ =	strace $0x9FFFFFFF  }
0xc8: {  	(tm) =	ssettm $0x7FFFFFFF  }
0xc9: {  	_ =	shalt  }
tec
execute0_lowered:
.L_overlay_start_1:
0x0: {  	(tag) =	ssettag $0x1  }
0x1: {  	s0 =	rddreg [dreg:$0x0]  }
0x2: {  	s2 =	rddreg [dreg:$0x1];
	s3 =	simm.s32 $0x0;
	s1 =	srdreg.scid  }
0x3: {  	s4 =	stileid.u32;
	s14 =	simm.s32 $0x5;
	s15 =	simm.s32 $0x2800  }
0x4: {  	s17 =	simm.s32 $0x2000;
	s18 =	simm.s32 $0x50000;
	s20 =	simm.s32 $0xC000  }
0x5: {  	s21 =	simm.s32 $0x12000;
	s1 =	sand.u32 $0x1, s1;
	s4 =	sshll.u32 s4, $0x1  }
0x6: {  	s22 =	simm.s32 $0x1;
	s23 =	simm.s32 $0x3;
	s6 =	sor.u32 s1, s4  }
0x7: {  	[smem:$0x7FF] =	sst s3;
	s8 =	sadd.s32 $0x284400, s0;
	s7 =	smul.u32 $0x5000, s6  }
0x8: {  	s30 =	sadd.s32 $0x400, s2;
	_ =	strace $0x8000004A;
	s5 =	smul.u32 $0xA0000, s6  }
0x9: {  	s4 =	sadd.s32 $0x4400, s0;
	s1 =	ssub.s32 $0x2, s1;
	s6 =	smul.u32 $0xA00, s6  }
0xa: {  	s0 =	sadd.s32 $0x298400, s0;
	[dreg:$0x6] =	wrdreg s30;
	s9 =	sshrl.u32 s1, $0x1  }
0xb: {  	s1 =	ssub.s32 s1, s9;
	s7 =	sshrl.u32 s7, $0x3;
	s10 =	sadd.s32 s8, s6  }
0xc: {  	s25 =	sshrl.u32 s5, $0x3;
	s6 =	sadd.s32 s0, s6;
	[dreg:$0x3] =	wrdreg s10  }
0xd: {  	s31 =	smax.u32 s1, $0x1;
	s12 =	sadd.s32 $0x500, s7;
	[dreg:$0x8] =	wrdreg s6  }
.Ltmp0:
0xe: {  	s26 =	sadd.s32 s4, s25;
	[dreg:$0xa] =	wrdreg s31;
	(pc) =	sbr.rel .LBB2_1-.Ltmp0, $4  }
0xf: {  	s24 =	simm.s32 $0x5000;
	s8 =	sadd.s32 s8, s12;
	[dreg:$0x4] =	wrdreg s26  }
0x10: {  	s28 =	simm.s32 $0x4;
	s7 =	sadd.s32 $0x400, s26;
	[dreg:$0x5] =	wrdreg s8  }
0x11: {  	s29 =	simm.s32 $0x0;
	s0 =	sadd.s32 s0, s12;
	[dreg:$0x7] =	wrdreg s7  }
0x12: {  	v0 =	vimm.f32 $0.0e+00;
	s25 =	simm.s32 $0x7800;
	s26 =	simm.s32 $0x2;
	[dreg:$0x9] =	wrdreg s0  }
.LBB2_10:
0x13: {  	[bflag:$0x0] =	sbarrier.arrive $0xFFFF  }
0x14: {  	s0 =	rddreg [dreg:$0x8]  }
0x15: {  	[hbm4b:s0+s3] =	stream.linear.scatter [tilespmem:s24], [sflag:$0x5], $0x2800, $0x38;
	[tilespmem:$0x16000] =	vst v63  }
0x16: {  	_ =	swait.ge [sflag:s14], $0x2800  }
0x17: {  	[sflag:s14] =	ssyncset.done $0x0  }
0x18: {  	s30 =	rddreg [dreg:$0x9];
	[sflag:s14] =	ssyncadd.s32 $0xFFFFD800  }
0x19: {  	[hbm4b:s30+s3] =	stream.linear.scatter [tilespmem:s25], [sflag:$0x5], $0x2800, $0x38;
	[tilespmem:$0x16000] =	vst v63  }
0x1a: {  	_ =	swait.ge [sflag:s14], $0x2800  }
0x1b: {  	s29 =	sadd.s32 $0x1, s29;
	s31 =	rddreg [dreg:$0xa]  }
0x1c: {  	p0 =	sne.s32 s29, s31  }
.Ltmp1:
0x1d: {  	_ = 	snop;
	(pc) =	sbr.rel @!p0 .LBB2_11-.Ltmp1, $3  }
0x1e: {  	_ =	sdelay $0x1  }
0x1f: {  	[sflag:s14] =	ssyncset.done $0x0  }
0x20: {  	[sflag:s14] =	ssyncadd.s32 $0xFFFFD800  }
.LBB2_1:
0x21: {  	s0 =	rddreg [dreg:$0x3]  }
0x22: {  	[tilespmem:s3], [sflag:$0x5] =	stream.linear.gather [hbm4b:s0+s3], $0x2800, $0x38;
	[tilespmem:$0x16000] =	vst v63  }
0x23: {  	_ =	swait.ge [sflag:s14], $0x2800  }
0x24: {  	[sflag:s14] =	ssyncset.done $0x0  }
0x25: {  	s31 =	rddreg [dreg:$0x5];
	[sflag:s14] =	ssyncadd.s32 $0xFFFFD800  }
0x26: {  	[tilespmem:s15], [sflag:$0x5] =	stream.linear.gather [hbm4b:s31+s3], $0x2800, $0x38;
	[tilespmem:$0x16000] =	vst v63  }
0x27: {  	_ =	swait.ge [sflag:s14], $0x2800  }
0x28: {  	[sflag:s14] =	ssyncset.done $0x0  }
0x29: {  	s1 =	simm.s32 $0x5040;
	[sflag:s14] =	ssyncadd.s32 $0xFFFFD800  }
0x2a: {  	s0 =	simm.s32 $0x7840;
	[tilespmem:s1+$0xFFFFFFC0] =	vst v0  }
0x2b: {  	[tilespmem:s0+$0xFFFFFFC0] =	vst v0  }
0x2c: {  	[tilespmem:s1+$0xFFFFFFD0] =	vst v0  }
0x2d: {  	[tilespmem:s0+$0xFFFFFFD0] =	vst v0  }
0x2e: {  	[tilespmem:s1+$0xFFFFFFE0] =	vst v0  }
0x2f: {  	[tilespmem:s0+$0xFFFFFFE0] =	vst v0  }
0x30: {  	[tilespmem:s1+$0xFFFFFFF0] =	vst v0  }
0x31: {  	[tilespmem:s0+$0xFFFFFFF0] =	vst v0  }
0x32: {  	[tilespmem:s1+$0x0] =	vst v0  }
0x33: {  	[tilespmem:s0+$0x0] =	vst v0  }
0x34: {  	[tilespmem:s1+$0x10] =	vst v0  }
0x35: {  	[tilespmem:s0+$0x10] =	vst v0  }
0x36: {  	[tilespmem:s1+$0x20] =	vst v0  }
0x37: {  	[tilespmem:s0+$0x20] =	vst v0  }
0x38: {  	[tilespmem:s1+$0x30] =	vst v0  }
0x39: {  	s6 =	simm.s32 $0x50C0;
	s1 =	simm.s32 $0x0;
	[tilespmem:s0+$0x30] =	vst v0  }
.LBB2_2:
0x3a: {  	[tilespmem:s6+$0xFFFFFFC0] =	vst v0;
	s0 =	sadd.s32 $0x80, s0  }
0x3b: {  	[tilespmem:s0+$0xFFFFFFC0] =	vst v0  }
0x3c: {  	[tilespmem:s6+$0xFFFFFFD0] =	vst v0  }
0x3d: {  	[tilespmem:s0+$0xFFFFFFD0] =	vst v0  }
0x3e: {  	[tilespmem:s6+$0xFFFFFFE0] =	vst v0  }
0x3f: {  	[tilespmem:s0+$0xFFFFFFE0] =	vst v0  }
0x40: {  	[tilespmem:s6+$0xFFFFFFF0] =	vst v0  }
0x41: {  	[tilespmem:s0+$0xFFFFFFF0] =	vst v0  }
0x42: {  	[tilespmem:s6+$0x0] =	vst v0  }
0x43: {  	s1 =	sadd.s32 $0x8, s1;
	[tilespmem:s0+$0x0] =	vst v0  }
0x44: {  	p0 =	slt.u32 s1, $0x278;
	[tilespmem:s6+$0x10] =	vst v0  }
.Ltmp2:
0x45: {  	[tilespmem:s0+$0x10] =	vst v0;
	(pc) =	sbr.rel @p0 .LBB2_2-.Ltmp2, $4  }
0x46: {  	[tilespmem:s6+$0x20] =	vst v0  }
0x47: {  	[tilespmem:s0+$0x20] =	vst v0  }
0x48: {  	[tilespmem:s6+$0x30] =	vst v0  }
0x49: {  	s6 =	sadd.s32 $0x80, s6;
	[tilespmem:s0+$0x30] =	vst v0  }
0x4a: {  	s30 =	simm.s32 $0x0;
	s0 =	simm.s32 $0xA000  }
0x4b: {  	[tilespmem:s0], [sflag:$0x1] =	stream.linear.gather [hbm4b:s2+s30], $0x2000, $0x38;
	[tilespmem:$0x16000] =	vst v63  }
0x4c: {  	s16 =	rddreg [dreg:$0x4];
	s1 =	simm.s32 $0xE000  }
0x4d: {  	[tilespmem:s1], [sflag:$0x3] =	stream.strided.gather [hbm4b:s16+s17], $0x4000, s18, s17, $0x38;
	[tilespmem:$0x16000] =	vst v63  }
0x4e: {  	s19 =	rddreg [dreg:$0x6]  }
0x4f: {  	[tilespmem:s20], [sflag:$0x2] =	stream.linear.gather [hbm4b:s19+s30], $0x2000, $0x38;
	[tilespmem:$0x16000] =	vst v63  }
0x50: {  	s31 =	rddreg [dreg:$0x7]  }
0x51: {  	[tilespmem:s21], [sflag:$0x4] =	stream.strided.gather [hbm4b:s31+s17], $0x4000, s18, s17, $0x38;
	[tilespmem:$0x16000] =	vst v63  }
.LBB2_4:
0x52: {  	_ =	swait.ge [sflag:s22], $0x2000  }
0x53: {  	[sflag:s22] =	ssyncset.done $0x0  }
0x54: {  	[sflag:s22] =	ssyncadd.s32 $0xFFFFE000  }
0x55: {  	_ =	swait.ge [sflag:s23], $0x4000  }
0x56: {  	[sflag:s23] =	ssyncset.done $0x0  }
0x57: {  	s0 =	simm.s32 $0xA020;
	[sflag:s23] =	ssyncadd.s32 $0xFFFFC000  }
0x58: {  	v1 =	vld [tilespmem:s0+$0x10];
	_ =	sdelay $0x2  }
0x59: {  	v4 =	vld [tilespmem:s0+$0xFFFFFFE0]  }
0x5a: {  	v2 =	vld [tilespmem:s0+$0xFFFFFFF0]  }
0x5b: {  	s12 =	simm.s32 $0x0;
	v5 =	vshrl.u32 v1, $0xE  }
0x5c: {  	s1 =	simm.s32 $0x30;
	s6 =	sand.u32 $0x1F80, s12;
	v3 =	vld [tilespmem:s0+$0x0]  }
0x5d: {  	s1 =	sand.u32 $0x70, s1;
	s8 =	sor.u32 $0xE000, s6  }
0x5e: {  	s16 =	sor.u32 s1, s8;
	v8 =	vshrl.u32 v4, $0xE  }
0x5f: {  	s13 =	simm.s32 $0x10;
	s19 =	sand.u32 $0x40, s12;
	v10 =	vld [tilespmem:s16+$0x0];
	v6 =	vshrl.u32 v2, $0xE  }
0x60: {  	s31 =	sor.u32 s19, s8;
	s16 =	sand.u32 $0x50, s13;
	v9 =	vld.idx.msk [tilespmem:v5+s3+$0x0], $0xffff  }
0x61: {  	v15 =	vld [tilespmem:s31+$0x0];
	s9 =	sor.u32 s16, s8;
	v7 =	vshrl.u32 v3, $0xE  }
0x62: {  	v16 =	vld [tilespmem:s9+$0x0]  }
0x63: {  	v14 =	vand.u32 $0x3FFF, v1;
	v13 =	vld.idx.msk [tilespmem:v8+s3+$0x0], $0xffff  }
0x64: {  	s7 =	simm.s32 $0x20;
	v11 =	vld.idx.msk [tilespmem:v6+s3+$0x0], $0xffff  }
0x65: {  	s0 =	sand.u32 $0x60, s7;
	v1 =	vadd.f32 v10, v9  }
0x66: {  	s8 =	sor.u32 s0, s8;
	v4 =	vand.u32 $0x3FFF, v4;
	v12 =	vld.idx.msk [tilespmem:v7+s3+$0x0], $0xffff  }
0x67: {  	v9 =	vld [tilespmem:s8+$0x0];
	v10 =	vand.u32 $0x3FFF, v2;
	v2 =	vmax.f32 v1, $0.0e+00  }
0x68: {  	s6 =	sor.u32 $0x10000, s6;
	[tilespmem:v14+s24+$0x0] =	vst.idx.add.f32.msk $0xffff, v2;
	v2 =	vadd.f32 v15, v13  }
0x69: {  	s1 =	sor.u32 s1, s6;
	v1 =	vand.u32 $0x3FFF, v3;
	v3 =	vld.idx.msk [tilespmem:v5+s15+$0x0], $0xffff;
	v5 =	vadd.f32 v16, v11  }
0x6a: {  	v11 =	vld [tilespmem:s1+$0x0];
	v2 =	vmax.f32 v2, $0.0e+00  }
0x6b: {  	[tilespmem:v4+s24+$0x0] =	vst.idx.add.f32.msk $0xffff, v2;
	v2 =	vmax.f32 v5, $0.0e+00  }
0x6c: {  	v9 =	vadd.f32 v9, v12;
	[tilespmem:v10+s24+$0x0] =	vst.idx.add.f32.msk $0xffff, v2  }
0x6d: {  	s8 =	simm.s32 $0xA060;
	v5 =	vld.idx.msk [tilespmem:v8+s15+$0x0], $0xffff  }
0x6e: {  	s10 =	simm.s32 $0x40;
	v2 =	vmax.f32 v9, $0.0e+00;
	v8 =	vld [tilespmem:s8+$0xFFFFFFF0]  }
0x6f: {  	s12 =	simm.s32 $0x50;
	s31 =	simm.s32 $0x70;
	s1 =	sand.u32 $0x1F80, s10;
	[tilespmem:v1+s24+$0x0] =	vst.idx.add.f32.msk $0xffff, v2  }
0x70: {  	s13 =	sor.u32 s16, s6;
	s7 =	sand.u32 $0x70, s31;
	s16 =	sor.u32 $0xE000, s1;
	v2 =	vld [tilespmem:s8+$0x10]  }
0x71: {  	s9 =	sor.u32 s19, s6;
	s19 =	sand.u32 $0x50, s12;
	s11 =	sor.u32 s7, s16;
	v9 =	vld [tilespmem:s8+$0x0]  }
0x72: {  	s12 =	sor.u32 s19, s16;
	v18 =	vld [tilespmem:s11+$0x0]  }
0x73: {  	v23 =	vld [tilespmem:s12+$0x0]  }
0x74: {  	v54 =	vld.idx.msk [tilespmem:v6+s15+$0x0], $0xffff  }
0x75: {  	v3 =	vadd.f32 v11, v3;
	v11 =	vld [tilespmem:s8+$0xFFFFFFE0];
	v55 =	vshrl.u32 v2, $0xE  }
0x76: {  	v6 =	vld [tilespmem:s9+$0x0]  }
0x77: {  	v57 =	vld [tilespmem:s13+$0x0]  }
0x78: {  	s0 =	sor.u32 s0, s6;
	s11 =	simm.s32 $0x60;
	v7 =	vld.idx.msk [tilespmem:v7+s15+$0x0], $0xffff  }
0x79: {  	s13 =	sand.u32 $0x60, s11;
	v60 =	vld [tilespmem:s0+$0x0];
	v56 =	vshrl.u32 v8, $0xE  }
0x7a: {  	s9 =	sor.u32 s13, s16;
	v58 =	vshrl.u32 v11, $0xE;
	v17 =	vld.idx.msk [tilespmem:v55+s3+$0x0], $0xffff  }
0x7b: {  	s8 =	sand.u32 $0x40, s10;
	v59 =	vld [tilespmem:s9+$0x0];
	v3 =	vmax.f32 v3, $0.0e+00  }
0x7c: {  	s10 =	sor.u32 s8, s16;
	[tilespmem:v14+s25+$0x0] =	vst.idx.add.f32.msk $0xffff, v3;
	v3 =	vshrl.u32 v9, $0xE  }
0x7d: {  	v22 =	vld [tilespmem:s10+$0x0];
	v5 =	vadd.f32 v6, v5;
	v6 =	vand.u32 $0x3FFF, v2  }
0x7e: {  	v19 =	vld.idx.msk [tilespmem:v56+s3+$0x0], $0xffff  }
0x7f: {  	v2 =	vmax.f32 v5, $0.0e+00;
	v21 =	vld.idx.msk [tilespmem:v58+s3+$0x0], $0xffff;
	v5 =	vadd.f32 v18, v17  }
0x80: {  	[tilespmem:v4+s25+$0x0] =	vst.idx.add.f32.msk $0xffff, v2  }
0x81: {  	v2 =	vand.u32 $0x3FFF, v8;
	v20 =	vld.idx.msk [tilespmem:v3+s3+$0x0], $0xffff;
	v5 =	vmax.f32 v5, $0.0e+00  }
0x82: {  	s1 =	sor.u32 $0x10000, s1;
	v4 =	vand.u32 $0x3FFF, v11;
	v8 =	vadd.f32 v57, v54;
	[tilespmem:v6+s24+$0x0] =	vst.idx.add.f32.msk $0xffff, v5  }
0x83: {  	s16 =	sor.u32 s7, s1;
	v61 =	vadd.f32 v23, v19;
	v11 =	vld.idx.msk [tilespmem:v55+s15+$0x0], $0xffff  }
0x84: {  	v8 =	vmax.f32 v8, $0.0e+00;
	v5 =	vand.u32 $0x3FFF, v9;
	v9 =	vadd.f32 v22, v21;
	v62 =	vld [tilespmem:s16+$0x0]  }
0x85: {  	[tilespmem:v10+s25+$0x0] =	vst.idx.add.f32.msk $0xffff, v8;
	v8 =	vmax.f32 v61, $0.0e+00  }
0x86: {  	v63 =	vadd.f32 v59, v20;
	[tilespmem:v2+s24+$0x0] =	vst.idx.add.f32.msk $0xffff, v8;
	v9 =	vmax.f32 v9, $0.0e+00  }
0x87: {  	[tilespmem:v4+s24+$0x0] =	vst.idx.add.f32.msk $0xffff, v9  }
0x88: {  	v7 =	vadd.f32 v60, v7;
	v8 =	vmax.f32 v63, $0.0e+00;
	v9 =	vld.idx.msk [tilespmem:v56+s15+$0x0], $0xffff  }
0x89: {  	s19 =	sor.u32 s19, s1;
	s0 =	simm.s32 $0x4;
	[tilespmem:v5+s24+$0x0] =	vst.idx.add.f32.msk $0xffff, v8;
	v10 =	vadd.f32 v62, v11  }
0x8a: {  	s6 =	sor.u32 s8, s1;
	v7 =	vmax.f32 v7, $0.0e+00;
	s16 =	sor.u32 s13, s1;
	s1 =	simm.s32 $0xA0A0;
	v8 =	vld.idx.msk [tilespmem:v58+s15+$0x0], $0xffff  }
.LBB2_5:
0x8b: {  	v11 =	vld [tilespmem:s1+$0x10];
	s0 =	sadd.s32 $0x4, s0;
	v10 =	vmax.f32 v10, $0.0e+00  }
0x8c: {  	p0 =	slt.u32 s0, $0x1FC;
	[tilespmem:v6+s25+$0x0] =	vst.idx.add.f32.msk $0xffff, v10  }
0x8d: {  	v6 =	vld [tilespmem:s1+$0xFFFFFFF0]  }
0x8e: {  	v10 =	vld [tilespmem:s1+$0x0]  }
0x8f: {  	v12 =	vld [tilespmem:s1+$0xFFFFFFE0]  }
0x90: {  	v13 =	vshrl.u32 v11, $0xE;
	v14 =	vld.idx.msk [tilespmem:v3+s15+$0x0], $0xffff  }
0x91: {  	s31 =	sadd.s32 $0x40, s31;
	v15 =	vld [tilespmem:s6+$0x0]  }
0x92: {  	s8 =	sadd.s32 $0xFFFFFFE0, s31;
	s9 =	sadd.s32 $0xFFFFFFF0, s31;
	s6 =	sadd.s32 $0xFFFFFFD0, s31;
	v16 =	vshrl.u32 v6, $0xE;
	v17 =	vand.u32 $0x3FFF, v6;
	v6 =	vld [tilespmem:s19+$0x0]  }
0x93: {  	s8 =	sand.u32 $0x50, s8;
	s10 =	sand.u32 $0x40, s6;
	s6 =	sand.u32 $0x1F80, s6;
	v3 =	vshrl.u32 v10, $0xE;
	v10 =	vand.u32 $0x3FFF, v10;
	v18 =	vld [tilespmem:s16+$0x0]  }
0x94: {  	s12 =	sand.u32 $0x70, s31;
	s9 =	sand.u32 $0x60, s9;
	s11 =	sor.u32 $0xE000, s6;
	v19 =	vshrl.u32 v12, $0xE;
	v12 =	vand.u32 $0x3FFF, v12;
	[tilespmem:v1+s25+$0x0] =	vst.idx.add.f32.msk $0xffff, v7;
	v1 =	vmovc v5;
	v5 =	vmov v10  }
0x95: {  	s16 =	sor.u32 s10, s11;
	s19 =	sor.u32 s8, s11;
	s13 =	sor.u32 s12, s11;
	v10 =	vld.idx.msk [tilespmem:v13+s3+$0x0], $0xffff  }
0x96: {  	s11 =	sor.u32 s9, s11;
	v20 =	vld [tilespmem:s13+$0x0];
	v7 =	vadd.f32 v15, v8  }
0x97: {  	v8 =	vld.idx.msk [tilespmem:v16+s3+$0x0], $0xffff;
	v9 =	vadd.f32 v6, v9  }
0x98: {  	v15 =	vld.idx.msk [tilespmem:v3+s3+$0x0], $0xffff;
	v21 =	vmax.f32 v7, $0.0e+00;
	v7 =	vadd.f32 v18, v14  }
0x99: {  	v6 =	vand.u32 $0x3FFF, v11;
	v14 =	vld.idx.msk [tilespmem:v19+s3+$0x0], $0xffff;
	v9 =	vmax.f32 v9, $0.0e+00  }
0x9a: {  	v11 =	vld [tilespmem:s16+$0x0];
	v7 =	vmax.f32 v7, $0.0e+00  }
0x9b: {  	v18 =	vld [tilespmem:s19+$0x0];
	v10 =	vadd.f32 v20, v10  }
0x9c: {  	v20 =	vld [tilespmem:s11+$0x0]  }
0x9d: {  	v10 =	vmax.f32 v10, $0.0e+00;
	[tilespmem:v4+s25+$0x0] =	vst.idx.add.f32.msk $0xffff, v21;
	v4 =	vmov v12  }
0x9e: {  	s11 =	sor.u32 $0x10000, s6;
	[tilespmem:v6+s24+$0x0] =	vst.idx.add.f32.msk $0xffff, v10  }
0x9f: {  	s6 =	sor.u32 s10, s11;
	s19 =	sor.u32 s8, s11;
	s8 =	sor.u32 s12, s11;
	v10 =	vadd.f32 v11, v14;
	v11 =	vld.idx.msk [tilespmem:v13+s15+$0x0], $0xffff  }
0xa0: {  	s16 =	sor.u32 s9, s11;
	v8 =	vadd.f32 v18, v8;
	v12 =	vld [tilespmem:s8+$0x0]  }
0xa1: {  	v10 =	vmax.f32 v10, $0.0e+00;
	v13 =	vadd.f32 v20, v15;
	[tilespmem:v2+s25+$0x0] =	vst.idx.add.f32.msk $0xffff, v9;
	v2 =	vmov v17  }
.Ltmp3:
0xa2: {  	[tilespmem:v4+s24+$0x0] =	vst.idx.add.f32.msk $0xffff, v10;
	v8 =	vmax.f32 v8, $0.0e+00;
	(pc) =	sbr.rel @p0 .LBB2_5-.Ltmp3, $4  }
0xa3: {  	[tilespmem:v17+s24+$0x0] =	vst.idx.add.f32.msk $0xffff, v8;
	v8 =	vmax.f32 v13, $0.0e+00  }
0xa4: {  	[tilespmem:v5+s24+$0x0] =	vst.idx.add.f32.msk $0xffff, v8  }
0xa5: {  	v8 =	vld.idx.msk [tilespmem:v19+s15+$0x0], $0xffff;
	v10 =	vadd.f32 v12, v11  }
0xa6: {  	s1 =	sadd.s32 $0x40, s1;
	v9 =	vld.idx.msk [tilespmem:v16+s15+$0x0], $0xffff  }
0xa7: {  	_ =	sdelay $0x3  }
0xa8: {  	v3 =	vld.idx.msk [tilespmem:v3+s15+$0x0], $0xffff  }
0xa9: {  	v11 =	vld [tilespmem:s6+$0x0]  }
0xaa: {  	v12 =	vld [tilespmem:s19+$0x0]  }
0xab: {  	v13 =	vld [tilespmem:s16+$0x0];
	_ =	sdelay $0x2  }
0xac: {  	v10 =	vmax.f32 v10, $0.0e+00;
	s31 =	sshll.u32 s30, $0x1;
	p0 =	seq.s32 s30, $0x13;
	v8 =	vadd.f32 v11, v8  }
0xad: {  	[tilespmem:v6+s25+$0x0] =	vst.idx.add.f32.msk $0xffff, v10;
	s0 =	sadd.s32 @!p0 $0x2, s31;
	v6 =	vadd.f32 v12, v9  }
0xae: {  	[tilespmem:v1+s25+$0x0] =	vst.idx.add.f32.msk $0xffff, v7;
	s1 =	sshll.u32 @!p0 s0, $0xA;
	s0 =	sshll.u32 @!p0 s0, $0xD;
	v3 =	vadd.f32 v13, v3;
	v1 =	vmax.f32 v8, $0.0e+00  }
0xaf: {  	s0 =	sadd.s32 @!p0 s5, s0;
	v6 =	vmax.f32 v6, $0.0e+00;
	[tilespmem:v4+s25+$0x0] =	vst.idx.add.f32.msk $0xffff, v1  }
0xb0: {  	s6 =	simm.s32 @!p0 $0x0;
	s0 =	sshrl.u32 @!p0 s0, $0x3;
	v1 =	vmax.f32 v3, $0.0e+00;
	[tilespmem:v2+s25+$0x0] =	vst.idx.add.f32.msk $0xffff, v6  }
0xb1: {  	s8 =	simm.s32 @!p0 $0xA000;
	s1 =	sadd.s32 @!p0 s2, s1;
	s0 =	sadd.s32 @!p0 s4, s0;
	[tilespmem:v5+s25+$0x0] =	vst.idx.add.f32.msk $0xffff, v1  }
0xb2: {  	[tilespmem:s8], [sflag:$0x1] =	stream.linear.gather @!p0 [hbm4b:s1+s6], $0x2000, $0x38;
	[tilespmem:$0x16000] =	vst v63  }
0xb3: {  	s1 =	simm.s32 @!p0 $0x2000;
	s6 =	simm.s32 @!p0 $0x50000;
	s8 =	simm.s32 @!p0 $0xE000  }
0xb4: {  	[tilespmem:s8], [sflag:$0x3] =	stream.strided.gather @!p0 [hbm4b:s0+s1], $0x4000, s6, s1, $0x38;
	[tilespmem:$0x16000] =	vst v63  }
0xb5: {  	_ =	swait.ge [sflag:s26], $0x2000  }
0xb6: {  	[sflag:s26] =	ssyncset.done $0x0  }
0xb7: {  	[sflag:s26] =	ssyncadd.s32 $0xFFFFE000  }
0xb8: {  	_ =	swait.ge [sflag:s28], $0x4000  }
0xb9: {  	[sflag:s28] =	ssyncset.done $0x0  }
0xba: {  	s12 =	simm.s32 $0xC020;
	[sflag:s28] =	ssyncadd.s32 $0xFFFFC000  }
0xbb: {  	v1 =	vld [tilespmem:s12+$0x10];
	_ =	sdelay $0x2  }
0xbc: {  	v4 =	vld [tilespmem:s12+$0xFFFFFFE0];
	_ =	sdelay $0x1  }
0xbd: {  	s13 =	simm.s32 $0x0;
	v2 =	vld [tilespmem:s12+$0xFFFFFFF0];
	v5 =	vshrl.u32 v1, $0xE  }
0xbe: {  	s16 =	simm.s32 $0x30;
	s19 =	sand.u32 $0x1F80, s13;
	v3 =	vld [tilespmem:s12+$0x0]  }
0xbf: {  	s9 =	sand.u32 $0x70, s16;
	s7 =	sor.u32 $0x12000, s19  }
0xc0: {  	s1 =	sor.u32 s9, s7;
	v8 =	vshrl.u32 v4, $0xE  }
0xc1: {  	v10 =	vld [tilespmem:s1+$0x0]  }
0xc2: {  	s0 =	sand.u32 $0x40, s13;
	s12 =	simm.s32 $0x10;
	v6 =	vshrl.u32 v2, $0xE;
	v9 =	vld.idx.msk [tilespmem:v5+s3+$0x0], $0xffff  }
0xc3: {  	s11 =	sand.u32 $0x50, s12;
	s12 =	sor.u32 s0, s7;
	v7 =	vshrl.u32 v3, $0xE  }
0xc4: {  	v15 =	vld [tilespmem:s12+$0x0]  }
0xc5: {  	s13 =	sor.u32 s11, s7;
	v14 =	vand.u32 $0x3FFF, v1;
	v54 =	vld.idx.msk [tilespmem:v8+s3+$0x0], $0xffff  }
0xc6: {  	s10 =	simm.s32 $0x20;
	v16 =	vld [tilespmem:s13+$0x0]  }
0xc7: {  	s1 =	sand.u32 $0x60, s10;
	v11 =	vld.idx.msk [tilespmem:v6+s3+$0x0], $0xffff;
	v1 =	vadd.f32 v10, v9  }
0xc8: {  	s8 =	sor.u32 s1, s7;
	v4 =	vand.u32 $0x3FFF, v4;
	v53 =	vld.idx.msk [tilespmem:v7+s3+$0x0], $0xffff  }
0xc9: {  	v9 =	vld [tilespmem:s8+$0x0];
	v10 =	vand.u32 $0x3FFF, v2;
	v2 =	vmax.f32 v1, $0.0e+00  }
0xca: {  	s6 =	sor.u32 $0x14000, s19;
	[tilespmem:v14+s24+$0x0] =	vst.idx.add.f32.msk $0xffff, v2;
	v2 =	vadd.f32 v15, v54  }
0xcb: {  	s16 =	sor.u32 s9, s6;
	v1 =	vand.u32 $0x3FFF, v3;
	v3 =	vld.idx.msk [tilespmem:v5+s15+$0x0], $0xffff  }
0xcc: {  	v5 =	vadd.f32 v16, v11;
	v11 =	vld [tilespmem:s16+$0x0];
	v2 =	vmax.f32 v2, $0.0e+00  }
0xcd: {  	s19 =	simm.s32 $0xC060;
	[tilespmem:v4+s24+$0x0] =	vst.idx.add.f32.msk $0xffff, v2  }
0xce: {  	v2 =	vmax.f32 v5, $0.0e+00;
	v5 =	vld [tilespmem:s19+$0x10]  }
0xcf: {  	v9 =	vadd.f32 v9, v53;
	[tilespmem:v10+s24+$0x0] =	vst.idx.add.f32.msk $0xffff, v2  }
0xd0: {  	v8 =	vld.idx.msk [tilespmem:v8+s15+$0x0], $0xffff  }
0xd1: {  	v2 =	vmax.f32 v9, $0.0e+00;
	v9 =	vld [tilespmem:s19+$0xFFFFFFF0]  }
0xd2: {  	[tilespmem:v1+s24+$0x0] =	vst.idx.add.f32.msk $0xffff, v2  }
0xd3: {  	s0 =	sor.u32 s0, s6;
	v55 =	vld.idx.msk [tilespmem:v6+s15+$0x0], $0xffff  }
0xd4: {  	s13 =	sor.u32 s11, s6;
	v6 =	vld [tilespmem:s0+$0x0]  }
0xd5: {  	s7 =	simm.s32 $0x40;
	v58 =	vld [tilespmem:s13+$0x0]  }
0xd6: {  	s10 =	sand.u32 $0x1F80, s7;
	v2 =	vadd.f32 v11, v3;
	v11 =	vld [tilespmem:s19+$0x0]  }
0xd7: {  	s9 =	sor.u32 $0x12000, s10;
	s8 =	sand.u32 $0x40, s7;
	v3 =	vld [tilespmem:s19+$0xFFFFFFE0];
	v56 =	vshrl.u32 v5, $0xE  }
0xd8: {  	s0 =	simm.s32 $0x70;
	s13 =	sor.u32 s8, s9;
	v7 =	vld.idx.msk [tilespmem:v7+s15+$0x0], $0xffff  }
0xd9: {  	s1 =	sor.u32 s1, s6;
	s11 =	sand.u32 $0x70, s0;
	v22 =	vld [tilespmem:s13+$0x0]  }
0xda: {  	v23 =	vld [tilespmem:s1+$0x0];
	s16 =	sor.u32 s11, s9  }
0xdb: {  	s7 =	simm.s32 $0x60;
	s19 =	simm.s32 $0x50;
	v18 =	vld [tilespmem:s16+$0x0];
	v57 =	vshrl.u32 v9, $0xE  }
0xdc: {  	s7 =	sand.u32 $0x60, s7;
	s12 =	sand.u32 $0x50, s19;
	v2 =	vmax.f32 v2, $0.0e+00;
	v17 =	vld.idx.msk [tilespmem:v56+s3+$0x0], $0xffff  }
0xdd: {  	s19 =	sor.u32 s12, s9;
	s9 =	sor.u32 s7, s9;
	[tilespmem:v14+s25+$0x0] =	vst.idx.add.f32.msk $0xffff, v2;
	v8 =	vadd.f32 v6, v8;
	v59 =	vshrl.u32 v3, $0xE  }
0xde: {  	v60 =	vld [tilespmem:s9+$0x0];
	v2 =	vshrl.u32 v11, $0xE  }
0xdf: {  	v6 =	vand.u32 $0x3FFF, v5;
	v5 =	vmax.f32 v8, $0.0e+00;
	v8 =	vld [tilespmem:s19+$0x0]  }
0xe0: {  	v19 =	vld.idx.msk [tilespmem:v57+s3+$0x0], $0xffff  }
0xe1: {  	[tilespmem:v4+s25+$0x0] =	vst.idx.add.f32.msk $0xffff, v5;
	v17 =	vadd.f32 v18, v17  }
0xe2: {  	v21 =	vld.idx.msk [tilespmem:v59+s3+$0x0], $0xffff  }
0xe3: {  	v4 =	vand.u32 $0x3FFF, v9;
	v20 =	vld.idx.msk [tilespmem:v2+s3+$0x0], $0xffff;
	v5 =	vmax.f32 v17, $0.0e+00  }
0xe4: {  	s16 =	sor.u32 $0x14000, s10;
	v9 =	vadd.f32 v58, v55;
	[tilespmem:v6+s24+$0x0] =	vst.idx.add.f32.msk $0xffff, v5  }
0xe5: {  	v3 =	vand.u32 $0x3FFF, v3;
	s19 =	sor.u32 s11, s16;
	v8 =	vadd.f32 v8, v19;
	v61 =	vld.idx.msk [tilespmem:v56+s15+$0x0], $0xffff  }
0xe6: {  	v9 =	vmax.f32 v9, $0.0e+00;
	v5 =	vand.u32 $0x3FFF, v11;
	v62 =	vld [tilespmem:s19+$0x0]  }
0xe7: {  	[tilespmem:v10+s25+$0x0] =	vst.idx.add.f32.msk $0xffff, v9;
	v11 =	vadd.f32 v22, v21;
	v8 =	vmax.f32 v8, $0.0e+00  }
0xe8: {  	v63 =	vadd.f32 v60, v20;
	[tilespmem:v4+s24+$0x0] =	vst.idx.add.f32.msk $0xffff, v8  }
0xe9: {  	v11 =	vmax.f32 v11, $0.0e+00;
	v9 =	vld.idx.msk [tilespmem:v57+s15+$0x0], $0xffff  }
0xea: {  	v7 =	vadd.f32 v23, v7;
	v8 =	vmax.f32 v63, $0.0e+00;
	[tilespmem:v3+s24+$0x0] =	vst.idx.add.f32.msk $0xffff, v11  }
0xeb: {  	s1 =	simm.s32 $0x4;
	s8 =	sor.u32 s8, s16;
	[tilespmem:v5+s24+$0x0] =	vst.idx.add.f32.msk $0xffff, v8;
	v10 =	vadd.f32 v62, v61  }
0xec: {  	s6 =	sor.u32 s12, s16;
	v7 =	vmax.f32 v7, $0.0e+00;
	s19 =	sor.u32 s7, s16;
	s16 =	simm.s32 $0xC0A0;
	v8 =	vld.idx.msk [tilespmem:v59+s15+$0x0], $0xffff  }
.LBB2_7:
0xed: {  	v11 =	vld [tilespmem:s16+$0x10];
	s1 =	sadd.s32 $0x4, s1;
	v10 =	vmax.f32 v10, $0.0e+00  }
0xee: {  	p1 =	slt.u32 s1, $0x1FC;
	[tilespmem:v6+s25+$0x0] =	vst.idx.add.f32.msk $0xffff, v10  }
0xef: {  	v6 =	vld [tilespmem:s16+$0xFFFFFFF0]  }
0xf0: {  	v10 =	vld [tilespmem:s16+$0x0]  }
0xf1: {  	v12 =	vld [tilespmem:s16+$0xFFFFFFE0]  }
0xf2: {  	v13 =	vshrl.u32 v11, $0xE;
	v14 =	vld.idx.msk [tilespmem:v2+s15+$0x0], $0xffff  }
0xf3: {  	s0 =	sadd.s32 $0x40, s0;
	v15 =	vld [tilespmem:s8+$0x0]  }
0xf4: {  	s9 =	sadd.s32 $0xFFFFFFE0, s0;
	s10 =	sadd.s32 $0xFFFFFFF0, s0;
	s8 =	sadd.s32 $0xFFFFFFD0, s0;
	v16 =	vshrl.u32 v6, $0xE;
	v17 =	vand.u32 $0x3FFF, v6;
	v6 =	vld [tilespmem:s6+$0x0]  }
0xf5: {  	s9 =	sand.u32 $0x50, s9;
	s6 =	sand.u32 $0x40, s8;
	s8 =	sand.u32 $0x1F80, s8;
	v2 =	vshrl.u32 v10, $0xE;
	v10 =	vand.u32 $0x3FFF, v10;
	v18 =	vld [tilespmem:s19+$0x0]  }
0xf6: {  	s12 =	sand.u32 $0x70, s0;
	s10 =	sand.u32 $0x60, s10;
	s11 =	sor.u32 $0x12000, s8;
	v19 =	vshrl.u32 v12, $0xE;
	v12 =	vand.u32 $0x3FFF, v12;
	[tilespmem:v1+s25+$0x0] =	vst.idx.add.f32.msk $0xffff, v7;
	v1 =	vmovc v5;
	v5 =	vmov v10  }
0xf7: {  	s13 =	sor.u32 s6, s11;
	s19 =	sor.u32 s9, s11;
	s7 =	sor.u32 s12, s11;
	v10 =	vld.idx.msk [tilespmem:v13+s3+$0x0], $0xffff  }
0xf8: {  	s11 =	sor.u32 s10, s11;
	v20 =	vld [tilespmem:s7+$0x0];
	v7 =	vadd.f32 v15, v8  }
0xf9: {  	v8 =	vld.idx.msk [tilespmem:v16+s3+$0x0], $0xffff;
	v9 =	vadd.f32 v6, v9  }
0xfa: {  	v15 =	vld.idx.msk [tilespmem:v2+s3+$0x0], $0xffff;
	v21 =	vmax.f32 v7, $0.0e+00;
	v7 =	vadd.f32 v18, v14  }
0xfb: {  	v6 =	vand.u32 $0x3FFF, v11;
	v14 =	vld.idx.msk [tilespmem:v19+s3+$0x0], $0xffff;
	v9 =	vmax.f32 v9, $0.0e+00  }
0xfc: {  	v11 =	vld [tilespmem:s13+$0x0];
	v7 =	vmax.f32 v7, $0.0e+00  }
0xfd: {  	v18 =	vld [tilespmem:s19+$0x0];
	v10 =	vadd.f32 v20, v10  }
0xfe: {  	v20 =	vld [tilespmem:s11+$0x0]  }
0xff: {  	v10 =	vmax.f32 v10, $0.0e+00;
	[tilespmem:v3+s25+$0x0] =	vst.idx.add.f32.msk $0xffff, v21;
	v3 =	vmov v12  }
0x100: {  	s7 =	sor.u32 $0x14000, s8;
	[tilespmem:v6+s24+$0x0] =	vst.idx.add.f32.msk $0xffff, v10  }
0x101: {  	s8 =	sor.u32 s6, s7;
	s6 =	sor.u32 s9, s7;
	s9 =	sor.u32 s12, s7;
	v10 =	vadd.f32 v11, v14;
	v11 =	vld.idx.msk [tilespmem:v13+s15+$0x0], $0xffff  }
0x102: {  	s19 =	sor.u32 s10, s7;
	v8 =	vadd.f32 v18, v8;
	v12 =	vld [tilespmem:s9+$0x0]  }
0x103: {  	v10 =	vmax.f32 v10, $0.0e+00;
	v13 =	vadd.f32 v20, v15;
	[tilespmem:v4+s25+$0x0] =	vst.idx.add.f32.msk $0xffff, v9;
	v4 =	vmov v17  }
.Ltmp4:
0x104: {  	[tilespmem:v3+s24+$0x0] =	vst.idx.add.f32.msk $0xffff, v10;
	v8 =	vmax.f32 v8, $0.0e+00;
	(pc) =	sbr.rel @p1 .LBB2_7-.Ltmp4, $4  }
0x105: {  	[tilespmem:v17+s24+$0x0] =	vst.idx.add.f32.msk $0xffff, v8;
	v8 =	vmax.f32 v13, $0.0e+00  }
0x106: {  	[tilespmem:v5+s24+$0x0] =	vst.idx.add.f32.msk $0xffff, v8  }
0x107: {  	v8 =	vld.idx.msk [tilespmem:v19+s15+$0x0], $0xffff;
	v10 =	vadd.f32 v12, v11  }
0x108: {  	s16 =	sadd.s32 $0x40, s16;
	v9 =	vld.idx.msk [tilespmem:v16+s15+$0x0], $0xffff  }
0x109: {  	_ =	sdelay $0x3  }
0x10a: {  	v2 =	vld.idx.msk [tilespmem:v2+s15+$0x0], $0xffff  }
0x10b: {  	v11 =	vld [tilespmem:s8+$0x0]  }
0x10c: {  	v12 =	vld [tilespmem:s6+$0x0]  }
0x10d: {  	v13 =	vld [tilespmem:s19+$0x0];
	_ =	sdelay $0x2  }
0x10e: {  	v8 =	vadd.f32 v11, v8  }
.Ltmp5:
0x10f: {  	v10 =	vmax.f32 v10, $0.0e+00;
	[tilespmem:v1+s25+$0x0] =	vst.idx.add.f32.msk $0xffff, v7;
	v63 =	vadd.f32 v12, v9;
	(pc) =	sbr.rel @p0 .LBB2_10-.Ltmp5, $4  }
0x110: {  	[tilespmem:v6+s25+$0x0] =	vst.idx.add.f32.msk $0xffff, v10;
	v2 =	vadd.f32 v13, v2;
	v1 =	vmax.f32 v8, $0.0e+00  }
0x111: {  	v6 =	vmax.f32 v63, $0.0e+00;
	[tilespmem:v3+s25+$0x0] =	vst.idx.add.f32.msk $0xffff, v1  }
0x112: {  	v1 =	vmax.f32 v2, $0.0e+00;
	[tilespmem:v4+s25+$0x0] =	vst.idx.add.f32.msk $0xffff, v6  }
0x113: {  	[tilespmem:v5+s25+$0x0] =	vst.idx.add.f32.msk $0xffff, v1  }
0x114: {  	s0 =	sadd.s32 $0x3, s31  }
0x115: {  	s1 =	sshll.u32 s0, $0xA;
	s0 =	sshll.u32 s0, $0xD  }
.Ltmp6:
0x116: {  	s1 =	sadd.s32 s2, s1;
	s0 =	sadd.s32 s5, s0;
	(pc) =	sbr.rel .LBB2_4-.Ltmp6, $4  }
0x117: {  	[tilespmem:s20], [sflag:$0x2] =	stream.linear.gather [hbm4b:s1+s3], $0x2000, $0x38;
	[tilespmem:$0x16000] =	vst v63  }
0x118: {  	s0 =	sshrl.u32 s0, $0x3  }
0x119: {  	s30 =	sadd.s32 $0x1, s30;
	s0 =	sadd.s32 s4, s0  }
0x11a: {  	[tilespmem:s21], [sflag:$0x4] =	stream.strided.gather [hbm4b:s0+s17], $0x4000, s18, s17, $0x38;
	[tilespmem:$0x16000] =	vst v63  }
.LBB2_11:
0x11b: {  	_ =	sfence.sel $0x180000  }
0x11c: {  	[bflag:$0x0] =	sbarrier.arrive $0xFFFF  }
0x11d: {  	_ =	strace $0x9000004A  }
0x11e: {  	s0 =	stileid.u32;
	[bflag:$0x2] =	sbarrier.arrive $0xFFFF  }
0x11f: {  	p0 =	sne.s32 s0, $0x0;
	s0 =	rddreg [dreg:$0x2]  }
0x120: {  	s0 =	sadd.s32 @!p0 $0x100000, s0  }
0x121: {  	[sflag:s0] =	ssyncadd.tile.s32 @!p0 $0x1;
	_ =	shalt  }
.Lfunc_end2:
_tile_overlayer_lowered:
.L_overlay_start_2:
0x122: {  	(tag) =	ssettag $0x2  }
0x123: {  	s0 =	rddreg [dreg:$0x0];
	s2 =	stileid.u32  }
0x124: {  	s1 =	rddreg [dreg:$0x1];
	p0 =	sne.s32 s2, $0x0  }
0x125: {  	s3 =	rddreg [dreg:$0x2];
	[bflag:$0x3] =	sbarrier.arrive $0xFFFF;
	s2 =	simm.s32 @!p0 $0x1C05  }
0x126: {  	[timem:s3], [sflag:s2] =	dma.local @!p0 [hbm:s0], s1  }
0x127: {  	s0 =	simm.s32 @!p0 $0x5  }
0x128: {  	_ =	swait.ge @!p0 [sflag:s0], s1  }
0x129: {  	s1 =	ssub.s32 @!p0 $0x0, s1;
	[sflag:s0] =	ssyncset.done @!p0 $0x0  }
0x12a: {  	[sflag:s0] =	ssyncadd.s32 @!p0 s1  }
0x12b: {  	[bflag:$0x3] =	sbarrier.arrive $0xFFFF  }
0x12c: {  	_ =	shalt  }

// kernel: kernel.16.cloned.1.call-start
scs
__scs_entry_jumppad:
0x0: {  	(pc) =	sbr.rel $0x88, $3  }
0x1: {  	(tag) =	ssettag $0x0;
	lr =	simm.s32 $0x1  }
0x2: {  	[smem:$0x3F93] =	sst lr;
	_ =	strace $0xD0000000  }
0x3: {  	_ = 	snop  }
0x4: {  	_ = 	snop  }
0x5: {  	_ = 	snop  }
0x6: {  	_ = 	snop  }
0x7: {  	_ = 	snop  }
__scs_overlays_trampoline_lowered:
0x8: {  	[smem:$0x3FA2] =	sst s0  }
0x9: {  	[smem:$0x3FA3] =	sst s1  }
0xa: {  	[smem:$0x3FA4] =	sst s2  }
0xb: {  	[smem:$0x3FA5] =	sst s3  }
0xc: {  	[smem:$0x3FA6] =	sst s4  }
0xd: {  	[smem:$0x3FA7] =	sst s5  }
0xe: {  	[smem:$0x3FA8] =	sst s6  }
0xf: {  	[smem:$0x3FA9] =	sst s7  }
0x10: {  	[smem:$0x3FAA] =	sst s8  }
0x11: {  	[smem:$0x3FAB] =	sst s9;
	s0 =	simm.s32 @!p0 $0x0  }
0x12: {  	s1 =	sld [smem:$0x3F91];
	s0 =	simm.s32 @p0 $0x1  }
0x13: {  	[smem:$0x3FAC] =	sst s0;
	s0 =	simm.s32 @!p1 $0x0  }
0x14: {  	s2 =	sld [smem:$0x3F90];
	s0 =	simm.s32 @p1 $0x1  }
0x15: {  	[smem:$0x3FAD] =	sst s0;
	s0 =	simm.s32 @!p2 $0x0  }
0x16: {  	s3 =	sld [smem:$0x3FDB];
	s0 =	simm.s32 @p2 $0x1  }
0x17: {  	s4 =	simm.s32 $0x1BF5;
	[smem:$0x3FAF] =	sst s0  }
0x18: {  	s0 =	sld [smem:$0x3F92];
	_ =	swait.ge [sflag:s4], $0x0  }
0x19: {  	s7 =	sld [smem:$0x3F93]  }
0x1a: {  	s8 =	sadd.s32 $0xFFFFE003, lr  }
0x1b: {  	s9 =	sadd.s32 $0xFFFFFEF7, lr;
	s5 =	simm.s32 $0xFFFFFFFF;
	p2 =	slt.u32 s8, $0xFFFFF086  }
0x1c: {  	p1 =	slt.u32 s9, $0xF7A;
	s5 =	simm.s32 @!p2 $0x0  }
0x1d: {  	s5 =	simm.s32 @p1 $0x1;
	p0 =	seq.s32 s7, s2  }
0x1e: {  	s7 =	smul.u32 @!p0 $0xF7A, s2;
	p2 =	seq.s32 @!p0 s5, $0x0  }
0x1f: {  	s9 =	smul.u32 $0xF7A, s1;
	s8 =	simm.s32 @!p0 $0x1BF5;
	p2 =	por !p2, p0  }
0x20: {  	[sflag:s8] =	ssyncset.s32 @!p0 $0xFFFFF086;
	s6 =	sadd.s32 @!p0 s3, s7;
	s7 =	simm.s32 @!p0 $0x108  }
0x21: {  	s3 =	sadd.s32 s3, s9;
	s6 =	sadd.s32 @!p0 $0x88, s6;
	s7 =	simm.s32 @p2 $0x1082  }
0x22: {  	[simem:s7], [sflag:s8] =	dma.local @!p0 [hbm:s6], $0xF7A  }
0x23: {  	s9 =	sor.u32 $0xD0000000, s2;
	s6 =	simm.s32 $0x108;
	_ =	swait.ge @!p0 [sflag:s8], $0x0  }
0x24: {  	s3 =	sadd.s32 $0x88, s3;
	s6 =	simm.s32 @!p1 $0x1082;
	[sflag:s4] =	ssyncset.s32 $0xFFFFF086  }
0x25: {  	[simem:s6], [sflag:s4] =	dma.local [hbm:s3], $0xF7A  }
0x26: {  	[smem:$0x3F93] =	sst s1;
	(tag) =	ssettag s2;
	_ =	strace s9  }
0x27: {  	s1 =	sld [smem:$0x3FA3]  }
0x28: {  	s2 =	sld [smem:$0x3FA4]  }
0x29: {  	s4 =	sld [smem:$0x3FA6]  }
0x2a: {  	p0 =	seq.s32 s5, $0x0;
	s5 =	sld [smem:$0x3FA7]  }
0x2b: {  	s6 =	sld [smem:$0x3FA8]  }
0x2c: {  	s7 =	sld [smem:$0x3FA9]  }
0x2d: {  	s3 =	simm.s32 $0x108;
	s8 =	sld [smem:$0x3FAA]  }
0x2e: {  	s3 =	simm.s32 @!p0 $0x1082;
	s9 =	sld [smem:$0x3FAB]  }
0x2f: {  	lr =	sadd.s32 s0, s3;
	s0 =	sld [smem:$0x3FA2]  }
0x30: {  	s3 =	sld [smem:$0x3FA5]  }
0x31: {  	[smem:$0x3FAE] =	sst s10  }
0x32: {  	s10 =	sld [smem:$0x3FAC];
	_ =	sdelay $0x3  }
0x33: {  	p0 =	seq.s32 s10, $0x1;
	s10 =	sld [smem:$0x3FAE];
	_ =	sdelay $0x3  }
0x34: {  	[smem:$0x3FAE] =	sst s10  }
0x35: {  	s10 =	sld [smem:$0x3FAD];
	_ =	sdelay $0x3  }
0x36: {  	p1 =	seq.s32 s10, $0x1;
	s10 =	sld [smem:$0x3FAE];
	_ =	sdelay $0x3  }
0x37: {  	[smem:$0x3FAE] =	sst s10  }
0x38: {  	s10 =	sld [smem:$0x3FAF]  }
0x39: {  	_ = 	snop;
	(pc) =	sbr.ind lr, $3  }
0x3a: {  	_ = 	snop  }
0x3b: {  	_ = 	snop  }
0x3c: {  	p2 =	seq.s32 s10, $0x1;
	s10 =	sld [smem:$0x3FAE]  }
0x3d: {  	_ =	shalt  }
0x3e: {  	_ =	shalt  }
0x3f: {  	_ =	shalt  }
0x40: {  	_ =	shalt  }
0x41: {  	_ =	shalt  }
0x42: {  	_ =	shalt  }
0x43: {  	_ =	shalt  }
0x44: {  	_ =	shalt  }
0x45: {  	_ =	shalt  }
0x46: {  	_ =	shalt  }
0x47: {  	_ =	shalt  }
0x48: {  	_ =	shalt  }
0x49: {  	_ =	shalt  }
0x4a: {  	_ =	shalt  }
0x4b: {  	_ =	shalt  }
0x4c: {  	_ =	shalt  }
0x4d: {  	_ =	shalt  }
0x4e: {  	_ =	shalt  }
0x4f: {  	_ =	shalt  }
0x50: {  	_ =	shalt  }
0x51: {  	_ =	shalt  }
0x52: {  	_ =	shalt  }
0x53: {  	_ =	shalt  }
0x54: {  	_ =	shalt  }
0x55: {  	_ =	shalt  }
0x56: {  	_ =	shalt  }
0x57: {  	_ =	shalt  }
0x58: {  	_ =	shalt  }
0x59: {  	_ =	shalt  }
0x5a: {  	_ =	shalt  }
0x5b: {  	_ =	shalt  }
0x5c: {  	_ =	shalt  }
0x5d: {  	_ =	shalt  }
0x5e: {  	_ =	shalt  }
0x5f: {  	_ =	shalt  }
0x60: {  	_ =	shalt  }
0x61: {  	_ =	shalt  }
0x62: {  	_ =	shalt  }
0x63: {  	_ =	shalt  }
0x64: {  	_ =	shalt  }
0x65: {  	_ =	shalt  }
0x66: {  	_ =	shalt  }
0x67: {  	_ =	shalt  }
0x68: {  	_ =	shalt  }
0x69: {  	_ =	shalt  }
0x6a: {  	_ =	shalt  }
0x6b: {  	_ =	shalt  }
0x6c: {  	_ =	shalt  }
0x6d: {  	_ =	shalt  }
0x6e: {  	_ =	shalt  }
0x6f: {  	_ =	shalt  }
0x70: {  	_ =	shalt  }
0x71: {  	_ =	shalt  }
0x72: {  	_ =	shalt  }
0x73: {  	_ =	shalt  }
0x74: {  	_ =	shalt  }
0x75: {  	_ =	shalt  }
0x76: {  	_ =	shalt  }
0x77: {  	_ =	shalt  }
0x78: {  	_ =	shalt  }
0x79: {  	_ =	shalt  }
0x7a: {  	_ =	shalt  }
0x7b: {  	_ =	shalt  }
0x7c: {  	_ =	shalt  }
0x7d: {  	_ =	shalt  }
0x7e: {  	_ =	shalt  }
0x7f: {  	_ =	shalt  }
0x80: {  	_ =	shalt  }
0x81: {  	_ =	shalt  }
0x82: {  	_ =	shalt  }
0x83: {  	_ =	shalt  }
0x84: {  	_ =	shalt  }
0x85: {  	_ =	shalt  }
0x86: {  	_ =	shalt  }
0x87: {  	_ =	shalt  }
.Lfunc_end0:
.L_simem_size_0:
called_computation.2_lowered:
.L_overlay_start_0:
0x88: {  	s2 =	sld [smem:$0x3FD9]  }
0x89: {  	s3 =	sld [smem:$0x3FFE];
	_ =	sdelay $0x1  }
0x8a: {  	s1 =	srdreg.scid  }
0x8b: {  	s0 =	sand.u32 $0x1, s1  }
0x8c: {  	s14 =	sshll.u32 s0, $0xA;
	s2 =	sadd.s32 s3, s2  }
0x8d: {  	s2 =	sadd.s32 s2, s14  }
0x8e: {  	[smem:$0x3FBA] =	sst s2  }
0x8f: {  	_ = 	snop  }
0x90: {  	s2 =	sld [smem:$0x3FD0];
	_ =	sdelay $0x2  }
0x91: {  	s15 =	simm.s32 $0xA;
	s4 =	simm.s32 $0x10  }
0x92: {  	[smem:s4], [sflag:s15] =	dma.local [hbm:s2], $0x1  }
0x93: {  	_ =	swait.eq [sflag:s15], $0x1  }
0x94: {  	[sflag:s15] =	ssyncset.done $0x0  }
0x95: {  	[sflag:s15] =	ssyncadd.s32 $0xFFFFFFFF  }
0x96: {  	s16 =	sld [smem:$0x10];
	(tm) =	ssettm $0x1  }
0x97: {  	s17 =	sld [smem:$0x3FFB];
	_ =	sdelay $0x3  }
0x98: {  	_ =	strace s17  }
0x99: {  	s3 =	sld [smem:$0x3FFC];
	_ =	sdelay $0x3  }
0x9a: {  	_ =	strace s3  }
0x9b: {  	s3 =	sld [smem:$0x3FFD];
	_ =	sdelay $0x3  }
0x9c: {  	_ =	strace s3  }
0x9d: {  	_ =	strace $0x8FFFFFFF  }
0x9e: {  	s18 =	sld [smem:$0x3FDB];
	_ =	sdelay $0x1  }
0x9f: {  	s19 =	simm.s32 $_scs_section_size  }
0xa0: {  	s5 =	simm.s32 $_size__tile_overlayer_lowered;
	s6 =	simm.s32 $_tile_overlayer_lowered  }
0xa1: {  	s22 =	simm.s32 $0x1BFF;
	s21 =	sshll.u32 s6, $0x1;
	s3 =	sadd.s32 s19, s18  }
0xa2: {  	s7 =	simm.s32 $0x0;
	s20 =	sshll.u32 s5, $0x1;
	s5 =	sadd.s32 s21, s3  }
0xa3: {  	[timem:s7], [sflag:s22] =	dma.local [hbm:s5], s20  }
0xa4: {  	_ =	swait.ge [sflag:s22], s20  }
0xa5: {  	s4 =	ssub.s32 $0x0, s20;
	[sflag:s22] =	ssyncset.done $0x0  }
0xa6: {  	[sflag:s22] =	ssyncadd.s32 s4;
	_ =	sdelay $0x1  }
0xa7: {  	s23 =	simm.s32 $0x1B8B  }
0xa8: {  	_ =	swait.ge [sflag:s23], $0x1  }
0xa9: {  	[sflag:s23] =	ssyncset.done $0x0  }
0xaa: {  	s25 =	simm.s32 $0x1B8E;
	s24 =	sld [smem:$0x3FFE];
	[sflag:s23] =	ssyncadd.s32 $0xFFFFFFFF  }
0xab: {  	s26 =	simm.s32 $execute0_lowered;
	[smem:$0x3FD2] =	sst s25  }
0xac: {  	s5 =	sshll.u32 s26, $0x1;
	_ =	strace $0x8000004C;
	[dreg:$0x1] =	wrdreg $0xFFFFFFFF  }
0xad: {  	s28 =	simm.s32 $_size_execute0_lowered;
	s3 =	sadd.s32 s3, s5;
	[dreg:$0x0] =	wrdreg $0x0  }
0xae: {  	s5 =	sshll.u32 s28, $0x1;
	[dreg:$0x2] =	wrdreg s3  }
0xaf: {  	[dreg:$0x3] =	wrdreg s5  }
0xb0: {  	[dreg:$0x4] =	wrdreg $0xC0  }
0xb1: {  	_ =	task [dreg:s7], $0x5FFFF  }
0xb2: {  	[dreg:$0x1] =	wrdreg $0xFFFFFFFF  }
0xb3: {  	[dreg:$0x0] =	wrdreg $0x60  }
0xb4: {  	[dreg:$0x2] =	wrdreg s24  }
0xb5: {  	[dreg:$0x3] =	wrdreg s16  }
0xb6: {  	[dreg:$0x4] =	wrdreg $0x9  }
0xb7: {  	_ =	task.clear_ibuf [dreg:s7], $0x5FFFF;
	_ =	strace $0x9000004C  }
0xb8: {  	s29 =	simm.s32 $0x9;
	_ =	strace $0x8000004E  }
0xb9: {  	_ =	swait.ge [sflag:s29], $0x1  }
0xba: {  	[sflag:s29] =	ssyncadd.s32 $0xFFFFFFFF  }
0xbb: {  	_ =	strace $0x9000004E  }
0xbc: {  	_ =	sfence  }
0xbd: {  	s30 =	sld [smem:$0x0];
	_ =	sdelay $0x2  }
0xbe: {  	s31 =	sshll.u32 s1, $0xD;
	s1 =	sshrl.u32 s1, $0x2  }
0xbf: {  	s3 =	sand.u32 $0x4000, s31;
	s1 =	sadd.s32 s1, s30  }
0xc0: {  	s0 =	sor.u32 s3, s0;
	s1 =	sshll.u32 s1, $0x11  }
0xc1: {  	s0 =	sor.u32 s1, s0  }
0xc2: {  	s0 =	sadd.s32 $0x8F2B, s0  }
0xc3: {  	[sflag:s0] =	ssyncadd.remote.s32 $0x1  }
0xc4: {  	_ =	sfence.sel $0xFFFF  }
0xc5: {  	[dreg:$0x0] =	wrdreg $0xFFFFFFFF;
	(pc) =	sbr.abs _section_cstart, $3  }
0xc6: {  	[dreg:$0x1] =	wrdreg $0xFFFFFFFF  }
0xc7: {  	_ =	task.clear_ibuf [dreg:s7], $0x2FFFF;
	_ =	strace $0x9FFFFFFF  }
0xc8: {  	(tm) =	ssettm $0x7FFFFFFF  }
0xc9: {  	_ =	shalt  }
tec
execute0_lowered:
.L_overlay_start_1:
0x0: {  	(tag) =	ssettag $0x1  }
0x1: {  	s0 =	rddreg [dreg:$0x0]  }
0x2: {  	s2 =	rddreg [dreg:$0x1];
	s3 =	simm.s32 $0x0;
	s1 =	srdreg.scid  }
0x3: {  	s4 =	stileid.u32;
	s14 =	simm.s32 $0x5;
	s15 =	simm.s32 $0x2800  }
0x4: {  	s17 =	simm.s32 $0x2000;
	s18 =	simm.s32 $0x50000;
	s20 =	simm.s32 $0xC000  }
0x5: {  	s21 =	simm.s32 $0x12000;
	s1 =	sand.u32 $0x1, s1;
	s4 =	sshll.u32 s4, $0x1  }
0x6: {  	s22 =	simm.s32 $0x1;
	s23 =	simm.s32 $0x3;
	s6 =	sor.u32 s1, s4  }
0x7: {  	[smem:$0x7FF] =	sst s3;
	s8 =	sadd.s32 $0x284400, s0;
	s7 =	smul.u32 $0x5000, s6  }
0x8: {  	s30 =	sadd.s32 $0x400, s2;
	_ =	strace $0x8000004D;
	s5 =	smul.u32 $0xA0000, s6  }
0x9: {  	s4 =	sadd.s32 $0x4400, s0;
	s1 =	ssub.s32 $0x2, s1;
	s6 =	smul.u32 $0xA00, s6  }
0xa: {  	s0 =	sadd.s32 $0x298400, s0;
	[dreg:$0x6] =	wrdreg s30;
	s9 =	sshrl.u32 s1, $0x1  }
0xb: {  	s1 =	ssub.s32 s1, s9;
	s7 =	sshrl.u32 s7, $0x3;
	s10 =	sadd.s32 s8, s6  }
0xc: {  	s25 =	sshrl.u32 s5, $0x3;
	s6 =	sadd.s32 s0, s6;
	[dreg:$0x3] =	wrdreg s10  }
0xd: {  	s31 =	smax.u32 s1, $0x1;
	s12 =	sadd.s32 $0x500, s7;
	[dreg:$0x8] =	wrdreg s6  }
.Ltmp0:
0xe: {  	s26 =	sadd.s32 s4, s25;
	[dreg:$0xa] =	wrdreg s31;
	(pc) =	sbr.rel .LBB2_1-.Ltmp0, $4  }
0xf: {  	s24 =	simm.s32 $0x5000;
	s8 =	sadd.s32 s8, s12;
	[dreg:$0x4] =	wrdreg s26  }
0x10: {  	s28 =	simm.s32 $0x4;
	s7 =	sadd.s32 $0x400, s26;
	[dreg:$0x5] =	wrdreg s8  }
0x11: {  	s29 =	simm.s32 $0x0;
	s0 =	sadd.s32 s0, s12;
	[dreg:$0x7] =	wrdreg s7  }
0x12: {  	v0 =	vimm.f32 $0.0e+00;
	s25 =	simm.s32 $0x7800;
	s26 =	simm.s32 $0x2;
	[dreg:$0x9] =	wrdreg s0  }
.LBB2_10:
0x13: {  	[bflag:$0x0] =	sbarrier.arrive $0xFFFF  }
0x14: {  	s0 =	rddreg [dreg:$0x8]  }
0x15: {  	[hbm4b:s0+s3] =	stream.linear.scatter [tilespmem:s24], [sflag:$0x5], $0x2800, $0x38;
	[tilespmem:$0x16000] =	vst v63  }
0x16: {  	_ =	swait.ge [sflag:s14], $0x2800  }
0x17: {  	[sflag:s14] =	ssyncset.done $0x0  }
0x18: {  	s30 =	rddreg [dreg:$0x9];
	[sflag:s14] =	ssyncadd.s32 $0xFFFFD800  }
0x19: {  	[hbm4b:s30+s3] =	stream.linear.scatter [tilespmem:s25], [sflag:$0x5], $0x2800, $0x38;
	[tilespmem:$0x16000] =	vst v63  }
0x1a: {  	_ =	swait.ge [sflag:s14], $0x2800  }
0x1b: {  	s29 =	sadd.s32 $0x1, s29;
	s31 =	rddreg [dreg:$0xa]  }
0x1c: {  	p0 =	sne.s32 s29, s31  }
.Ltmp1:
0x1d: {  	_ = 	snop;
	(pc) =	sbr.rel @!p0 .LBB2_11-.Ltmp1, $3  }
0x1e: {  	_ =	sdelay $0x1  }
0x1f: {  	[sflag:s14] =	ssyncset.done $0x0  }
0x20: {  	[sflag:s14] =	ssyncadd.s32 $0xFFFFD800  }
.LBB2_1:
0x21: {  	s0 =	rddreg [dreg:$0x3]  }
0x22: {  	[tilespmem:s3], [sflag:$0x5] =	stream.linear.gather [hbm4b:s0+s3], $0x2800, $0x38;
	[tilespmem:$0x16000] =	vst v63  }
0x23: {  	_ =	swait.ge [sflag:s14], $0x2800  }
0x24: {  	[sflag:s14] =	ssyncset.done $0x0  }
0x25: {  	s31 =	rddreg [dreg:$0x5];
	[sflag:s14] =	ssyncadd.s32 $0xFFFFD800  }
0x26: {  	[tilespmem:s15], [sflag:$0x5] =	stream.linear.gather [hbm4b:s31+s3], $0x2800, $0x38;
	[tilespmem:$0x16000] =	vst v63  }
0x27: {  	_ =	swait.ge [sflag:s14], $0x2800  }
0x28: {  	[sflag:s14] =	ssyncset.done $0x0  }
0x29: {  	s1 =	simm.s32 $0x5040;
	[sflag:s14] =	ssyncadd.s32 $0xFFFFD800  }
0x2a: {  	s0 =	simm.s32 $0x7840;
	[tilespmem:s1+$0xFFFFFFC0] =	vst v0  }
0x2b: {  	[tilespmem:s0+$0xFFFFFFC0] =	vst v0  }
0x2c: {  	[tilespmem:s1+$0xFFFFFFD0] =	vst v0  }
0x2d: {  	[tilespmem:s0+$0xFFFFFFD0] =	vst v0  }
0x2e: {  	[tilespmem:s1+$0xFFFFFFE0] =	vst v0  }
0x2f: {  	[tilespmem:s0+$0xFFFFFFE0] =	vst v0  }
0x30: {  	[tilespmem:s1+$0xFFFFFFF0] =	vst v0  }
0x31: {  	[tilespmem:s0+$0xFFFFFFF0] =	vst v0  }
0x32: {  	[tilespmem:s1+$0x0] =	vst v0  }
0x33: {  	[tilespmem:s0+$0x0] =	vst v0  }
0x34: {  	[tilespmem:s1+$0x10] =	vst v0  }
0x35: {  	[tilespmem:s0+$0x10] =	vst v0  }
0x36: {  	[tilespmem:s1+$0x20] =	vst v0  }
0x37: {  	[tilespmem:s0+$0x20] =	vst v0  }
0x38: {  	[tilespmem:s1+$0x30] =	vst v0  }
0x39: {  	s6 =	simm.s32 $0x50C0;
	s1 =	simm.s32 $0x0;
	[tilespmem:s0+$0x30] =	vst v0  }
.LBB2_2:
0x3a: {  	[tilespmem:s6+$0xFFFFFFC0] =	vst v0;
	s0 =	sadd.s32 $0x80, s0  }
0x3b: {  	[tilespmem:s0+$0xFFFFFFC0] =	vst v0  }
0x3c: {  	[tilespmem:s6+$0xFFFFFFD0] =	vst v0  }
0x3d: {  	[tilespmem:s0+$0xFFFFFFD0] =	vst v0  }
0x3e: {  	[tilespmem:s6+$0xFFFFFFE0] =	vst v0  }
0x3f: {  	[tilespmem:s0+$0xFFFFFFE0] =	vst v0  }
0x40: {  	[tilespmem:s6+$0xFFFFFFF0] =	vst v0  }
0x41: {  	[tilespmem:s0+$0xFFFFFFF0] =	vst v0  }
0x42: {  	[tilespmem:s6+$0x0] =	vst v0  }
0x43: {  	s1 =	sadd.s32 $0x8, s1;
	[tilespmem:s0+$0x0] =	vst v0  }
0x44: {  	p0 =	slt.u32 s1, $0x278;
	[tilespmem:s6+$0x10] =	vst v0  }
.Ltmp2:
0x45: {  	[tilespmem:s0+$0x10] =	vst v0;
	(pc) =	sbr.rel @p0 .LBB2_2-.Ltmp2, $4  }
0x46: {  	[tilespmem:s6+$0x20] =	vst v0  }
0x47: {  	[tilespmem:s0+$0x20] =	vst v0  }
0x48: {  	[tilespmem:s6+$0x30] =	vst v0  }
0x49: {  	s6 =	sadd.s32 $0x80, s6;
	[tilespmem:s0+$0x30] =	vst v0  }
0x4a: {  	s30 =	simm.s32 $0x0;
	s0 =	simm.s32 $0xA000  }
0x4b: {  	[tilespmem:s0], [sflag:$0x1] =	stream.linear.gather [hbm4b:s2+s30], $0x2000, $0x38;
	[tilespmem:$0x16000] =	vst v63  }
0x4c: {  	s16 =	rddreg [dreg:$0x4];
	s1 =	simm.s32 $0xE000  }
0x4d: {  	[tilespmem:s1], [sflag:$0x3] =	stream.strided.gather [hbm4b:s16+s17], $0x4000, s18, s17, $0x38;
	[tilespmem:$0x16000] =	vst v63  }
0x4e: {  	s19 =	rddreg [dreg:$0x6]  }
0x4f: {  	[tilespmem:s20], [sflag:$0x2] =	stream.linear.gather [hbm4b:s19+s30], $0x2000, $0x38;
	[tilespmem:$0x16000] =	vst v63  }
0x50: {  	s31 =	rddreg [dreg:$0x7]  }
0x51: {  	[tilespmem:s21], [sflag:$0x4] =	stream.strided.gather [hbm4b:s31+s17], $0x4000, s18, s17, $0x38;
	[tilespmem:$0x16000] =	vst v63  }
.LBB2_4:
0x52: {  	_ =	swait.ge [sflag:s22], $0x2000  }
0x53: {  	[sflag:s22] =	ssyncset.done $0x0  }
0x54: {  	[sflag:s22] =	ssyncadd.s32 $0xFFFFE000  }
0x55: {  	_ =	swait.ge [sflag:s23], $0x4000  }
0x56: {  	[sflag:s23] =	ssyncset.done $0x0  }
0x57: {  	s0 =	simm.s32 $0xA020;
	[sflag:s23] =	ssyncadd.s32 $0xFFFFC000  }
0x58: {  	v1 =	vld [tilespmem:s0+$0x10];
	_ =	sdelay $0x2  }
0x59: {  	v4 =	vld [tilespmem:s0+$0xFFFFFFE0]  }
0x5a: {  	v2 =	vld [tilespmem:s0+$0xFFFFFFF0]  }
0x5b: {  	s12 =	simm.s32 $0x0;
	v5 =	vshrl.u32 v1, $0xE  }
0x5c: {  	s1 =	simm.s32 $0x30;
	s6 =	sand.u32 $0x1F80, s12;
	v3 =	vld [tilespmem:s0+$0x0]  }
0x5d: {  	s1 =	sand.u32 $0x70, s1;
	s8 =	sor.u32 $0xE000, s6  }
0x5e: {  	s16 =	sor.u32 s1, s8;
	v8 =	vshrl.u32 v4, $0xE  }
0x5f: {  	s13 =	simm.s32 $0x10;
	s19 =	sand.u32 $0x40, s12;
	v10 =	vld [tilespmem:s16+$0x0];
	v6 =	vshrl.u32 v2, $0xE  }
0x60: {  	s31 =	sor.u32 s19, s8;
	s16 =	sand.u32 $0x50, s13;
	v9 =	vld.idx.msk [tilespmem:v5+s3+$0x0], $0xffff  }
0x61: {  	v15 =	vld [tilespmem:s31+$0x0];
	s9 =	sor.u32 s16, s8;
	v7 =	vshrl.u32 v3, $0xE  }
0x62: {  	v16 =	vld [tilespmem:s9+$0x0]  }
0x63: {  	v14 =	vand.u32 $0x3FFF, v1;
	v13 =	vld.idx.msk [tilespmem:v8+s3+$0x0], $0xffff  }
0x64: {  	s7 =	simm.s32 $0x20;
	v11 =	vld.idx.msk [tilespmem:v6+s3+$0x0], $0xffff  }
0x65: {  	s0 =	sand.u32 $0x60, s7;
	v1 =	vadd.f32 v10, v9  }
0x66: {  	s8 =	sor.u32 s0, s8;
	v4 =	vand.u32 $0x3FFF, v4;
	v12 =	vld.idx.msk [tilespmem:v7+s3+$0x0], $0xffff  }
0x67: {  	v9 =	vld [tilespmem:s8+$0x0];
	v10 =	vand.u32 $0x3FFF, v2;
	v2 =	vmax.f32 v1, $0.0e+00  }
0x68: {  	s6 =	sor.u32 $0x10000, s6;
	[tilespmem:v14+s24+$0x0] =	vst.idx.add.f32.msk $0xffff, v2;
	v2 =	vadd.f32 v15, v13  }
0x69: {  	s1 =	sor.u32 s1, s6;
	v1 =	vand.u32 $0x3FFF, v3;
	v3 =	vld.idx.msk [tilespmem:v5+s15+$0x0], $0xffff;
	v5 =	vadd.f32 v16, v11  }
0x6a: {  	v11 =	vld [tilespmem:s1+$0x0];
	v2 =	vmax.f32 v2, $0.0e+00  }
0x6b: {  	[tilespmem:v4+s24+$0x0] =	vst.idx.add.f32.msk $0xffff, v2;
	v2 =	vmax.f32 v5, $0.0e+00  }
0x6c: {  	v9 =	vadd.f32 v9, v12;
	[tilespmem:v10+s24+$0x0] =	vst.idx.add.f32.msk $0xffff, v2  }
0x6d: {  	s8 =	simm.s32 $0xA060;
	v5 =	vld.idx.msk [tilespmem:v8+s15+$0x0], $0xffff  }
0x6e: {  	s10 =	simm.s32 $0x40;
	v2 =	vmax.f32 v9, $0.0e+00;
	v8 =	vld [tilespmem:s8+$0xFFFFFFF0]  }
0x6f: {  	s12 =	simm.s32 $0x50;
	s31 =	simm.s32 $0x70;
	s1 =	sand.u32 $0x1F80, s10;
	[tilespmem:v1+s24+$0x0] =	vst.idx.add.f32.msk $0xffff, v2  }
0x70: {  	s13 =	sor.u32 s16, s6;
	s7 =	sand.u32 $0x70, s31;
	s16 =	sor.u32 $0xE000, s1;
	v2 =	vld [tilespmem:s8+$0x10]  }
0x71: {  	s9 =	sor.u32 s19, s6;
	s19 =	sand.u32 $0x50, s12;
	s11 =	sor.u32 s7, s16;
	v9 =	vld [tilespmem:s8+$0x0]  }
0x72: {  	s12 =	sor.u32 s19, s16;
	v18 =	vld [tilespmem:s11+$0x0]  }
0x73: {  	v23 =	vld [tilespmem:s12+$0x0]  }
0x74: {  	v54 =	vld.idx.msk [tilespmem:v6+s15+$0x0], $0xffff  }
0x75: {  	v3 =	vadd.f32 v11, v3;
	v11 =	vld [tilespmem:s8+$0xFFFFFFE0];
	v55 =	vshrl.u32 v2, $0xE  }
0x76: {  	v6 =	vld [tilespmem:s9+$0x0]  }
0x77: {  	v57 =	vld [tilespmem:s13+$0x0]  }
0x78: {  	s0 =	sor.u32 s0, s6;
	s11 =	simm.s32 $0x60;
	v7 =	vld.idx.msk [tilespmem:v7+s15+$0x0], $0xffff  }
0x79: {  	s13 =	sand.u32 $0x60, s11;
	v60 =	vld [tilespmem:s0+$0x0];
	v56 =	vshrl.u32 v8, $0xE  }
0x7a: {  	s9 =	sor.u32 s13, s16;
	v58 =	vshrl.u32 v11, $0xE;
	v17 =	vld.idx.msk [tilespmem:v55+s3+$0x0], $0xffff  }
0x7b: {  	s8 =	sand.u32 $0x40, s10;
	v59 =	vld [tilespmem:s9+$0x0];
	v3 =	vmax.f32 v3, $0.0e+00  }
0x7c: {  	s10 =	sor.u32 s8, s16;
	[tilespmem:v14+s25+$0x0] =	vst.idx.add.f32.msk $0xffff, v3;
	v3 =	vshrl.u32 v9, $0xE  }
0x7d: {  	v22 =	vld [tilespmem:s10+$0x0];
	v5 =	vadd.f32 v6, v5;
	v6 =	vand.u32 $0x3FFF, v2  }
0x7e: {  	v19 =	vld.idx.msk [tilespmem:v56+s3+$0x0], $0xffff  }
0x7f: {  	v2 =	vmax.f32 v5, $0.0e+00;
	v21 =	vld.idx.msk [tilespmem:v58+s3+$0x0], $0xffff;
	v5 =	vadd.f32 v18, v17  }
0x80: {  	[tilespmem:v4+s25+$0x0] =	vst.idx.add.f32.msk $0xffff, v2  }
0x81: {  	v2 =	vand.u32 $0x3FFF, v8;
	v20 =	vld.idx.msk [tilespmem:v3+s3+$0x0], $0xffff;
	v5 =	vmax.f32 v5, $0.0e+00  }
0x82: {  	s1 =	sor.u32 $0x10000, s1;
	v4 =	vand.u32 $0x3FFF, v11;
	v8 =	vadd.f32 v57, v54;
	[tilespmem:v6+s24+$0x0] =	vst.idx.add.f32.msk $0xffff, v5  }
0x83: {  	s16 =	sor.u32 s7, s1;
	v61 =	vadd.f32 v23, v19;
	v11 =	vld.idx.msk [tilespmem:v55+s15+$0x0], $0xffff  }
0x84: {  	v8 =	vmax.f32 v8, $0.0e+00;
	v5 =	vand.u32 $0x3FFF, v9;
	v9 =	vadd.f32 v22, v21;
	v62 =	vld [tilespmem:s16+$0x0]  }
0x85: {  	[tilespmem:v10+s25+$0x0] =	vst.idx.add.f32.msk $0xffff, v8;
	v8 =	vmax.f32 v61, $0.0e+00  }
0x86: {  	v63 =	vadd.f32 v59, v20;
	[tilespmem:v2+s24+$0x0] =	vst.idx.add.f32.msk $0xffff, v8;
	v9 =	vmax.f32 v9, $0.0e+00  }
0x87: {  	[tilespmem:v4+s24+$0x0] =	vst.idx.add.f32.msk $0xffff, v9  }
0x88: {  	v7 =	vadd.f32 v60, v7;
	v8 =	vmax.f32 v63, $0.0e+00;
	v9 =	vld.idx.msk [tilespmem:v56+s15+$0x0], $0xffff  }
0x89: {  	s19 =	sor.u32 s19, s1;
	s0 =	simm.s32 $0x4;
	[tilespmem:v5+s24+$0x0] =	vst.idx.add.f32.msk $0xffff, v8;
	v10 =	vadd.f32 v62, v11  }
0x8a: {  	s6 =	sor.u32 s8, s1;
	v7 =	vmax.f32 v7, $0.0e+00;
	s16 =	sor.u32 s13, s1;
	s1 =	simm.s32 $0xA0A0;
	v8 =	vld.idx.msk [tilespmem:v58+s15+$0x0], $0xffff  }
.LBB2_5:
0x8b: {  	v11 =	vld [tilespmem:s1+$0x10];
	s0 =	sadd.s32 $0x4, s0;
	v10 =	vmax.f32 v10, $0.0e+00  }
0x8c: {  	p0 =	slt.u32 s0, $0x1FC;
	[tilespmem:v6+s25+$0x0] =	vst.idx.add.f32.msk $0xffff, v10  }
0x8d: {  	v6 =	vld [tilespmem:s1+$0xFFFFFFF0]  }
0x8e: {  	v10 =	vld [tilespmem:s1+$0x0]  }
0x8f: {  	v12 =	vld [tilespmem:s1+$0xFFFFFFE0]  }
0x90: {  	v13 =	vshrl.u32 v11, $0xE;
	v14 =	vld.idx.msk [tilespmem:v3+s15+$0x0], $0xffff  }
0x91: {  	s31 =	sadd.s32 $0x40, s31;
	v15 =	vld [tilespmem:s6+$0x0]  }
0x92: {  	s8 =	sadd.s32 $0xFFFFFFE0, s31;
	s9 =	sadd.s32 $0xFFFFFFF0, s31;
	s6 =	sadd.s32 $0xFFFFFFD0, s31;
	v16 =	vshrl.u32 v6, $0xE;
	v17 =	vand.u32 $0x3FFF, v6;
	v6 =	vld [tilespmem:s19+$0x0]  }
0x93: {  	s8 =	sand.u32 $0x50, s8;
	s10 =	sand.u32 $0x40, s6;
	s6 =	sand.u32 $0x1F80, s6;
	v3 =	vshrl.u32 v10, $0xE;
	v10 =	vand.u32 $0x3FFF, v10;
	v18 =	vld [tilespmem:s16+$0x0]  }
0x94: {  	s12 =	sand.u32 $0x70, s31;
	s9 =	sand.u32 $0x60, s9;
	s11 =	sor.u32 $0xE000, s6;
	v19 =	vshrl.u32 v12, $0xE;
	v12 =	vand.u32 $0x3FFF, v12;
	[tilespmem:v1+s25+$0x0] =	vst.idx.add.f32.msk $0xffff, v7;
	v1 =	vmovc v5;
	v5 =	vmov v10  }
0x95: {  	s16 =	sor.u32 s10, s11;
	s19 =	sor.u32 s8, s11;
	s13 =	sor.u32 s12, s11;
	v10 =	vld.idx.msk [tilespmem:v13+s3+$0x0], $0xffff  }
0x96: {  	s11 =	sor.u32 s9, s11;
	v20 =	vld [tilespmem:s13+$0x0];
	v7 =	vadd.f32 v15, v8  }
0x97: {  	v8 =	vld.idx.msk [tilespmem:v16+s3+$0x0], $0xffff;
	v9 =	vadd.f32 v6, v9  }
0x98: {  	v15 =	vld.idx.msk [tilespmem:v3+s3+$0x0], $0xffff;
	v21 =	vmax.f32 v7, $0.0e+00;
	v7 =	vadd.f32 v18, v14  }
0x99: {  	v6 =	vand.u32 $0x3FFF, v11;
	v14 =	vld.idx.msk [tilespmem:v19+s3+$0x0], $0xffff;
	v9 =	vmax.f32 v9, $0.0e+00  }
0x9a: {  	v11 =	vld [tilespmem:s16+$0x0];
	v7 =	vmax.f32 v7, $0.0e+00  }
0x9b: {  	v18 =	vld [tilespmem:s19+$0x0];
	v10 =	vadd.f32 v20, v10  }
0x9c: {  	v20 =	vld [tilespmem:s11+$0x0]  }
0x9d: {  	v10 =	vmax.f32 v10, $0.0e+00;
	[tilespmem:v4+s25+$0x0] =	vst.idx.add.f32.msk $0xffff, v21;
	v4 =	vmov v12  }
0x9e: {  	s11 =	sor.u32 $0x10000, s6;
	[tilespmem:v6+s24+$0x0] =	vst.idx.add.f32.msk $0xffff, v10  }
0x9f: {  	s6 =	sor.u32 s10, s11;
	s19 =	sor.u32 s8, s11;
	s8 =	sor.u32 s12, s11;
	v10 =	vadd.f32 v11, v14;
	v11 =	vld.idx.msk [tilespmem:v13+s15+$0x0], $0xffff  }
0xa0: {  	s16 =	sor.u32 s9, s11;
	v8 =	vadd.f32 v18, v8;
	v12 =	vld [tilespmem:s8+$0x0]  }
0xa1: {  	v10 =	vmax.f32 v10, $0.0e+00;
	v13 =	vadd.f32 v20, v15;
	[tilespmem:v2+s25+$0x0] =	vst.idx.add.f32.msk $0xffff, v9;
	v2 =	vmov v17  }
.Ltmp3:
0xa2: {  	[tilespmem:v4+s24+$0x0] =	vst.idx.add.f32.msk $0xffff, v10;
	v8 =	vmax.f32 v8, $0.0e+00;
	(pc) =	sbr.rel @p0 .LBB2_5-.Ltmp3, $4  }
0xa3: {  	[tilespmem:v17+s24+$0x0] =	vst.idx.add.f32.msk $0xffff, v8;
	v8 =	vmax.f32 v13, $0.0e+00  }
0xa4: {  	[tilespmem:v5+s24+$0x0] =	vst.idx.add.f32.msk $0xffff, v8  }
0xa5: {  	v8 =	vld.idx.msk [tilespmem:v19+s15+$0x0], $0xffff;
	v10 =	vadd.f32 v12, v11  }
0xa6: {  	s1 =	sadd.s32 $0x40, s1;
	v9 =	vld.idx.msk [tilespmem:v16+s15+$0x0], $0xffff  }
0xa7: {  	_ =	sdelay $0x3  }
0xa8: {  	v3 =	vld.idx.msk [tilespmem:v3+s15+$0x0], $0xffff  }
0xa9: {  	v11 =	vld [tilespmem:s6+$0x0]  }
0xaa: {  	v12 =	vld [tilespmem:s19+$0x0]  }
0xab: {  	v13 =	vld [tilespmem:s16+$0x0];
	_ =	sdelay $0x2  }
0xac: {  	v10 =	vmax.f32 v10, $0.0e+00;
	s31 =	sshll.u32 s30, $0x1;
	p0 =	seq.s32 s30, $0x13;
	v8 =	vadd.f32 v11, v8  }
0xad: {  	[tilespmem:v6+s25+$0x0] =	vst.idx.add.f32.msk $0xffff, v10;
	s0 =	sadd.s32 @!p0 $0x2, s31;
	v6 =	vadd.f32 v12, v9  }
0xae: {  	[tilespmem:v1+s25+$0x0] =	vst.idx.add.f32.msk $0xffff, v7;
	s1 =	sshll.u32 @!p0 s0, $0xA;
	s0 =	sshll.u32 @!p0 s0, $0xD;
	v3 =	vadd.f32 v13, v3;
	v1 =	vmax.f32 v8, $0.0e+00  }
0xaf: {  	s0 =	sadd.s32 @!p0 s5, s0;
	v6 =	vmax.f32 v6, $0.0e+00;
	[tilespmem:v4+s25+$0x0] =	vst.idx.add.f32.msk $0xffff, v1  }
0xb0: {  	s6 =	simm.s32 @!p0 $0x0;
	s0 =	sshrl.u32 @!p0 s0, $0x3;
	v1 =	vmax.f32 v3, $0.0e+00;
	[tilespmem:v2+s25+$0x0] =	vst.idx.add.f32.msk $0xffff, v6  }
0xb1: {  	s8 =	simm.s32 @!p0 $0xA000;
	s1 =	sadd.s32 @!p0 s2, s1;
	s0 =	sadd.s32 @!p0 s4, s0;
	[tilespmem:v5+s25+$0x0] =	vst.idx.add.f32.msk $0xffff, v1  }
0xb2: {  	[tilespmem:s8], [sflag:$0x1] =	stream.linear.gather @!p0 [hbm4b:s1+s6], $0x2000, $0x38;
	[tilespmem:$0x16000] =	vst v63  }
0xb3: {  	s1 =	simm.s32 @!p0 $0x2000;
	s6 =	simm.s32 @!p0 $0x50000;
	s8 =	simm.s32 @!p0 $0xE000  }
0xb4: {  	[tilespmem:s8], [sflag:$0x3] =	stream.strided.gather @!p0 [hbm4b:s0+s1], $0x4000, s6, s1, $0x38;
	[tilespmem:$0x16000] =	vst v63  }
0xb5: {  	_ =	swait.ge [sflag:s26], $0x2000  }
0xb6: {  	[sflag:s26] =	ssyncset.done $0x0  }
0xb7: {  	[sflag:s26] =	ssyncadd.s32 $0xFFFFE000  }
0xb8: {  	_ =	swait.ge [sflag:s28], $0x4000  }
0xb9: {  	[sflag:s28] =	ssyncset.done $0x0  }
0xba: {  	s12 =	simm.s32 $0xC020;
	[sflag:s28] =	ssyncadd.s32 $0xFFFFC000  }
0xbb: {  	v1 =	vld [tilespmem:s12+$0x10];
	_ =	sdelay $0x2  }
0xbc: {  	v4 =	vld [tilespmem:s12+$0xFFFFFFE0];
	_ =	sdelay $0x1  }
0xbd: {  	s13 =	simm.s32 $0x0;
	v2 =	vld [tilespmem:s12+$0xFFFFFFF0];
	v5 =	vshrl.u32 v1, $0xE  }
0xbe: {  	s16 =	simm.s32 $0x30;
	s19 =	sand.u32 $0x1F80, s13;
	v3 =	vld [tilespmem:s12+$0x0]  }
0xbf: {  	s9 =	sand.u32 $0x70, s16;
	s7 =	sor.u32 $0x12000, s19  }
0xc0: {  	s1 =	sor.u32 s9, s7;
	v8 =	vshrl.u32 v4, $0xE  }
0xc1: {  	v10 =	vld [tilespmem:s1+$0x0]  }
0xc2: {  	s0 =	sand.u32 $0x40, s13;
	s12 =	simm.s32 $0x10;
	v6 =	vshrl.u32 v2, $0xE;
	v9 =	vld.idx.msk [tilespmem:v5+s3+$0x0], $0xffff  }
0xc3: {  	s11 =	sand.u32 $0x50, s12;
	s12 =	sor.u32 s0, s7;
	v7 =	vshrl.u32 v3, $0xE  }
0xc4: {  	v15 =	vld [tilespmem:s12+$0x0]  }
0xc5: {  	s13 =	sor.u32 s11, s7;
	v14 =	vand.u32 $0x3FFF, v1;
	v54 =	vld.idx.msk [tilespmem:v8+s3+$0x0], $0xffff  }
0xc6: {  	s10 =	simm.s32 $0x20;
	v16 =	vld [tilespmem:s13+$0x0]  }
0xc7: {  	s1 =	sand.u32 $0x60, s10;
	v11 =	vld.idx.msk [tilespmem:v6+s3+$0x0], $0xffff;
	v1 =	vadd.f32 v10, v9  }
0xc8: {  	s8 =	sor.u32 s1, s7;
	v4 =	vand.u32 $0x3FFF, v4;
	v53 =	vld.idx.msk [tilespmem:v7+s3+$0x0], $0xffff  }
0xc9: {  	v9 =	vld [tilespmem:s8+$0x0];
	v10 =	vand.u32 $0x3FFF, v2;
	v2 =	vmax.f32 v1, $0.0e+00  }
0xca: {  	s6 =	sor.u32 $0x14000, s19;
	[tilespmem:v14+s24+$0x0] =	vst.idx.add.f32.msk $0xffff, v2;
	v2 =	vadd.f32 v15, v54  }
0xcb: {  	s16 =	sor.u32 s9, s6;
	v1 =	vand.u32 $0x3FFF, v3;
	v3 =	vld.idx.msk [tilespmem:v5+s15+$0x0], $0xffff  }
0xcc: {  	v5 =	vadd.f32 v16, v11;
	v11 =	vld [tilespmem:s16+$0x0];
	v2 =	vmax.f32 v2, $0.0e+00  }
0xcd: {  	s19 =	simm.s32 $0xC060;
	[tilespmem:v4+s24+$0x0] =	vst.idx.add.f32.msk $0xffff, v2  }
0xce: {  	v2 =	vmax.f32 v5, $0.0e+00;
	v5 =	vld [tilespmem:s19+$0x10]  }
0xcf: {  	v9 =	vadd.f32 v9, v53;
	[tilespmem:v10+s24+$0x0] =	vst.idx.add.f32.msk $0xffff, v2  }
0xd0: {  	v8 =	vld.idx.msk [tilespmem:v8+s15+$0x0], $0xffff  }
0xd1: {  	v2 =	vmax.f32 v9, $0.0e+00;
	v9 =	vld [tilespmem:s19+$0xFFFFFFF0]  }
0xd2: {  	[tilespmem:v1+s24+$0x0] =	vst.idx.add.f32.msk $0xffff, v2  }
0xd3: {  	s0 =	sor.u32 s0, s6;
	v55 =	vld.idx.msk [tilespmem:v6+s15+$0x0], $0xffff  }
0xd4: {  	s13 =	sor.u32 s11, s6;
	v6 =	vld [tilespmem:s0+$0x0]  }
0xd5: {  	s7 =	simm.s32 $0x40;
	v58 =	vld [tilespmem:s13+$0x0]  }
0xd6: {  	s10 =	sand.u32 $0x1F80, s7;
	v2 =	vadd.f32 v11, v3;
	v11 =	vld [tilespmem:s19+$0x0]  }
0xd7: {  	s9 =	sor.u32 $0x12000, s10;
	s8 =	sand.u32 $0x40, s7;
	v3 =	vld [tilespmem:s19+$0xFFFFFFE0];
	v56 =	vshrl.u32 v5, $0xE  }
0xd8: {  	s0 =	simm.s32 $0x70;
	s13 =	sor.u32 s8, s9;
	v7 =	vld.idx.msk [tilespmem:v7+s15+$0x0], $0xffff  }
0xd9: {  	s1 =	sor.u32 s1, s6;
	s11 =	sand.u32 $0x70, s0;
	v22 =	vld [tilespmem:s13+$0x0]  }
0xda: {  	v23 =	vld [tilespmem:s1+$0x0];
	s16 =	sor.u32 s11, s9  }
0xdb: {  	s7 =	simm.s32 $0x60;
	s19 =	simm.s32 $0x50;
	v18 =	vld [tilespmem:s16+$0x0];
	v57 =	vshrl.u32 v9, $0xE  }
0xdc: {  	s7 =	sand.u32 $0x60, s7;
	s12 =	sand.u32 $0x50, s19;
	v2 =	vmax.f32 v2, $0.0e+00;
	v17 =	vld.idx.msk [tilespmem:v56+s3+$0x0], $0xffff  }
0xdd: {  	s19 =	sor.u32 s12, s9;
	s9 =	sor.u32 s7, s9;
	[tilespmem:v14+s25+$0x0] =	vst.idx.add.f32.msk $0xffff, v2;
	v8 =	vadd.f32 v6, v8;
	v59 =	vshrl.u32 v3, $0xE  }
0xde: {  	v60 =	vld [tilespmem:s9+$0x0];
	v2 =	vshrl.u32 v11, $0xE  }
0xdf: {  	v6 =	vand.u32 $0x3FFF, v5;
	v5 =	vmax.f32 v8, $0.0e+00;
	v8 =	vld [tilespmem:s19+$0x0]  }
0xe0: {  	v19 =	vld.idx.msk [tilespmem:v57+s3+$0x0], $0xffff  }
0xe1: {  	[tilespmem:v4+s25+$0x0] =	vst.idx.add.f32.msk $0xffff, v5;
	v17 =	vadd.f32 v18, v17  }
0xe2: {  	v21 =	vld.idx.msk [tilespmem:v59+s3+$0x0], $0xffff  }
0xe3: {  	v4 =	vand.u32 $0x3FFF, v9;
	v20 =	vld.idx.msk [tilespmem:v2+s3+$0x0], $0xffff;
	v5 =	vmax.f32 v17, $0.0e+00  }
0xe4: {  	s16 =	sor.u32 $0x14000, s10;
	v9 =	vadd.f32 v58, v55;
	[tilespmem:v6+s24+$0x0] =	vst.idx.add.f32.msk $0xffff, v5  }
0xe5: {  	v3 =	vand.u32 $0x3FFF, v3;
	s19 =	sor.u32 s11, s16;
	v8 =	vadd.f32 v8, v19;
	v61 =	vld.idx.msk [tilespmem:v56+s15+$0x0], $0xffff  }
0xe6: {  	v9 =	vmax.f32 v9, $0.0e+00;
	v5 =	vand.u32 $0x3FFF, v11;
	v62 =	vld [tilespmem:s19+$0x0]  }
0xe7: {  	[tilespmem:v10+s25+$0x0] =	vst.idx.add.f32.msk $0xffff, v9;
	v11 =	vadd.f32 v22, v21;
	v8 =	vmax.f32 v8, $0.0e+00  }
0xe8: {  	v63 =	vadd.f32 v60, v20;
	[tilespmem:v4+s24+$0x0] =	vst.idx.add.f32.msk $0xffff, v8  }
0xe9: {  	v11 =	vmax.f32 v11, $0.0e+00;
	v9 =	vld.idx.msk [tilespmem:v57+s15+$0x0], $0xffff  }
0xea: {  	v7 =	vadd.f32 v23, v7;
	v8 =	vmax.f32 v63, $0.0e+00;
	[tilespmem:v3+s24+$0x0] =	vst.idx.add.f32.msk $0xffff, v11  }
0xeb: {  	s1 =	simm.s32 $0x4;
	s8 =	sor.u32 s8, s16;
	[tilespmem:v5+s24+$0x0] =	vst.idx.add.f32.msk $0xffff, v8;
	v10 =	vadd.f32 v62, v61  }
0xec: {  	s6 =	sor.u32 s12, s16;
	v7 =	vmax.f32 v7, $0.0e+00;
	s19 =	sor.u32 s7, s16;
	s16 =	simm.s32 $0xC0A0;
	v8 =	vld.idx.msk [tilespmem:v59+s15+$0x0], $0xffff  }
.LBB2_7:
0xed: {  	v11 =	vld [tilespmem:s16+$0x10];
	s1 =	sadd.s32 $0x4, s1;
	v10 =	vmax.f32 v10, $0.0e+00  }
0xee: {  	p1 =	slt.u32 s1, $0x1FC;
	[tilespmem:v6+s25+$0x0] =	vst.idx.add.f32.msk $0xffff, v10  }
0xef: {  	v6 =	vld [tilespmem:s16+$0xFFFFFFF0]  }
0xf0: {  	v10 =	vld [tilespmem:s16+$0x0]  }
0xf1: {  	v12 =	vld [tilespmem:s16+$0xFFFFFFE0]  }
0xf2: {  	v13 =	vshrl.u32 v11, $0xE;
	v14 =	vld.idx.msk [tilespmem:v2+s15+$0x0], $0xffff  }
0xf3: {  	s0 =	sadd.s32 $0x40, s0;
	v15 =	vld [tilespmem:s8+$0x0]  }
0xf4: {  	s9 =	sadd.s32 $0xFFFFFFE0, s0;
	s10 =	sadd.s32 $0xFFFFFFF0, s0;
	s8 =	sadd.s32 $0xFFFFFFD0, s0;
	v16 =	vshrl.u32 v6, $0xE;
	v17 =	vand.u32 $0x3FFF, v6;
	v6 =	vld [tilespmem:s6+$0x0]  }
0xf5: {  	s9 =	sand.u32 $0x50, s9;
	s6 =	sand.u32 $0x40, s8;
	s8 =	sand.u32 $0x1F80, s8;
	v2 =	vshrl.u32 v10, $0xE;
	v10 =	vand.u32 $0x3FFF, v10;
	v18 =	vld [tilespmem:s19+$0x0]  }
0xf6: {  	s12 =	sand.u32 $0x70, s0;
	s10 =	sand.u32 $0x60, s10;
	s11 =	sor.u32 $0x12000, s8;
	v19 =	vshrl.u32 v12, $0xE;
	v12 =	vand.u32 $0x3FFF, v12;
	[tilespmem:v1+s25+$0x0] =	vst.idx.add.f32.msk $0xffff, v7;
	v1 =	vmovc v5;
	v5 =	vmov v10  }
0xf7: {  	s13 =	sor.u32 s6, s11;
	s19 =	sor.u32 s9, s11;
	s7 =	sor.u32 s12, s11;
	v10 =	vld.idx.msk [tilespmem:v13+s3+$0x0], $0xffff  }
0xf8: {  	s11 =	sor.u32 s10, s11;
	v20 =	vld [tilespmem:s7+$0x0];
	v7 =	vadd.f32 v15, v8  }
0xf9: {  	v8 =	vld.idx.msk [tilespmem:v16+s3+$0x0], $0xffff;
	v9 =	vadd.f32 v6, v9  }
0xfa: {  	v15 =	vld.idx.msk [tilespmem:v2+s3+$0x0], $0xffff;
	v21 =	vmax.f32 v7, $0.0e+00;
	v7 =	vadd.f32 v18, v14  }
0xfb: {  	v6 =	vand.u32 $0x3FFF, v11;
	v14 =	vld.idx.msk [tilespmem:v19+s3+$0x0], $0xffff;
	v9 =	vmax.f32 v9, $0.0e+00  }
0xfc: {  	v11 =	vld [tilespmem:s13+$0x0];
	v7 =	vmax.f32 v7, $0.0e+00  }
0xfd: {  	v18 =	vld [tilespmem:s19+$0x0];
	v10 =	vadd.f32 v20, v10  }
0xfe: {  	v20 =	vld [tilespmem:s11+$0x0]  }
0xff: {  	v10 =	vmax.f32 v10, $0.0e+00;
	[tilespmem:v3+s25+$0x0] =	vst.idx.add.f32.msk $0xffff, v21;
	v3 =	vmov v12  }
0x100: {  	s7 =	sor.u32 $0x14000, s8;
	[tilespmem:v6+s24+$0x0] =	vst.idx.add.f32.msk $0xffff, v10  }
0x101: {  	s8 =	sor.u32 s6, s7;
	s6 =	sor.u32 s9, s7;
	s9 =	sor.u32 s12, s7;
	v10 =	vadd.f32 v11, v14;
	v11 =	vld.idx.msk [tilespmem:v13+s15+$0x0], $0xffff  }
0x102: {  	s19 =	sor.u32 s10, s7;
	v8 =	vadd.f32 v18, v8;
	v12 =	vld [tilespmem:s9+$0x0]  }
0x103: {  	v10 =	vmax.f32 v10, $0.0e+00;
	v13 =	vadd.f32 v20, v15;
	[tilespmem:v4+s25+$0x0] =	vst.idx.add.f32.msk $0xffff, v9;
	v4 =	vmov v17  }
.Ltmp4:
0x104: {  	[tilespmem:v3+s24+$0x0] =	vst.idx.add.f32.msk $0xffff, v10;
	v8 =	vmax.f32 v8, $0.0e+00;
	(pc) =	sbr.rel @p1 .LBB2_7-.Ltmp4, $4  }
0x105: {  	[tilespmem:v17+s24+$0x0] =	vst.idx.add.f32.msk $0xffff, v8;
	v8 =	vmax.f32 v13, $0.0e+00  }
0x106: {  	[tilespmem:v5+s24+$0x0] =	vst.idx.add.f32.msk $0xffff, v8  }
0x107: {  	v8 =	vld.idx.msk [tilespmem:v19+s15+$0x0], $0xffff;
	v10 =	vadd.f32 v12, v11  }
0x108: {  	s16 =	sadd.s32 $0x40, s16;
	v9 =	vld.idx.msk [tilespmem:v16+s15+$0x0], $0xffff  }
0x109: {  	_ =	sdelay $0x3  }
0x10a: {  	v2 =	vld.idx.msk [tilespmem:v2+s15+$0x0], $0xffff  }
0x10b: {  	v11 =	vld [tilespmem:s8+$0x0]  }
0x10c: {  	v12 =	vld [tilespmem:s6+$0x0]  }
0x10d: {  	v13 =	vld [tilespmem:s19+$0x0];
	_ =	sdelay $0x2  }
0x10e: {  	v8 =	vadd.f32 v11, v8  }
.Ltmp5:
0x10f: {  	v10 =	vmax.f32 v10, $0.0e+00;
	[tilespmem:v1+s25+$0x0] =	vst.idx.add.f32.msk $0xffff, v7;
	v63 =	vadd.f32 v12, v9;
	(pc) =	sbr.rel @p0 .LBB2_10-.Ltmp5, $4  }
0x110: {  	[tilespmem:v6+s25+$0x0] =	vst.idx.add.f32.msk $0xffff, v10;
	v2 =	vadd.f32 v13, v2;
	v1 =	vmax.f32 v8, $0.0e+00  }
0x111: {  	v6 =	vmax.f32 v63, $0.0e+00;
	[tilespmem:v3+s25+$0x0] =	vst.idx.add.f32.msk $0xffff, v1  }
0x112: {  	v1 =	vmax.f32 v2, $0.0e+00;
	[tilespmem:v4+s25+$0x0] =	vst.idx.add.f32.msk $0xffff, v6  }
0x113: {  	[tilespmem:v5+s25+$0x0] =	vst.idx.add.f32.msk $0xffff, v1  }
0x114: {  	s0 =	sadd.s32 $0x3, s31  }
0x115: {  	s1 =	sshll.u32 s0, $0xA;
	s0 =	sshll.u32 s0, $0xD  }
.Ltmp6:
0x116: {  	s1 =	sadd.s32 s2, s1;
	s0 =	sadd.s32 s5, s0;
	(pc) =	sbr.rel .LBB2_4-.Ltmp6, $4  }
0x117: {  	[tilespmem:s20], [sflag:$0x2] =	stream.linear.gather [hbm4b:s1+s3], $0x2000, $0x38;
	[tilespmem:$0x16000] =	vst v63  }
0x118: {  	s0 =	sshrl.u32 s0, $0x3  }
0x119: {  	s30 =	sadd.s32 $0x1, s30;
	s0 =	sadd.s32 s4, s0  }
0x11a: {  	[tilespmem:s21], [sflag:$0x4] =	stream.strided.gather [hbm4b:s0+s17], $0x4000, s18, s17, $0x38;
	[tilespmem:$0x16000] =	vst v63  }
.LBB2_11:
0x11b: {  	_ =	sfence.sel $0x180000  }
0x11c: {  	[bflag:$0x0] =	sbarrier.arrive $0xFFFF  }
0x11d: {  	_ =	strace $0x9000004D  }
0x11e: {  	s0 =	stileid.u32;
	[bflag:$0x2] =	sbarrier.arrive $0xFFFF  }
0x11f: {  	p0 =	sne.s32 s0, $0x0;
	s0 =	rddreg [dreg:$0x2]  }
0x120: {  	s0 =	sadd.s32 @!p0 $0x100000, s0  }
0x121: {  	[sflag:s0] =	ssyncadd.tile.s32 @!p0 $0x1;
	_ =	shalt  }
.Lfunc_end2:
_tile_overlayer_lowered:
.L_overlay_start_2:
0x122: {  	(tag) =	ssettag $0x2  }
0x123: {  	s0 =	rddreg [dreg:$0x0];
	s2 =	stileid.u32  }
0x124: {  	s1 =	rddreg [dreg:$0x1];
	p0 =	sne.s32 s2, $0x0  }
0x125: {  	s3 =	rddreg [dreg:$0x2];
	[bflag:$0x3] =	sbarrier.arrive $0xFFFF;
	s2 =	simm.s32 @!p0 $0x1C05  }
0x126: {  	[timem:s3], [sflag:s2] =	dma.local @!p0 [hbm:s0], s1  }
0x127: {  	s0 =	simm.s32 @!p0 $0x5  }
0x128: {  	_ =	swait.ge @!p0 [sflag:s0], s1  }
0x129: {  	s1 =	ssub.s32 @!p0 $0x0, s1;
	[sflag:s0] =	ssyncset.done @!p0 $0x0  }
0x12a: {  	[sflag:s0] =	ssyncadd.s32 @!p0 s1  }
0x12b: {  	[bflag:$0x3] =	sbarrier.arrive $0xFFFF  }
0x12c: {  	_ =	shalt  }

</sc_bundles>
